<compile_context>
chip_gen: v7x
topology: tpu7x:2x2x1
jax: 0.10.2.dev20260603
libtpu: 0.0.44.dev20260713+nightly
codegen_flags: <defaults>
</compile_context>

<pallas_src>
import functools

import jax
import jax.numpy as jnp
from jax import lax
from jax.experimental import pallas as pl
from jax.experimental.pallas import tpu as pltpu
from jax.experimental.pallas import tpu_sc as plsc

N = 10000
E = 320000
EMB = 128
NEF = 3

NC = 2
NS = 16
NW = NC * NS

SINK = 112
NP = N + SINK
RPS = NP // NS

EP = 327680
EROWS = EP // 128
RPT = EROWS // NS

RB = 1000
EB = 2048


def _sc_agg(t_hbm, m_hbm, src_hbm, dst_hbm, parts_hbm,
            acc_sh, srcb, dstb, gxb, isem, gsem, ssem0, ssem1):
    c = lax.axis_index("c")
    s = lax.axis_index("s")

    def zrow(i, carry):
        for jj in range(8):
            gxb[i, pl.ds(jj * 16, 16)] = jnp.zeros((16,), jnp.float32)
        return carry
    lax.fori_loop(0, 128, zrow, 0)
    nfull = RPS // 128
    def zcopy(i, carry):
        pltpu.sync_copy(gxb.at[pl.ds(0, 128)],
                        acc_sh.at[pl.ds(s * RPS + i * 128, 128)])
        return carry
    lax.fori_loop(0, nfull, zcopy, 0)
    pltpu.sync_copy(gxb.at[pl.ds(0, RPS - nfull * 128)],
                    acc_sh.at[pl.ds(s * RPS + nfull * 128, RPS - nfull * 128)])
    plsc.subcore_barrier()

    base = s * RPT
    nt = RPT // 2
    srcs = (srcb.at[pl.ds(0, 1)], srcb.at[pl.ds(1, 1)])
    dsts = (dstb.at[pl.ds(0, 1)], dstb.at[pl.ds(1, 1)])
    gxs = (gxb.at[pl.ds(0, 128)], gxb.at[pl.ds(128, 128)])

    ssems = (ssem0, ssem1)

    def drain_scatter(k):
        pltpu.make_async_copy(gxs[k], acc_sh.at[pl.ds(0, 128)], ssems[k]).wait()

    @pl.when(c == 0)
    def _():
        pltpu.async_copy(src_hbm.at[pl.ds(base, 1)], srcs[0], isem)
        pltpu.async_copy(dst_hbm.at[pl.ds(base, 1)], dsts[0], isem)

        def block(t, carry):
            r0 = base + 2 * t
            pltpu.make_async_copy(src_hbm.at[pl.ds(r0, 1)], srcs[0], isem).wait()
            pltpu.make_async_copy(dst_hbm.at[pl.ds(r0, 1)], dsts[0], isem).wait()
            i1s = pltpu.async_copy(src_hbm.at[pl.ds(r0 + 1, 1)], srcs[1], isem)
            i1d = pltpu.async_copy(dst_hbm.at[pl.ds(r0 + 1, 1)], dsts[1], isem)

            @pl.when(t > 0)
            def _():
                drain_scatter(0)
            g0 = pltpu.async_copy(t_hbm.at[srcs[0].at[0]], gxs[0], gsem)
            g0.wait()
            pltpu.async_copy(gxs[0], acc_sh.at[dsts[0].at[0]], ssem0, add=True)
            i1s.wait()
            i1d.wait()

            @pl.when(t > 0)
            def _():
                drain_scatter(1)
            g1 = pltpu.async_copy(t_hbm.at[srcs[1].at[0]], gxs[1], gsem)

            @pl.when(t + 1 < nt)
            def _():
                pltpu.async_copy(src_hbm.at[pl.ds(r0 + 2, 1)], srcs[0], isem)
                pltpu.async_copy(dst_hbm.at[pl.ds(r0 + 2, 1)], dsts[0], isem)
            g1.wait()
            pltpu.async_copy(gxs[1], acc_sh.at[dsts[1].at[0]], ssem1, add=True)
            return carry
        lax.fori_loop(0, nt, block, 0)

    @pl.when(c == 1)
    def _():
        pltpu.async_copy(dst_hbm.at[pl.ds(base, 1)], dsts[0], isem)

        def block(t, carry):
            r0 = base + 2 * t
            pltpu.make_async_copy(dst_hbm.at[pl.ds(r0, 1)], dsts[0], isem).wait()
            i1d = pltpu.async_copy(dst_hbm.at[pl.ds(r0 + 1, 1)], dsts[1], isem)

            @pl.when(t > 0)
            def _():
                drain_scatter(0)
            g0 = pltpu.async_copy(m_hbm.at[pl.ds(r0 * 128, 128)], gxs[0], gsem)
            g0.wait()
            pltpu.async_copy(gxs[0], acc_sh.at[dsts[0].at[0]], ssem0, add=True)
            i1d.wait()

            @pl.when(t > 0)
            def _():
                drain_scatter(1)
            g1 = pltpu.async_copy(m_hbm.at[pl.ds((r0 + 1) * 128, 128)], gxs[1], gsem)

            @pl.when(t + 1 < nt)
            def _():
                pltpu.async_copy(dst_hbm.at[pl.ds(r0 + 2, 1)], dsts[0], isem)
            g1.wait()
            pltpu.async_copy(gxs[1], acc_sh.at[dsts[1].at[0]], ssem1, add=True)
            return carry
        lax.fori_loop(0, nt, block, 0)

    drain_scatter(0)
    drain_scatter(1)
    plsc.subcore_barrier()

    def ocopy(i, carry):
        pltpu.sync_copy(acc_sh.at[pl.ds(s * RPS + i * 128, 128)],
                        parts_hbm.at[c, pl.ds(s * RPS + i * 128, 128)])
        return carry
    lax.fori_loop(0, nfull, ocopy, 0)
    pltpu.sync_copy(acc_sh.at[pl.ds(s * RPS + nfull * 128, RPS - nfull * 128)],
                    parts_hbm.at[c, pl.ds(s * RPS + nfull * 128, RPS - nfull * 128)])


def _bdot(a, b):
    return jnp.dot(a.astype(jnp.bfloat16), b.astype(jnp.bfloat16),
                   preferred_element_type=jnp.float32)


def _tc_tab(x_ref, Win_ref, bin_ref, t_ref):
    t_ref[...] = _bdot(x_ref[...], Win_ref[...]) + bin_ref[...]


def _tc_emb(eap_ref, We_ref, be_ref, m_ref):
    m_ref[...] = _bdot(eap_ref[...], We_ref[...]) + be_ref[...]


def _tc_layer(relu_out, parts_ref, t_ref, We_ref, be_ref, W1_ref, b1_ref,
              g_ref, bt_ref, W2_ref, b2_ref, o_ref, z_vm, stats_vm):
    p = pl.program_id(0)
    i = pl.program_id(1)

    @pl.when(p == 0)
    def _():
        col = lax.broadcasted_iota(jnp.int32, (1, NEF), 1)
        srow = jnp.where(col == 1, 1.0, 0.0).astype(jnp.float32)
        embself = _bdot(srow, We_ref[...]) + be_ref[...]
        aggr = jnp.concatenate(
            [parts_ref[0] + t_ref[...], parts_ref[1] + embself], axis=1)
        z = _bdot(aggr, W1_ref[...]) + b1_ref[...]
        z_vm[pl.ds(i * RB, RB), :] = z

        @pl.when(i == 0)
        def _():
            stats_vm[...] = jnp.zeros_like(stats_vm)
        stats_vm[0:1, :] += jnp.sum(z, axis=0, keepdims=True)
        stats_vm[1:2, :] += jnp.sum(z * z, axis=0, keepdims=True)

    @pl.when(p == 1)
    def _():
        mu = stats_vm[0:1, :] / N
        var = stats_vm[1:2, :] / N - mu * mu
        rstd = lax.rsqrt(var + 1e-5)
        zn = (z_vm[pl.ds(i * RB, RB), :] - mu) * rstd * g_ref[...] + bt_ref[...]
        zn = jnp.maximum(zn, 0.0)
        o = _bdot(zn, W2_ref[...]) + b2_ref[...]
        if relu_out:
            o = jnp.maximum(o, 0.0)
        o_ref[...] = o


def _full(shape):
    return pl.BlockSpec(shape, lambda *_: (0,) * len(shape))


@functools.cache
def _sc_kernels():
    mesh = plsc.VectorSubcoreMesh(core_axis_name="c", subcore_axis_name="s")
    agg = pl.kernel(
        _sc_agg,
        out_type=jax.ShapeDtypeStruct((NC, NP, EMB), jnp.float32),
        mesh=mesh,
        compiler_params=pltpu.CompilerParams(use_tc_tiling_on_sc=False),
        scratch_types=[
            pltpu.VMEM_SHARED((NP, EMB), jnp.float32),
            pltpu.VMEM((2, 128), jnp.int32),
            pltpu.VMEM((2, 128), jnp.int32),
            pltpu.VMEM((256, EMB), jnp.float32),
            pltpu.SemaphoreType.DMA,
            pltpu.SemaphoreType.DMA,
            pltpu.SemaphoreType.DMA,
            pltpu.SemaphoreType.DMA,
        ],
    )
    return agg


_GRID = N // RB


def _node_table(x, Win, bin2):
    return pl.pallas_call(
        _tc_tab,
        grid=(_GRID,),
        in_specs=[pl.BlockSpec((RB, NEF), lambda i: (i, 0)),
                  _full((NEF, EMB)), _full((1, EMB))],
        out_specs=pl.BlockSpec((RB, EMB), lambda i: (i, 0)),
        out_shape=jax.ShapeDtypeStruct((N, EMB), jnp.float32),
    )(x, Win, bin2)


def _edge_table(eap, We, bep):
    return pl.pallas_call(
        _tc_emb,
        grid=(EP // EB,),
        in_specs=[pl.BlockSpec((EB, NEF), lambda i: (i, 0)),
                  _full((NEF, EMB)), _full((1, EMB))],
        out_specs=pl.BlockSpec((EB, EMB), lambda i: (i, 0)),
        out_shape=jax.ShapeDtypeStruct((EP, EMB), jnp.float32),
    )(eap, We, bep)


def _dense(parts, t, We, bep, W1, b1, g, bt, W2, b2, relu_out):
    return pl.pallas_call(
        functools.partial(_tc_layer, relu_out),
        grid=(2, _GRID),
        in_specs=[
            pl.BlockSpec((NC, RB, EMB), lambda p, i: (0, i, 0)),
            pl.BlockSpec((RB, EMB), lambda p, i: (i, 0)),
            _full((NEF, EMB)), _full((1, EMB)),
            _full((2 * EMB, 2 * EMB)), _full((1, 2 * EMB)),
            _full((1, 2 * EMB)), _full((1, 2 * EMB)),
            _full((2 * EMB, EMB)), _full((1, EMB)),
        ],
        out_specs=pl.BlockSpec((RB, EMB), lambda p, i: (p * i, 0)),
        out_shape=jax.ShapeDtypeStruct((N, EMB), jnp.float32),
        scratch_shapes=[
            pltpu.VMEM((N, 2 * EMB), jnp.float32),
            pltpu.VMEM((2, 2 * EMB), jnp.float32),
        ],
    )(parts, t, We, bep, W1, b1, g, bt, W2, b2)


def kernel(x, edge_index, edge_attr, Win, bin_, We0, be0, W10, b10, g0, bt0,
           W20, b20, We1, be1, W11, b11, g1, bt1, W21, b21):
    f32 = jnp.float32
    pad = EP - E
    lane = jnp.arange(pad, dtype=jnp.int32) % 16
    src = jnp.concatenate([edge_index[0], lane]).reshape(EROWS, 128)
    dst = jnp.concatenate([edge_index[1], N + lane]).reshape(EROWS, 128)
    eap = jnp.concatenate([edge_attr, jnp.zeros((pad, NEF), f32)], axis=0)

    agg = _sc_kernels()
    t0 = _node_table(x, Win, bin_.reshape(1, EMB))
    m0 = _edge_table(eap, We0, be0.reshape(1, EMB))
    parts0 = agg(t0, m0, src, dst)
    h1 = _dense(parts0, t0, We0, be0.reshape(1, EMB), W10,
                b10.reshape(1, 2 * EMB), g0.reshape(1, 2 * EMB),
                bt0.reshape(1, 2 * EMB), W20, b20.reshape(1, EMB), True)
    m1 = _edge_table(eap, We1, be1.reshape(1, EMB))
    parts1 = agg(h1, m1, src, dst)
    out = _dense(parts1, h1, We1, be1.reshape(1, EMB), W11,
                 b11.reshape(1, 2 * EMB), g1.reshape(1, 2 * EMB),
                 bt1.reshape(1, 2 * EMB), W21, b21.reshape(1, EMB), False)
    return out

# --- scband reference (transcript-rebuilt; emitter-appended) ---
"""Pipeline reference for scband-gnn-31379031065008 (READ-ONLY COPY).

The authoritative reference and input builder live on the scoring server;
editing this copy changes nothing except your own understanding.
"""

import jax, jax.numpy as jnp
import numpy as np

N = 10000
E = 320000
EMB = 128
NEF = 3

def _u(k, shape, fan_in):
    s = 1.0 / np.sqrt(fan_in)
    return jax.random.uniform(k, shape, minval=-s, maxval=s, dtype=jnp.float32)

def setup_inputs(seed: int = 0) -> dict:
    key = jax.random.key(seed)
    ks = jax.random.split(key, 32)
    inp = {}
    inp["x"] = jax.random.normal(ks[0], (N, NEF), dtype=jnp.float32)
    inp["edge_index"] = jax.random.randint(ks[1], (2, E), 0, N, dtype=jnp.int32)
    inp["edge_attr"] = jax.random.uniform(ks[2], (E, NEF), dtype=jnp.float32)
    inp["Win"] = _u(ks[3], (NEF, EMB), NEF)
    inp["bin_"] = _u(ks[4], (EMB,), NEF)
    inp["We0"] = _u(ks[5], (NEF, EMB), NEF)
    inp["be0"] = _u(ks[6], (EMB,), NEF)
    inp["W10"] = _u(ks[7], (2 * EMB, 2 * EMB), 2 * EMB)
    inp["b10"] = _u(ks[8], (2 * EMB,), 2 * EMB)
    inp["g0"] = jnp.ones((2 * EMB,), dtype=jnp.float32)
    inp["bt0"] = jnp.zeros((2 * EMB,), dtype=jnp.float32)
    inp["W20"] = _u(ks[9], (2 * EMB, EMB), 2 * EMB)
    inp["b20"] = _u(ks[10], (EMB,), 2 * EMB)
    inp["We1"] = _u(ks[11], (NEF, EMB), NEF)
    inp["be1"] = _u(ks[12], (EMB,), NEF)
    inp["W11"] = _u(ks[13], (2 * EMB, 2 * EMB), 2 * EMB)
    inp["b11"] = _u(ks[14], (2 * EMB,), 2 * EMB)
    inp["g1"] = jnp.ones((2 * EMB,), dtype=jnp.float32)
    inp["bt1"] = jnp.zeros((2 * EMB,), dtype=jnp.float32)
    inp["W21"] = _u(ks[15], (2 * EMB, EMB), 2 * EMB)
    inp["b21"] = _u(ks[16], (EMB,), 2 * EMB)
    return inp

def _gin_layer(h, ei, ea, We, be, W1, b1, g, bt, W2, b2, Win=None, bi=None):
    n = h.shape[0]
    loops = jnp.arange(n, dtype=ei.dtype)
    ei2 = jnp.concatenate([ei, jnp.stack([loops, loops])], axis=1)
    sl = jnp.zeros((n, NEF), dtype=ea.dtype).at[:, NEF - 2].set(1.0)
    ea2 = jnp.concatenate([ea, sl], axis=0)
    edge_emb = ea2 @ We + be
    if Win is not None:
        h = h @ Win + bi
    msg = jnp.concatenate([h[ei2[0]], edge_emb], axis=1)
    aggr = jax.ops.segment_sum(msg, ei2[1], num_segments=n)
    z = aggr @ W1 + b1
    mu = jnp.mean(z, axis=0)
    var = jnp.var(z, axis=0)
    z = (z - mu) / jnp.sqrt(var + 1e-5) * g + bt
    z = jax.nn.relu(z)
    return z @ W2 + b2

def reference(x, edge_index, edge_attr, Win, bin_, We0, be0, W10, b10, g0, bt0, W20, b20, We1, be1, W11, b11, g1, bt1, W21, b21):
    h = _gin_layer(x, edge_index, edge_attr, We0, be0, W10, b10, g0, bt0, W20, b20, Win, bin_)
    h = jax.nn.relu(h)
    h = _gin_layer(h, edge_index, edge_attr, We1, be1, W11, b11, g1, bt1, W21, b21)
    return h

if __name__ == "__main__":
    import jax
    _d = setup_inputs()
    print(jax.jit(kernel)(*tuple(_d.values())))

</pallas_src>

<mosaic_0001>
#map = affine_map<(d0, d1) -> (0, 0)>
#map1 = affine_map<(d0, d1) -> (0, 0, 0)>
module attributes {stable_mosaic.version = 14 : i64} {
  func.func @_sc_agg(%arg0: i32, %arg1: i32, %arg2: memref<10000x128xf32, #tpu.memory_space<hbm>>, %arg3: memref<327680x128xf32, #tpu.memory_space<hbm>>, %arg4: memref<2560x128xi32, #tpu.memory_space<hbm>>, %arg5: memref<2560x128xi32, #tpu.memory_space<hbm>>, %arg6: memref<2x10112x128xf32, #tpu.memory_space<hbm>>, %arg7: memref<10112x128xf32, #tpu.memory_space<vmem_shared>>, %arg8: memref<2x128xi32, #tpu.memory_space<vmem>>, %arg9: memref<2x128xi32, #tpu.memory_space<vmem>>, %arg10: memref<256x128xf32, #tpu.memory_space<vmem>>, %arg11: memref<!tpu.dma_semaphore, #tpu.memory_space<semaphore_mem>>, %arg12: memref<!tpu.dma_semaphore, #tpu.memory_space<semaphore_mem>>, %arg13: memref<!tpu.dma_semaphore, #tpu.memory_space<semaphore_mem>>, %arg14: memref<!tpu.dma_semaphore, #tpu.memory_space<semaphore_mem>>) attributes {dimension_semantics = [#tpu.dimension_semantics<core_parallel>, #tpu.dimension_semantics<subcore_parallel>], iteration_bounds = array<i64: 2, 16>, scalar_prefetch = 0 : i64, scratch_operands = 8 : i64, tpu.core_type = #tpu.core_type<sc_vector_subcore>, window_params = [{transform_indices = #map}, {transform_indices = #map}, {transform_indices = #map}, {transform_indices = #map}, {transform_indices = #map1}]} {
    %scan3A = arith.constant 0 : i32
    %scan3A_0 = arith.constant 0 : i32
    %scan3A_1 = arith.constant 128 : i32
    %scan3A_2 = arith.addi %scan3A_0, %scan3A_1 : i32
    %scan3A_3 = arith.constant 1 : i32
    scf.for %scan3A_60 = %scan3A_0 to %scan3A_2 step %scan3A_3  : i32 {
      %broadcast_in_dim3A = arith.constant 0.000000e+00 : f32
      %broadcast_in_dim3A_61 = vector.broadcast %broadcast_in_dim3A : f32 to vector<16xf32>
      %swap3A = arith.index_cast %scan3A_60 : i32 to index
      %swap3A_62 = arith.constant 0 : index
      %swap3A_63 = tpu.vector_load %arg10[%swap3A, %swap3A_62] {strides = array<i32>} : memref<256x128xf32, #tpu.memory_space<vmem>>, vector<1x16xf32>,
      %swap3A_64 = vector.shape_cast %swap3A_63 : vector<1x16xf32> to vector<16xf32>
      %swap3A_65 = vector.shape_cast %broadcast_in_dim3A_61 : vector<16xf32> to vector<1x16xf32>
      tpu.vector_store %arg10[%swap3A, %swap3A_62], %swap3A_65 {strides = array<i32>} : memref<256x128xf32, #tpu.memory_space<vmem>>, vector<1x16xf32>,
      %broadcast_in_dim3A_66 = arith.constant 0.000000e+00 : f32
      %broadcast_in_dim3A_67 = vector.broadcast %broadcast_in_dim3A_66 : f32 to vector<16xf32>
      %swap3A_68 = arith.index_cast %scan3A_60 : i32 to index
      %swap3A_69 = arith.constant 16 : index
      %swap3A_70 = tpu.vector_load %arg10[%swap3A_68, %swap3A_69] {strides = array<i32>} : memref<256x128xf32, #tpu.memory_space<vmem>>, vector<1x16xf32>,
      %swap3A_71 = vector.shape_cast %swap3A_70 : vector<1x16xf32> to vector<16xf32>
      %swap3A_72 = vector.shape_cast %broadcast_in_dim3A_67 : vector<16xf32> to vector<1x16xf32>
      tpu.vector_store %arg10[%swap3A_68, %swap3A_69], %swap3A_72 {strides = array<i32>} : memref<256x128xf32, #tpu.memory_space<vmem>>, vector<1x16xf32>,
      %broadcast_in_dim3A_73 = arith.constant 0.000000e+00 : f32
      %broadcast_in_dim3A_74 = vector.broadcast %broadcast_in_dim3A_73 : f32 to vector<16xf32>
      %swap3A_75 = arith.index_cast %scan3A_60 : i32 to index
      %swap3A_76 = arith.constant 32 : index
      %swap3A_77 = tpu.vector_load %arg10[%swap3A_75, %swap3A_76] {strides = array<i32>} : memref<256x128xf32, #tpu.memory_space<vmem>>, vector<1x16xf32>,
      %swap3A_78 = vector.shape_cast %swap3A_77 : vector<1x16xf32> to vector<16xf32>
      %swap3A_79 = vector.shape_cast %broadcast_in_dim3A_74 : vector<16xf32> to vector<1x16xf32>
      tpu.vector_store %arg10[%swap3A_75, %swap3A_76], %swap3A_79 {strides = array<i32>} : memref<256x128xf32, #tpu.memory_space<vmem>>, vector<1x16xf32>,
      %broadcast_in_dim3A_80 = arith.constant 0.000000e+00 : f32
      %broadcast_in_dim3A_81 = vector.broadcast %broadcast_in_dim3A_80 : f32 to vector<16xf32>
      %swap3A_82 = arith.index_cast %scan3A_60 : i32 to index
      %swap3A_83 = arith.constant 48 : index
      %swap3A_84 = tpu.vector_load %arg10[%swap3A_82, %swap3A_83] {strides = array<i32>} : memref<256x128xf32, #tpu.memory_space<vmem>>, vector<1x16xf32>,
      %swap3A_85 = vector.shape_cast %swap3A_84 : vector<1x16xf32> to vector<16xf32>
      %swap3A_86 = vector.shape_cast %broadcast_in_dim3A_81 : vector<16xf32> to vector<1x16xf32>
      tpu.vector_store %arg10[%swap3A_82, %swap3A_83], %swap3A_86 {strides = array<i32>} : memref<256x128xf32, #tpu.memory_space<vmem>>, vector<1x16xf32>,
      %broadcast_in_dim3A_87 = arith.constant 0.000000e+00 : f32
      %broadcast_in_dim3A_88 = vector.broadcast %broadcast_in_dim3A_87 : f32 to vector<16xf32>
      %swap3A_89 = arith.index_cast %scan3A_60 : i32 to index
      %swap3A_90 = arith.constant 64 : index
      %swap3A_91 = tpu.vector_load %arg10[%swap3A_89, %swap3A_90] {strides = array<i32>} : memref<256x128xf32, #tpu.memory_space<vmem>>, vector<1x16xf32>,
      %swap3A_92 = vector.shape_cast %swap3A_91 : vector<1x16xf32> to vector<16xf32>
      %swap3A_93 = vector.shape_cast %broadcast_in_dim3A_88 : vector<16xf32> to vector<1x16xf32>
      tpu.vector_store %arg10[%swap3A_89, %swap3A_90], %swap3A_93 {strides = array<i32>} : memref<256x128xf32, #tpu.memory_space<vmem>>, vector<1x16xf32>,
      %broadcast_in_dim3A_94 = arith.constant 0.000000e+00 : f32
      %broadcast_in_dim3A_95 = vector.broadcast %broadcast_in_dim3A_94 : f32 to vector<16xf32>
      %swap3A_96 = arith.index_cast %scan3A_60 : i32 to index
      %swap3A_97 = arith.constant 80 : index
      %swap3A_98 = tpu.vector_load %arg10[%swap3A_96, %swap3A_97] {strides = array<i32>} : memref<256x128xf32, #tpu.memory_space<vmem>>, vector<1x16xf32>,
      %swap3A_99 = vector.shape_cast %swap3A_98 : vector<1x16xf32> to vector<16xf32>
      %swap3A_100 = vector.shape_cast %broadcast_in_dim3A_95 : vector<16xf32> to vector<1x16xf32>
      tpu.vector_store %arg10[%swap3A_96, %swap3A_97], %swap3A_100 {strides = array<i32>} : memref<256x128xf32, #tpu.memory_space<vmem>>, vector<1x16xf32>,
      %broadcast_in_dim3A_101 = arith.constant 0.000000e+00 : f32
      %broadcast_in_dim3A_102 = vector.broadcast %broadcast_in_dim3A_101 : f32 to vector<16xf32>
      %swap3A_103 = arith.index_cast %scan3A_60 : i32 to index
      %swap3A_104 = arith.constant 96 : index
      %swap3A_105 = tpu.vector_load %arg10[%swap3A_103, %swap3A_104] {strides = array<i32>} : memref<256x128xf32, #tpu.memory_space<vmem>>, vector<1x16xf32>,
      %swap3A_106 = vector.shape_cast %swap3A_105 : vector<1x16xf32> to vector<16xf32>
      %swap3A_107 = vector.shape_cast %broadcast_in_dim3A_102 : vector<16xf32> to vector<1x16xf32>
      tpu.vector_store %arg10[%swap3A_103, %swap3A_104], %swap3A_107 {strides = array<i32>} : memref<256x128xf32, #tpu.memory_space<vmem>>, vector<1x16xf32>,
      %broadcast_in_dim3A_108 = arith.constant 0.000000e+00 : f32
      %broadcast_in_dim3A_109 = vector.broadcast %broadcast_in_dim3A_108 : f32 to vector<16xf32>
      %swap3A_110 = arith.index_cast %scan3A_60 : i32 to index
      %swap3A_111 = arith.constant 112 : index
      %swap3A_112 = tpu.vector_load %arg10[%swap3A_110, %swap3A_111] {strides = array<i32>} : memref<256x128xf32, #tpu.memory_space<vmem>>, vector<1x16xf32>,
      %swap3A_113 = vector.shape_cast %swap3A_112 : vector<1x16xf32> to vector<16xf32>
      %swap3A_114 = vector.shape_cast %broadcast_in_dim3A_109 : vector<16xf32> to vector<1x16xf32>
      tpu.vector_store %arg10[%swap3A_110, %swap3A_111], %swap3A_114 {strides = array<i32>} : memref<256x128xf32, #tpu.memory_space<vmem>>, vector<1x16xf32>,
    }
    %scan3A_4 = arith.constant 128 : i32
    %scan3A_5 = arith.constant 0 : i32
    %scan3A_6 = arith.constant 0 : i32
    %scan3A_7 = arith.constant 4 : i32
    %scan3A_8 = arith.addi %scan3A_6, %scan3A_7 : i32
    %scan3A_9 = arith.constant 1 : i32
    scf.for %scan3A_60 = %scan3A_6 to %scan3A_8 step %scan3A_9  : i32 {
      %mul3A_61 = arith.constant 632 : i32
      %mul3A_62 = arith.muli %arg1, %mul3A_61 : i32
      %mul3A_63 = arith.constant 128 : i32
      %mul3A_64 = arith.muli %scan3A_60, %mul3A_63 : i32
      %add3A_65 = arith.addi %mul3A_62, %mul3A_64 : i32
      "tpu.region"() ({
        %run_scoped3A = tpu.sem_alloc : memref<!tpu.dma_semaphore, #tpu.memory_space<semaphore_mem>>
        %dma_start3A = arith.constant 0 : i32
        %dma_start3A_66 = arith.constant 0 : i32
        %dma_start3A_67 = tpu.memref_slice %arg10[%dma_start3A, %dma_start3A_66] : memref<256x128xf32, #tpu.memory_space<vmem>> -> memref<128x128xf32, #tpu.memory_space<vmem>>
        %dma_start3A_68 = arith.constant 0 : i32
        %dma_start3A_69 = tpu.memref_slice %arg7[%add3A_65, %dma_start3A_68] : memref<10112x128xf32, #tpu.memory_space<vmem_shared>> -> memref<128x128xf32, #tpu.memory_space<vmem_shared>>
        %dma_start3A_70 = arith.constant 0 : i32
        %dma_start3A_71 = tpu.memref_slice %arg7[%add3A_65, %dma_start3A_70] : memref<10112x128xf32, #tpu.memory_space<vmem_shared>> -> memref<128x128xf32, #tpu.memory_space<vmem_shared>>
        %dma_start3A_72 = arith.constant 0 : i32
        %dma_start3A_73 = arith.constant 0 : i32
        %dma_start3A_74 = tpu.memref_slice %arg10[%dma_start3A_72, %dma_start3A_73] : memref<256x128xf32, #tpu.memory_space<vmem>> -> memref<128x128xf32, #tpu.memory_space<vmem>>
        tpu.enqueue_dma source(%dma_start3A_74 : memref<128x128xf32, #tpu.memory_space<vmem>>) target(%dma_start3A_71 : memref<128x128xf32, #tpu.memory_space<vmem_shared>>) target_semaphore(%run_scoped3A : memref<!tpu.dma_semaphore, #tpu.memory_space<semaphore_mem>>)
        %dma_wait3A_75 = arith.constant 0 : i32
        %dma_wait3A_76 = arith.constant 0 : i32
        %dma_wait3A_77 = tpu.memref_slice %arg10[%dma_wait3A_75, %dma_wait3A_76] : memref<256x128xf32, #tpu.memory_space<vmem>> -> memref<128x128xf32, #tpu.memory_space<vmem>>
        %dma_wait3A_78 = arith.constant 0 : i32
        %dma_wait3A_79 = tpu.memref_slice %arg7[%add3A_65, %dma_wait3A_78] : memref<10112x128xf32, #tpu.memory_space<vmem_shared>> -> memref<128x128xf32, #tpu.memory_space<vmem_shared>>
        %dma_wait3A_80 = arith.constant 0 : i32
        %dma_wait3A_81 = tpu.memref_slice %arg7[%add3A_65, %dma_wait3A_80] : memref<10112x128xf32, #tpu.memory_space<vmem_shared>> -> memref<128x128xf32, #tpu.memory_space<vmem_shared>>
        %dma_wait3A_82 = arith.constant 0 : i32
        %dma_wait3A_83 = arith.constant 0 : i32
        %dma_wait3A_84 = tpu.memref_slice %arg10[%dma_wait3A_82, %dma_wait3A_83] : memref<256x128xf32, #tpu.memory_space<vmem>> -> memref<128x128xf32, #tpu.memory_space<vmem>>
        tpu.wait_dma2 semaphore(%run_scoped3A : memref<!tpu.dma_semaphore, #tpu.memory_space<semaphore_mem>>) src(%dma_wait3A_84 : memref<128x128xf32, #tpu.memory_space<vmem>>) dst(%dma_wait3A_81 : memref<128x128xf32, #tpu.memory_space<vmem_shared>>)
        tpu.yield
      }) : () -> ()
    }
    %scan3A_10 = arith.constant 4 : i32
    %mul3A = arith.constant 632 : i32
    %mul3A_11 = arith.muli %arg1, %mul3A : i32
    %add3A = arith.constant 512 : i32
    %add3A_12 = arith.addi %mul3A_11, %add3A : i32
    "tpu.region"() ({
      %run_scoped3A = tpu.sem_alloc : memref<!tpu.dma_semaphore, #tpu.memory_space<semaphore_mem>>
      %dma_start3A = arith.constant 0 : i32
      %dma_start3A_60 = arith.constant 0 : i32
      %dma_start3A_61 = tpu.memref_slice %arg10[%dma_start3A, %dma_start3A_60] : memref<256x128xf32, #tpu.memory_space<vmem>> -> memref<120x128xf32, #tpu.memory_space<vmem>>
      %dma_start3A_62 = arith.constant 0 : i32
      %dma_start3A_63 = tpu.memref_slice %arg7[%add3A_12, %dma_start3A_62] : memref<10112x128xf32, #tpu.memory_space<vmem_shared>> -> memref<120x128xf32, #tpu.memory_space<vmem_shared>>
      %dma_start3A_64 = arith.constant 0 : i32
      %dma_start3A_65 = tpu.memref_slice %arg7[%add3A_12, %dma_start3A_64] : memref<10112x128xf32, #tpu.memory_space<vmem_shared>> -> memref<120x128xf32, #tpu.memory_space<vmem_shared>>
      %dma_start3A_66 = arith.constant 0 : i32
      %dma_start3A_67 = arith.constant 0 : i32
      %dma_start3A_68 = tpu.memref_slice %arg10[%dma_start3A_66, %dma_start3A_67] : memref<256x128xf32, #tpu.memory_space<vmem>> -> memref<120x128xf32, #tpu.memory_space<vmem>>
      tpu.enqueue_dma source(%dma_start3A_68 : memref<120x128xf32, #tpu.memory_space<vmem>>) target(%dma_start3A_65 : memref<120x128xf32, #tpu.memory_space<vmem_shared>>) target_semaphore(%run_scoped3A : memref<!tpu.dma_semaphore, #tpu.memory_space<semaphore_mem>>)
      %dma_wait3A_69 = arith.constant 0 : i32
      %dma_wait3A_70 = arith.constant 0 : i32
      %dma_wait3A_71 = tpu.memref_slice %arg10[%dma_wait3A_69, %dma_wait3A_70] : memref<256x128xf32, #tpu.memory_space<vmem>> -> memref<120x128xf32, #tpu.memory_space<vmem>>
      %dma_wait3A_72 = arith.constant 0 : i32
      %dma_wait3A_73 = tpu.memref_slice %arg7[%add3A_12, %dma_wait3A_72] : memref<10112x128xf32, #tpu.memory_space<vmem_shared>> -> memref<120x128xf32, #tpu.memory_space<vmem_shared>>
      %dma_wait3A_74 = arith.constant 0 : i32
      %dma_wait3A_75 = tpu.memref_slice %arg7[%add3A_12, %dma_wait3A_74] : memref<10112x128xf32, #tpu.memory_space<vmem_shared>> -> memref<120x128xf32, #tpu.memory_space<vmem_shared>>
      %dma_wait3A_76 = arith.constant 0 : i32
      %dma_wait3A_77 = arith.constant 0 : i32
      %dma_wait3A_78 = tpu.memref_slice %arg10[%dma_wait3A_76, %dma_wait3A_77] : memref<256x128xf32, #tpu.memory_space<vmem>> -> memref<120x128xf32, #tpu.memory_space<vmem>>
      tpu.wait_dma2 semaphore(%run_scoped3A : memref<!tpu.dma_semaphore, #tpu.memory_space<semaphore_mem>>) src(%dma_wait3A_78 : memref<120x128xf32, #tpu.memory_space<vmem>>) dst(%dma_wait3A_75 : memref<120x128xf32, #tpu.memory_space<vmem_shared>>)
      tpu.yield
    }) : () -> ()
    %barrier3A = arith.constant 0 : index
    tpu.barrier barrier_id(%barrier3A)
    %mul3A_13 = arith.constant 160 : i32
    %mul3A_14 = arith.muli %arg1, %mul3A_13 : i32
    %eq3A = arith.constant 0 : i32
    %eq3A_15 = arith.cmpi eq, %arg0, %eq3A : i32
    %convert_element_type3A = arith.extui %eq3A_15 : i1 to i32
    %cond3A = arith.constant 0 : i32
    %cond3A_16 = arith.cmpi ne, %convert_element_type3A, %cond3A : i32
    scf.if %cond3A_16 {
      %dma_start3A = arith.constant 0 : i32
      %dma_start3A_60 = arith.constant 0 : i32
      %dma_start3A_61 = tpu.memref_slice %arg8[%dma_start3A, %dma_start3A_60] : memref<2x128xi32, #tpu.memory_space<vmem>> -> memref<1x128xi32, #tpu.memory_space<vmem>>
      %dma_start3A_62 = arith.constant 0 : i32
      %dma_start3A_63 = tpu.memref_slice %arg4[%mul3A_14, %dma_start3A_62] : memref<2560x128xi32, #tpu.memory_space<hbm>> -> memref<1x128xi32, #tpu.memory_space<hbm>>
      %dma_start3A_64 = arith.constant 0 : i32
      %dma_start3A_65 = arith.constant 0 : i32
      %dma_start3A_66 = tpu.memref_slice %arg8[%dma_start3A_64, %dma_start3A_65] : memref<2x128xi32, #tpu.memory_space<vmem>> -> memref<1x128xi32, #tpu.memory_space<vmem>>
      %dma_start3A_67 = arith.constant 0 : i32
      %dma_start3A_68 = tpu.memref_slice %arg4[%mul3A_14, %dma_start3A_67] : memref<2560x128xi32, #tpu.memory_space<hbm>> -> memref<1x128xi32, #tpu.memory_space<hbm>>
      tpu.enqueue_dma source(%dma_start3A_68 : memref<1x128xi32, #tpu.memory_space<hbm>>) target(%dma_start3A_66 : memref<1x128xi32, #tpu.memory_space<vmem>>) target_semaphore(%arg11 : memref<!tpu.dma_semaphore, #tpu.memory_space<semaphore_mem>>)
      %dma_start3A_69 = arith.constant 0 : i32
      %dma_start3A_70 = arith.constant 0 : i32
      %dma_start3A_71 = tpu.memref_slice %arg9[%dma_start3A_69, %dma_start3A_70] : memref<2x128xi32, #tpu.memory_space<vmem>> -> memref<1x128xi32, #tpu.memory_space<vmem>>
      %dma_start3A_72 = arith.constant 0 : i32
      %dma_start3A_73 = tpu.memref_slice %arg5[%mul3A_14, %dma_start3A_72] : memref<2560x128xi32, #tpu.memory_space<hbm>> -> memref<1x128xi32, #tpu.memory_space<hbm>>
      %dma_start3A_74 = arith.constant 0 : i32
      %dma_start3A_75 = arith.constant 0 : i32
      %dma_start3A_76 = tpu.memref_slice %arg9[%dma_start3A_74, %dma_start3A_75] : memref<2x128xi32, #tpu.memory_space<vmem>> -> memref<1x128xi32, #tpu.memory_space<vmem>>
      %dma_start3A_77 = arith.constant 0 : i32
      %dma_start3A_78 = tpu.memref_slice %arg5[%mul3A_14, %dma_start3A_77] : memref<2560x128xi32, #tpu.memory_space<hbm>> -> memref<1x128xi32, #tpu.memory_space<hbm>>
      tpu.enqueue_dma source(%dma_start3A_78 : memref<1x128xi32, #tpu.memory_space<hbm>>) target(%dma_start3A_76 : memref<1x128xi32, #tpu.memory_space<vmem>>) target_semaphore(%arg11 : memref<!tpu.dma_semaphore, #tpu.memory_space<semaphore_mem>>)
      %scan3A_79 = arith.constant 0 : i32
      %scan3A_80 = arith.constant 0 : i32
      %scan3A_81 = arith.constant 80 : i32
      %scan3A_82 = arith.addi %scan3A_80, %scan3A_81 : i32
      %scan3A_83 = arith.constant 1 : i32
      scf.for %scan3A_85 = %scan3A_80 to %scan3A_82 step %scan3A_83  : i32 {
        %mul3A_86 = arith.constant 2 : i32
        %mul3A_87 = arith.muli %mul3A_86, %scan3A_85 : i32
        %add3A_88 = arith.addi %mul3A_14, %mul3A_87 : i32
        %dma_wait3A_89 = arith.constant 0 : i32
        %dma_wait3A_90 = arith.constant 0 : i32
        %dma_wait3A_91 = tpu.memref_slice %arg8[%dma_wait3A_89, %dma_wait3A_90] : memref<2x128xi32, #tpu.memory_space<vmem>> -> memref<1x128xi32, #tpu.memory_space<vmem>>
        %dma_wait3A_92 = arith.constant 0 : i32
        %dma_wait3A_93 = tpu.memref_slice %arg4[%add3A_88, %dma_wait3A_92] : memref<2560x128xi32, #tpu.memory_space<hbm>> -> memref<1x128xi32, #tpu.memory_space<hbm>>
        %dma_wait3A_94 = arith.constant 0 : i32
        %dma_wait3A_95 = arith.constant 0 : i32
        %dma_wait3A_96 = tpu.memref_slice %arg8[%dma_wait3A_94, %dma_wait3A_95] : memref<2x128xi32, #tpu.memory_space<vmem>> -> memref<1x128xi32, #tpu.memory_space<vmem>>
        %dma_wait3A_97 = arith.constant 0 : i32
        %dma_wait3A_98 = tpu.memref_slice %arg4[%add3A_88, %dma_wait3A_97] : memref<2560x128xi32, #tpu.memory_space<hbm>> -> memref<1x128xi32, #tpu.memory_space<hbm>>
        tpu.wait_dma2 semaphore(%arg11 : memref<!tpu.dma_semaphore, #tpu.memory_space<semaphore_mem>>) src(%dma_wait3A_98 : memref<1x128xi32, #tpu.memory_space<hbm>>) dst(%dma_wait3A_96 : memref<1x128xi32, #tpu.memory_space<vmem>>)
        %dma_wait3A_99 = arith.constant 0 : i32
        %dma_wait3A_100 = arith.constant 0 : i32
        %dma_wait3A_101 = tpu.memref_slice %arg9[%dma_wait3A_99, %dma_wait3A_100] : memref<2x128xi32, #tpu.memory_space<vmem>> -> memref<1x128xi32, #tpu.memory_space<vmem>>
        %dma_wait3A_102 = arith.constant 0 : i32
        %dma_wait3A_103 = tpu.memref_slice %arg5[%add3A_88, %dma_wait3A_102] : memref<2560x128xi32, #tpu.memory_space<hbm>> -> memref<1x128xi32, #tpu.memory_space<hbm>>
        %dma_wait3A_104 = arith.constant 0 : i32
        %dma_wait3A_105 = arith.constant 0 : i32
        %dma_wait3A_106 = tpu.memref_slice %arg9[%dma_wait3A_104, %dma_wait3A_105] : memref<2x128xi32, #tpu.memory_space<vmem>> -> memref<1x128xi32, #tpu.memory_space<vmem>>
        %dma_wait3A_107 = arith.constant 0 : i32
        %dma_wait3A_108 = tpu.memref_slice %arg5[%add3A_88, %dma_wait3A_107] : memref<2560x128xi32, #tpu.memory_space<hbm>> -> memref<1x128xi32, #tpu.memory_space<hbm>>
        tpu.wait_dma2 semaphore(%arg11 : memref<!tpu.dma_semaphore, #tpu.memory_space<semaphore_mem>>) src(%dma_wait3A_108 : memref<1x128xi32, #tpu.memory_space<hbm>>) dst(%dma_wait3A_106 : memref<1x128xi32, #tpu.memory_space<vmem>>)
        %add3A_109 = arith.constant 1 : i32
        %add3A_110 = arith.addi %add3A_88, %add3A_109 : i32
        %dma_start3A_111 = arith.constant 1 : i32
        %dma_start3A_112 = arith.constant 0 : i32
        %dma_start3A_113 = tpu.memref_slice %arg8[%dma_start3A_111, %dma_start3A_112] : memref<2x128xi32, #tpu.memory_space<vmem>> -> memref<1x128xi32, #tpu.memory_space<vmem>>
        %dma_start3A_114 = arith.constant 0 : i32
        %dma_start3A_115 = tpu.memref_slice %arg4[%add3A_110, %dma_start3A_114] : memref<2560x128xi32, #tpu.memory_space<hbm>> -> memref<1x128xi32, #tpu.memory_space<hbm>>
        %dma_start3A_116 = arith.constant 1 : i32
        %dma_start3A_117 = arith.constant 0 : i32
        %dma_start3A_118 = tpu.memref_slice %arg8[%dma_start3A_116, %dma_start3A_117] : memref<2x128xi32, #tpu.memory_space<vmem>> -> memref<1x128xi32, #tpu.memory_space<vmem>>
        %dma_start3A_119 = arith.constant 0 : i32
        %dma_start3A_120 = tpu.memref_slice %arg4[%add3A_110, %dma_start3A_119] : memref<2560x128xi32, #tpu.memory_space<hbm>> -> memref<1x128xi32, #tpu.memory_space<hbm>>
        tpu.enqueue_dma source(%dma_start3A_120 : memref<1x128xi32, #tpu.memory_space<hbm>>) target(%dma_start3A_118 : memref<1x128xi32, #tpu.memory_space<vmem>>) target_semaphore(%arg11 : memref<!tpu.dma_semaphore, #tpu.memory_space<semaphore_mem>>)
        %add3A_121 = arith.constant 1 : i32
        %add3A_122 = arith.addi %add3A_88, %add3A_121 : i32
        %dma_start3A_123 = arith.constant 1 : i32
        %dma_start3A_124 = arith.constant 0 : i32
        %dma_start3A_125 = tpu.memref_slice %arg9[%dma_start3A_123, %dma_start3A_124] : memref<2x128xi32, #tpu.memory_space<vmem>> -> memref<1x128xi32, #tpu.memory_space<vmem>>
        %dma_start3A_126 = arith.constant 0 : i32
        %dma_start3A_127 = tpu.memref_slice %arg5[%add3A_122, %dma_start3A_126] : memref<2560x128xi32, #tpu.memory_space<hbm>> -> memref<1x128xi32, #tpu.memory_space<hbm>>
        %dma_start3A_128 = arith.constant 1 : i32
        %dma_start3A_129 = arith.constant 0 : i32
        %dma_start3A_130 = tpu.memref_slice %arg9[%dma_start3A_128, %dma_start3A_129] : memref<2x128xi32, #tpu.memory_space<vmem>> -> memref<1x128xi32, #tpu.memory_space<vmem>>
        %dma_start3A_131 = arith.constant 0 : i32
        %dma_start3A_132 = tpu.memref_slice %arg5[%add3A_122, %dma_start3A_131] : memref<2560x128xi32, #tpu.memory_space<hbm>> -> memref<1x128xi32, #tpu.memory_space<hbm>>
        tpu.enqueue_dma source(%dma_start3A_132 : memref<1x128xi32, #tpu.memory_space<hbm>>) target(%dma_start3A_130 : memref<1x128xi32, #tpu.memory_space<vmem>>) target_semaphore(%arg11 : memref<!tpu.dma_semaphore, #tpu.memory_space<semaphore_mem>>)
        %gt3A = arith.constant 0 : i32
        %gt3A_133 = arith.cmpi sgt, %scan3A_85, %gt3A : i32
        %convert_element_type3A_134 = arith.extui %gt3A_133 : i1 to i32
        %cond3A_135 = arith.constant 0 : i32
        %cond3A_136 = arith.cmpi ne, %convert_element_type3A_134, %cond3A_135 : i32
        scf.if %cond3A_136 {
          %dma_wait3A_246 = arith.constant 0 : i32
          %dma_wait3A_247 = arith.constant 0 : i32
          %dma_wait3A_248 = tpu.memref_slice %arg10[%dma_wait3A_246, %dma_wait3A_247] : memref<256x128xf32, #tpu.memory_space<vmem>> -> memref<128x128xf32, #tpu.memory_space<vmem>>
          %dma_wait3A_249 = arith.constant 0 : i32
          %dma_wait3A_250 = arith.constant 0 : i32
          %dma_wait3A_251 = tpu.memref_slice %arg7[%dma_wait3A_249, %dma_wait3A_250] : memref<10112x128xf32, #tpu.memory_space<vmem_shared>> -> memref<128x128xf32, #tpu.memory_space<vmem_shared>>
          %dma_wait3A_252 = arith.constant 0 : i32
          %dma_wait3A_253 = arith.constant 0 : i32
          %dma_wait3A_254 = tpu.memref_slice %arg7[%dma_wait3A_252, %dma_wait3A_253] : memref<10112x128xf32, #tpu.memory_space<vmem_shared>> -> memref<128x128xf32, #tpu.memory_space<vmem_shared>>
          %dma_wait3A_255 = arith.constant 0 : i32
          %dma_wait3A_256 = arith.constant 0 : i32
          %dma_wait3A_257 = tpu.memref_slice %arg10[%dma_wait3A_255, %dma_wait3A_256] : memref<256x128xf32, #tpu.memory_space<vmem>> -> memref<128x128xf32, #tpu.memory_space<vmem>>
          tpu.wait_dma2 semaphore(%arg13 : memref<!tpu.dma_semaphore, #tpu.memory_space<semaphore_mem>>) src(%dma_wait3A_257 : memref<128x128xf32, #tpu.memory_space<vmem>>) dst(%dma_wait3A_254 : memref<128x128xf32, #tpu.memory_space<vmem_shared>>)
        } else {
        }
        %dma_start3A_137 = arith.constant 0 : i32
        %dma_start3A_138 = arith.constant 0 : i32
        %dma_start3A_139 = arith.constant 0 : i32
        %dma_start3A_140 = tpu.memref_slice %arg10[%dma_start3A_138, %dma_start3A_139] : memref<256x128xf32, #tpu.memory_space<vmem>> -> memref<128x128xf32, #tpu.memory_space<vmem>>
        %dma_start3A_141 = arith.constant 0 : i32
        %dma_start3A_142 = arith.constant 0 : i32
        %dma_start3A_143 = tpu.memref_slice %arg8[%dma_start3A_141, %dma_start3A_142] : memref<2x128xi32, #tpu.memory_space<vmem>> -> memref<1x128xi32, #tpu.memory_space<vmem>>
        %dma_start3A_144 = arith.constant 0 : i32
        %dma_start3A_145 = tpu.memref_slice %dma_start3A_143[%dma_start3A_137, %dma_start3A_144] : memref<1x128xi32, #tpu.memory_space<vmem>> -> memref<1x128xi32, #tpu.memory_space<vmem>>
        %dma_start3A_146 = tpu.memref_squeeze %dma_start3A_145 : memref<1x128xi32, #tpu.memory_space<vmem>> -> memref<128xi32, #tpu.memory_space<vmem>>
        %dma_start3A_147 = arith.constant 0 : i32
        %dma_start3A_148 = arith.constant 0 : i32
        %dma_start3A_149 = tpu.memref_slice %arg2[%dma_start3A_147, %dma_start3A_148] : memref<10000x128xf32, #tpu.memory_space<hbm>> -> memref<10000x128xf32, #tpu.memory_space<hbm>>
        tpu.enqueue_indirect_dma source(%dma_start3A_149 : memref<10000x128xf32, #tpu.memory_space<hbm>>) target(%dma_start3A_140 : memref<128x128xf32, #tpu.memory_space<vmem>>) offsets(%dma_start3A_146 : memref<128xi32, #tpu.memory_space<vmem>>) semaphore(%arg12 : memref<!tpu.dma_semaphore, #tpu.memory_space<semaphore_mem>>)
        %dma_wait3A_150 = arith.constant 0 : i32
        %dma_wait3A_151 = arith.constant 0 : i32
        %dma_wait3A_152 = arith.constant 0 : i32
        %dma_wait3A_153 = tpu.memref_slice %arg10[%dma_wait3A_151, %dma_wait3A_152] : memref<256x128xf32, #tpu.memory_space<vmem>> -> memref<128x128xf32, #tpu.memory_space<vmem>>
        %dma_wait3A_154 = arith.constant 0 : i32
        %dma_wait3A_155 = arith.constant 0 : i32
        %dma_wait3A_156 = tpu.memref_slice %arg8[%dma_wait3A_154, %dma_wait3A_155] : memref<2x128xi32, #tpu.memory_space<vmem>> -> memref<1x128xi32, #tpu.memory_space<vmem>>
        %dma_wait3A_157 = arith.constant 0 : i32
        %dma_wait3A_158 = tpu.memref_slice %dma_wait3A_156[%dma_wait3A_150, %dma_wait3A_157] : memref<1x128xi32, #tpu.memory_space<vmem>> -> memref<1x128xi32, #tpu.memory_space<vmem>>
        %dma_wait3A_159 = tpu.memref_squeeze %dma_wait3A_158 : memref<1x128xi32, #tpu.memory_space<vmem>> -> memref<128xi32, #tpu.memory_space<vmem>>
        %dma_wait3A_160 = arith.constant 0 : i32
        %dma_wait3A_161 = arith.constant 0 : i32
        %dma_wait3A_162 = tpu.memref_slice %arg2[%dma_wait3A_160, %dma_wait3A_161] : memref<10000x128xf32, #tpu.memory_space<hbm>> -> memref<10000x128xf32, #tpu.memory_space<hbm>>
        tpu.wait_indirect_dma semaphore(%arg12 : memref<!tpu.dma_semaphore, #tpu.memory_space<semaphore_mem>>) src(%dma_wait3A_162 : memref<10000x128xf32, #tpu.memory_space<hbm>>) dst(%dma_wait3A_153 : memref<128x128xf32, #tpu.memory_space<vmem>>)
        %dma_start3A_163 = arith.constant 0 : i32
        %dma_start3A_164 = arith.constant 0 : i32
        %dma_start3A_165 = arith.constant 0 : i32
        %dma_start3A_166 = tpu.memref_slice %arg10[%dma_start3A_164, %dma_start3A_165] : memref<256x128xf32, #tpu.memory_space<vmem>> -> memref<128x128xf32, #tpu.memory_space<vmem>>
        %dma_start3A_167 = arith.constant 0 : i32
        %dma_start3A_168 = arith.constant 0 : i32
        %dma_start3A_169 = tpu.memref_slice %arg9[%dma_start3A_167, %dma_start3A_168] : memref<2x128xi32, #tpu.memory_space<vmem>> -> memref<1x128xi32, #tpu.memory_space<vmem>>
        %dma_start3A_170 = arith.constant 0 : i32
        %dma_start3A_171 = tpu.memref_slice %dma_start3A_169[%dma_start3A_163, %dma_start3A_170] : memref<1x128xi32, #tpu.memory_space<vmem>> -> memref<1x128xi32, #tpu.memory_space<vmem>>
        %dma_start3A_172 = tpu.memref_squeeze %dma_start3A_171 : memref<1x128xi32, #tpu.memory_space<vmem>> -> memref<128xi32, #tpu.memory_space<vmem>>
        %dma_start3A_173 = arith.constant 0 : i32
        %dma_start3A_174 = arith.constant 0 : i32
        %dma_start3A_175 = tpu.memref_slice %arg7[%dma_start3A_173, %dma_start3A_174] : memref<10112x128xf32, #tpu.memory_space<vmem_shared>> -> memref<10112x128xf32, #tpu.memory_space<vmem_shared>>
        tpu.enqueue_indirect_dma source(%dma_start3A_166 : memref<128x128xf32, #tpu.memory_space<vmem>>) target(%dma_start3A_175 : memref<10112x128xf32, #tpu.memory_space<vmem_shared>>) offsets(%dma_start3A_172 : memref<128xi32, #tpu.memory_space<vmem>>) semaphore(%arg13 : memref<!tpu.dma_semaphore, #tpu.memory_space<semaphore_mem>>) {add = true}
        %dma_wait3A_176 = arith.constant 1 : i32
        %dma_wait3A_177 = arith.constant 0 : i32
        %dma_wait3A_178 = tpu.memref_slice %arg8[%dma_wait3A_176, %dma_wait3A_177] : memref<2x128xi32, #tpu.memory_space<vmem>> -> memref<1x128xi32, #tpu.memory_space<vmem>>
        %dma_wait3A_179 = arith.constant 0 : i32
        %dma_wait3A_180 = tpu.memref_slice %arg4[%add3A_110, %dma_wait3A_179] : memref<2560x128xi32, #tpu.memory_space<hbm>> -> memref<1x128xi32, #tpu.memory_space<hbm>>
        %dma_wait3A_181 = arith.constant 1 : i32
        %dma_wait3A_182 = arith.constant 0 : i32
        %dma_wait3A_183 = tpu.memref_slice %arg8[%dma_wait3A_181, %dma_wait3A_182] : memref<2x128xi32, #tpu.memory_space<vmem>> -> memref<1x128xi32, #tpu.memory_space<vmem>>
        %dma_wait3A_184 = arith.constant 0 : i32
        %dma_wait3A_185 = tpu.memref_slice %arg4[%add3A_110, %dma_wait3A_184] : memref<2560x128xi32, #tpu.memory_space<hbm>> -> memref<1x128xi32, #tpu.memory_space<hbm>>
        tpu.wait_dma2 semaphore(%arg11 : memref<!tpu.dma_semaphore, #tpu.memory_space<semaphore_mem>>) src(%dma_wait3A_185 : memref<1x128xi32, #tpu.memory_space<hbm>>) dst(%dma_wait3A_183 : memref<1x128xi32, #tpu.memory_space<vmem>>)
        %dma_wait3A_186 = arith.constant 1 : i32
        %dma_wait3A_187 = arith.constant 0 : i32
        %dma_wait3A_188 = tpu.memref_slice %arg9[%dma_wait3A_186, %dma_wait3A_187] : memref<2x128xi32, #tpu.memory_space<vmem>> -> memref<1x128xi32, #tpu.memory_space<vmem>>
        %dma_wait3A_189 = arith.constant 0 : i32
        %dma_wait3A_190 = tpu.memref_slice %arg5[%add3A_122, %dma_wait3A_189] : memref<2560x128xi32, #tpu.memory_space<hbm>> -> memref<1x128xi32, #tpu.memory_space<hbm>>
        %dma_wait3A_191 = arith.constant 1 : i32
        %dma_wait3A_192 = arith.constant 0 : i32
        %dma_wait3A_193 = tpu.memref_slice %arg9[%dma_wait3A_191, %dma_wait3A_192] : memref<2x128xi32, #tpu.memory_space<vmem>> -> memref<1x128xi32, #tpu.memory_space<vmem>>
        %dma_wait3A_194 = arith.constant 0 : i32
        %dma_wait3A_195 = tpu.memref_slice %arg5[%add3A_122, %dma_wait3A_194] : memref<2560x128xi32, #tpu.memory_space<hbm>> -> memref<1x128xi32, #tpu.memory_space<hbm>>
        tpu.wait_dma2 semaphore(%arg11 : memref<!tpu.dma_semaphore, #tpu.memory_space<semaphore_mem>>) src(%dma_wait3A_195 : memref<1x128xi32, #tpu.memory_space<hbm>>) dst(%dma_wait3A_193 : memref<1x128xi32, #tpu.memory_space<vmem>>)
        %gt3A_196 = arith.constant 0 : i32
        %gt3A_197 = arith.cmpi sgt, %scan3A_85, %gt3A_196 : i32
        %convert_element_type3A_198 = arith.extui %gt3A_197 : i1 to i32
        %cond3A_199 = arith.constant 0 : i32
        %cond3A_200 = arith.cmpi ne, %convert_element_type3A_198, %cond3A_199 : i32
        scf.if %cond3A_200 {
          %dma_wait3A_246 = arith.constant 128 : i32
          %dma_wait3A_247 = arith.constant 0 : i32
          %dma_wait3A_248 = tpu.memref_slice %arg10[%dma_wait3A_246, %dma_wait3A_247] : memref<256x128xf32, #tpu.memory_space<vmem>> -> memref<128x128xf32, #tpu.memory_space<vmem>>
          %dma_wait3A_249 = arith.constant 0 : i32
          %dma_wait3A_250 = arith.constant 0 : i32
          %dma_wait3A_251 = tpu.memref_slice %arg7[%dma_wait3A_249, %dma_wait3A_250] : memref<10112x128xf32, #tpu.memory_space<vmem_shared>> -> memref<128x128xf32, #tpu.memory_space<vmem_shared>>
          %dma_wait3A_252 = arith.constant 0 : i32
          %dma_wait3A_253 = arith.constant 0 : i32
          %dma_wait3A_254 = tpu.memref_slice %arg7[%dma_wait3A_252, %dma_wait3A_253] : memref<10112x128xf32, #tpu.memory_space<vmem_shared>> -> memref<128x128xf32, #tpu.memory_space<vmem_shared>>
          %dma_wait3A_255 = arith.constant 128 : i32
          %dma_wait3A_256 = arith.constant 0 : i32
          %dma_wait3A_257 = tpu.memref_slice %arg10[%dma_wait3A_255, %dma_wait3A_256] : memref<256x128xf32, #tpu.memory_space<vmem>> -> memref<128x128xf32, #tpu.memory_space<vmem>>
          tpu.wait_dma2 semaphore(%arg14 : memref<!tpu.dma_semaphore, #tpu.memory_space<semaphore_mem>>) src(%dma_wait3A_257 : memref<128x128xf32, #tpu.memory_space<vmem>>) dst(%dma_wait3A_254 : memref<128x128xf32, #tpu.memory_space<vmem_shared>>)
        } else {
        }
        %dma_start3A_201 = arith.constant 0 : i32
        %dma_start3A_202 = arith.constant 128 : i32
        %dma_start3A_203 = arith.constant 0 : i32
        %dma_start3A_204 = tpu.memref_slice %arg10[%dma_start3A_202, %dma_start3A_203] : memref<256x128xf32, #tpu.memory_space<vmem>> -> memref<128x128xf32, #tpu.memory_space<vmem>>
        %dma_start3A_205 = arith.constant 1 : i32
        %dma_start3A_206 = arith.constant 0 : i32
        %dma_start3A_207 = tpu.memref_slice %arg8[%dma_start3A_205, %dma_start3A_206] : memref<2x128xi32, #tpu.memory_space<vmem>> -> memref<1x128xi32, #tpu.memory_space<vmem>>
        %dma_start3A_208 = arith.constant 0 : i32
        %dma_start3A_209 = tpu.memref_slice %dma_start3A_207[%dma_start3A_201, %dma_start3A_208] : memref<1x128xi32, #tpu.memory_space<vmem>> -> memref<1x128xi32, #tpu.memory_space<vmem>>
        %dma_start3A_210 = tpu.memref_squeeze %dma_start3A_209 : memref<1x128xi32, #tpu.memory_space<vmem>> -> memref<128xi32, #tpu.memory_space<vmem>>
        %dma_start3A_211 = arith.constant 0 : i32
        %dma_start3A_212 = arith.constant 0 : i32
        %dma_start3A_213 = tpu.memref_slice %arg2[%dma_start3A_211, %dma_start3A_212] : memref<10000x128xf32, #tpu.memory_space<hbm>> -> memref<10000x128xf32, #tpu.memory_space<hbm>>
        tpu.enqueue_indirect_dma source(%dma_start3A_213 : memref<10000x128xf32, #tpu.memory_space<hbm>>) target(%dma_start3A_204 : memref<128x128xf32, #tpu.memory_space<vmem>>) offsets(%dma_start3A_210 : memref<128xi32, #tpu.memory_space<vmem>>) semaphore(%arg12 : memref<!tpu.dma_semaphore, #tpu.memory_space<semaphore_mem>>)
        %add3A_214 = arith.constant 1 : i32
        %add3A_215 = arith.addi %scan3A_85, %add3A_214 : i32
        %lt3A = arith.constant 80 : i32
        %lt3A_216 = arith.cmpi slt, %add3A_215, %lt3A : i32
        %convert_element_type3A_217 = arith.extui %lt3A_216 : i1 to i32
        %cond3A_218 = arith.constant 0 : i32
        %cond3A_219 = arith.cmpi ne, %convert_element_type3A_217, %cond3A_218 : i32
        scf.if %cond3A_219 {
          %add3A_246 = arith.constant 2 : i32
          %add3A_247 = arith.addi %add3A_88, %add3A_246 : i32
          %dma_start3A_248 = arith.constant 0 : i32
          %dma_start3A_249 = arith.constant 0 : i32
          %dma_start3A_250 = tpu.memref_slice %arg8[%dma_start3A_248, %dma_start3A_249] : memref<2x128xi32, #tpu.memory_space<vmem>> -> memref<1x128xi32, #tpu.memory_space<vmem>>
          %dma_start3A_251 = arith.constant 0 : i32
          %dma_start3A_252 = tpu.memref_slice %arg4[%add3A_247, %dma_start3A_251] : memref<2560x128xi32, #tpu.memory_space<hbm>> -> memref<1x128xi32, #tpu.memory_space<hbm>>
          %dma_start3A_253 = arith.constant 0 : i32
          %dma_start3A_254 = arith.constant 0 : i32
          %dma_start3A_255 = tpu.memref_slice %arg8[%dma_start3A_253, %dma_start3A_254] : memref<2x128xi32, #tpu.memory_space<vmem>> -> memref<1x128xi32, #tpu.memory_space<vmem>>
          %dma_start3A_256 = arith.constant 0 : i32
          %dma_start3A_257 = tpu.memref_slice %arg4[%add3A_247, %dma_start3A_256] : memref<2560x128xi32, #tpu.memory_space<hbm>> -> memref<1x128xi32, #tpu.memory_space<hbm>>
          tpu.enqueue_dma source(%dma_start3A_257 : memref<1x128xi32, #tpu.memory_space<hbm>>) target(%dma_start3A_255 : memref<1x128xi32, #tpu.memory_space<vmem>>) target_semaphore(%arg11 : memref<!tpu.dma_semaphore, #tpu.memory_space<semaphore_mem>>)
          %add3A_258 = arith.constant 2 : i32
          %add3A_259 = arith.addi %add3A_88, %add3A_258 : i32
          %dma_start3A_260 = arith.constant 0 : i32
          %dma_start3A_261 = arith.constant 0 : i32
          %dma_start3A_262 = tpu.memref_slice %arg9[%dma_start3A_260, %dma_start3A_261] : memref<2x128xi32, #tpu.memory_space<vmem>> -> memref<1x128xi32, #tpu.memory_space<vmem>>
          %dma_start3A_263 = arith.constant 0 : i32
          %dma_start3A_264 = tpu.memref_slice %arg5[%add3A_259, %dma_start3A_263] : memref<2560x128xi32, #tpu.memory_space<hbm>> -> memref<1x128xi32, #tpu.memory_space<hbm>>
          %dma_start3A_265 = arith.constant 0 : i32
          %dma_start3A_266 = arith.constant 0 : i32
          %dma_start3A_267 = tpu.memref_slice %arg9[%dma_start3A_265, %dma_start3A_266] : memref<2x128xi32, #tpu.memory_space<vmem>> -> memref<1x128xi32, #tpu.memory_space<vmem>>
          %dma_start3A_268 = arith.constant 0 : i32
          %dma_start3A_269 = tpu.memref_slice %arg5[%add3A_259, %dma_start3A_268] : memref<2560x128xi32, #tpu.memory_space<hbm>> -> memref<1x128xi32, #tpu.memory_space<hbm>>
          tpu.enqueue_dma source(%dma_start3A_269 : memref<1x128xi32, #tpu.memory_space<hbm>>) target(%dma_start3A_267 : memref<1x128xi32, #tpu.memory_space<vmem>>) target_semaphore(%arg11 : memref<!tpu.dma_semaphore, #tpu.memory_space<semaphore_mem>>)
        } else {
        }
        %dma_wait3A_220 = arith.constant 0 : i32
        %dma_wait3A_221 = arith.constant 128 : i32
        %dma_wait3A_222 = arith.constant 0 : i32
        %dma_wait3A_223 = tpu.memref_slice %arg10[%dma_wait3A_221, %dma_wait3A_222] : memref<256x128xf32, #tpu.memory_space<vmem>> -> memref<128x128xf32, #tpu.memory_space<vmem>>
        %dma_wait3A_224 = arith.constant 1 : i32
        %dma_wait3A_225 = arith.constant 0 : i32
        %dma_wait3A_226 = tpu.memref_slice %arg8[%dma_wait3A_224, %dma_wait3A_225] : memref<2x128xi32, #tpu.memory_space<vmem>> -> memref<1x128xi32, #tpu.memory_space<vmem>>
        %dma_wait3A_227 = arith.constant 0 : i32
        %dma_wait3A_228 = tpu.memref_slice %dma_wait3A_226[%dma_wait3A_220, %dma_wait3A_227] : memref<1x128xi32, #tpu.memory_space<vmem>> -> memref<1x128xi32, #tpu.memory_space<vmem>>
        %dma_wait3A_229 = tpu.memref_squeeze %dma_wait3A_228 : memref<1x128xi32, #tpu.memory_space<vmem>> -> memref<128xi32, #tpu.memory_space<vmem>>
        %dma_wait3A_230 = arith.constant 0 : i32
        %dma_wait3A_231 = arith.constant 0 : i32
        %dma_wait3A_232 = tpu.memref_slice %arg2[%dma_wait3A_230, %dma_wait3A_231] : memref<10000x128xf32, #tpu.memory_space<hbm>> -> memref<10000x128xf32, #tpu.memory_space<hbm>>
        tpu.wait_indirect_dma semaphore(%arg12 : memref<!tpu.dma_semaphore, #tpu.memory_space<semaphore_mem>>) src(%dma_wait3A_232 : memref<10000x128xf32, #tpu.memory_space<hbm>>) dst(%dma_wait3A_223 : memref<128x128xf32, #tpu.memory_space<vmem>>)
        %dma_start3A_233 = arith.constant 0 : i32
        %dma_start3A_234 = arith.constant 128 : i32
        %dma_start3A_235 = arith.constant 0 : i32
        %dma_start3A_236 = tpu.memref_slice %arg10[%dma_start3A_234, %dma_start3A_235] : memref<256x128xf32, #tpu.memory_space<vmem>> -> memref<128x128xf32, #tpu.memory_space<vmem>>
        %dma_start3A_237 = arith.constant 1 : i32
        %dma_start3A_238 = arith.constant 0 : i32
        %dma_start3A_239 = tpu.memref_slice %arg9[%dma_start3A_237, %dma_start3A_238] : memref<2x128xi32, #tpu.memory_space<vmem>> -> memref<1x128xi32, #tpu.memory_space<vmem>>
        %dma_start3A_240 = arith.constant 0 : i32
        %dma_start3A_241 = tpu.memref_slice %dma_start3A_239[%dma_start3A_233, %dma_start3A_240] : memref<1x128xi32, #tpu.memory_space<vmem>> -> memref<1x128xi32, #tpu.memory_space<vmem>>
        %dma_start3A_242 = tpu.memref_squeeze %dma_start3A_241 : memref<1x128xi32, #tpu.memory_space<vmem>> -> memref<128xi32, #tpu.memory_space<vmem>>
        %dma_start3A_243 = arith.constant 0 : i32
        %dma_start3A_244 = arith.constant 0 : i32
        %dma_start3A_245 = tpu.memref_slice %arg7[%dma_start3A_243, %dma_start3A_244] : memref<10112x128xf32, #tpu.memory_space<vmem_shared>> -> memref<10112x128xf32, #tpu.memory_space<vmem_shared>>
        tpu.enqueue_indirect_dma source(%dma_start3A_236 : memref<128x128xf32, #tpu.memory_space<vmem>>) target(%dma_start3A_245 : memref<10112x128xf32, #tpu.memory_space<vmem_shared>>) offsets(%dma_start3A_242 : memref<128xi32, #tpu.memory_space<vmem>>) semaphore(%arg14 : memref<!tpu.dma_semaphore, #tpu.memory_space<semaphore_mem>>) {add = true}
      }
      %scan3A_84 = arith.constant 80 : i32
    } else {
    }
    %eq3A_17 = arith.constant 1 : i32
    %eq3A_18 = arith.cmpi eq, %arg0, %eq3A_17 : i32
    %convert_element_type3A_19 = arith.extui %eq3A_18 : i1 to i32
    %cond3A_20 = arith.constant 0 : i32
    %cond3A_21 = arith.cmpi ne, %convert_element_type3A_19, %cond3A_20 : i32
    scf.if %cond3A_21 {
      %dma_start3A = arith.constant 0 : i32
      %dma_start3A_60 = arith.constant 0 : i32
      %dma_start3A_61 = tpu.memref_slice %arg9[%dma_start3A, %dma_start3A_60] : memref<2x128xi32, #tpu.memory_space<vmem>> -> memref<1x128xi32, #tpu.memory_space<vmem>>
      %dma_start3A_62 = arith.constant 0 : i32
      %dma_start3A_63 = tpu.memref_slice %arg5[%mul3A_14, %dma_start3A_62] : memref<2560x128xi32, #tpu.memory_space<hbm>> -> memref<1x128xi32, #tpu.memory_space<hbm>>
      %dma_start3A_64 = arith.constant 0 : i32
      %dma_start3A_65 = arith.constant 0 : i32
      %dma_start3A_66 = tpu.memref_slice %arg9[%dma_start3A_64, %dma_start3A_65] : memref<2x128xi32, #tpu.memory_space<vmem>> -> memref<1x128xi32, #tpu.memory_space<vmem>>
      %dma_start3A_67 = arith.constant 0 : i32
      %dma_start3A_68 = tpu.memref_slice %arg5[%mul3A_14, %dma_start3A_67] : memref<2560x128xi32, #tpu.memory_space<hbm>> -> memref<1x128xi32, #tpu.memory_space<hbm>>
      tpu.enqueue_dma source(%dma_start3A_68 : memref<1x128xi32, #tpu.memory_space<hbm>>) target(%dma_start3A_66 : memref<1x128xi32, #tpu.memory_space<vmem>>) target_semaphore(%arg11 : memref<!tpu.dma_semaphore, #tpu.memory_space<semaphore_mem>>)
      %scan3A_69 = arith.constant 0 : i32
      %scan3A_70 = arith.constant 0 : i32
      %scan3A_71 = arith.constant 80 : i32
      %scan3A_72 = arith.addi %scan3A_70, %scan3A_71 : i32
      %scan3A_73 = arith.constant 1 : i32
      scf.for %scan3A_75 = %scan3A_70 to %scan3A_72 step %scan3A_73  : i32 {
        %mul3A_76 = arith.constant 2 : i32
        %mul3A_77 = arith.muli %mul3A_76, %scan3A_75 : i32
        %add3A_78 = arith.addi %mul3A_14, %mul3A_77 : i32
        %dma_wait3A_79 = arith.constant 0 : i32
        %dma_wait3A_80 = arith.constant 0 : i32
        %dma_wait3A_81 = tpu.memref_slice %arg9[%dma_wait3A_79, %dma_wait3A_80] : memref<2x128xi32, #tpu.memory_space<vmem>> -> memref<1x128xi32, #tpu.memory_space<vmem>>
        %dma_wait3A_82 = arith.constant 0 : i32
        %dma_wait3A_83 = tpu.memref_slice %arg5[%add3A_78, %dma_wait3A_82] : memref<2560x128xi32, #tpu.memory_space<hbm>> -> memref<1x128xi32, #tpu.memory_space<hbm>>
        %dma_wait3A_84 = arith.constant 0 : i32
        %dma_wait3A_85 = arith.constant 0 : i32
        %dma_wait3A_86 = tpu.memref_slice %arg9[%dma_wait3A_84, %dma_wait3A_85] : memref<2x128xi32, #tpu.memory_space<vmem>> -> memref<1x128xi32, #tpu.memory_space<vmem>>
        %dma_wait3A_87 = arith.constant 0 : i32
        %dma_wait3A_88 = tpu.memref_slice %arg5[%add3A_78, %dma_wait3A_87] : memref<2560x128xi32, #tpu.memory_space<hbm>> -> memref<1x128xi32, #tpu.memory_space<hbm>>
        tpu.wait_dma2 semaphore(%arg11 : memref<!tpu.dma_semaphore, #tpu.memory_space<semaphore_mem>>) src(%dma_wait3A_88 : memref<1x128xi32, #tpu.memory_space<hbm>>) dst(%dma_wait3A_86 : memref<1x128xi32, #tpu.memory_space<vmem>>)
        %add3A_89 = arith.constant 1 : i32
        %add3A_90 = arith.addi %add3A_78, %add3A_89 : i32
        %dma_start3A_91 = arith.constant 1 : i32
        %dma_start3A_92 = arith.constant 0 : i32
        %dma_start3A_93 = tpu.memref_slice %arg9[%dma_start3A_91, %dma_start3A_92] : memref<2x128xi32, #tpu.memory_space<vmem>> -> memref<1x128xi32, #tpu.memory_space<vmem>>
        %dma_start3A_94 = arith.constant 0 : i32
        %dma_start3A_95 = tpu.memref_slice %arg5[%add3A_90, %dma_start3A_94] : memref<2560x128xi32, #tpu.memory_space<hbm>> -> memref<1x128xi32, #tpu.memory_space<hbm>>
        %dma_start3A_96 = arith.constant 1 : i32
        %dma_start3A_97 = arith.constant 0 : i32
        %dma_start3A_98 = tpu.memref_slice %arg9[%dma_start3A_96, %dma_start3A_97] : memref<2x128xi32, #tpu.memory_space<vmem>> -> memref<1x128xi32, #tpu.memory_space<vmem>>
        %dma_start3A_99 = arith.constant 0 : i32
        %dma_start3A_100 = tpu.memref_slice %arg5[%add3A_90, %dma_start3A_99] : memref<2560x128xi32, #tpu.memory_space<hbm>> -> memref<1x128xi32, #tpu.memory_space<hbm>>
        tpu.enqueue_dma source(%dma_start3A_100 : memref<1x128xi32, #tpu.memory_space<hbm>>) target(%dma_start3A_98 : memref<1x128xi32, #tpu.memory_space<vmem>>) target_semaphore(%arg11 : memref<!tpu.dma_semaphore, #tpu.memory_space<semaphore_mem>>)
        %gt3A = arith.constant 0 : i32
        %gt3A_101 = arith.cmpi sgt, %scan3A_75, %gt3A : i32
        %convert_element_type3A_102 = arith.extui %gt3A_101 : i1 to i32
        %cond3A_103 = arith.constant 0 : i32
        %cond3A_104 = arith.cmpi ne, %convert_element_type3A_102, %cond3A_103 : i32
        scf.if %cond3A_104 {
          %dma_wait3A_198 = arith.constant 0 : i32
          %dma_wait3A_199 = arith.constant 0 : i32
          %dma_wait3A_200 = tpu.memref_slice %arg10[%dma_wait3A_198, %dma_wait3A_199] : memref<256x128xf32, #tpu.memory_space<vmem>> -> memref<128x128xf32, #tpu.memory_space<vmem>>
          %dma_wait3A_201 = arith.constant 0 : i32
          %dma_wait3A_202 = arith.constant 0 : i32
          %dma_wait3A_203 = tpu.memref_slice %arg7[%dma_wait3A_201, %dma_wait3A_202] : memref<10112x128xf32, #tpu.memory_space<vmem_shared>> -> memref<128x128xf32, #tpu.memory_space<vmem_shared>>
          %dma_wait3A_204 = arith.constant 0 : i32
          %dma_wait3A_205 = arith.constant 0 : i32
          %dma_wait3A_206 = tpu.memref_slice %arg7[%dma_wait3A_204, %dma_wait3A_205] : memref<10112x128xf32, #tpu.memory_space<vmem_shared>> -> memref<128x128xf32, #tpu.memory_space<vmem_shared>>
          %dma_wait3A_207 = arith.constant 0 : i32
          %dma_wait3A_208 = arith.constant 0 : i32
          %dma_wait3A_209 = tpu.memref_slice %arg10[%dma_wait3A_207, %dma_wait3A_208] : memref<256x128xf32, #tpu.memory_space<vmem>> -> memref<128x128xf32, #tpu.memory_space<vmem>>
          tpu.wait_dma2 semaphore(%arg13 : memref<!tpu.dma_semaphore, #tpu.memory_space<semaphore_mem>>) src(%dma_wait3A_209 : memref<128x128xf32, #tpu.memory_space<vmem>>) dst(%dma_wait3A_206 : memref<128x128xf32, #tpu.memory_space<vmem_shared>>)
        } else {
        }
        %mul3A_105 = arith.constant 128 : i32
        %mul3A_106 = arith.muli %add3A_78, %mul3A_105 : i32
        %dma_start3A_107 = arith.constant 0 : i32
        %dma_start3A_108 = arith.constant 0 : i32
        %dma_start3A_109 = tpu.memref_slice %arg10[%dma_start3A_107, %dma_start3A_108] : memref<256x128xf32, #tpu.memory_space<vmem>> -> memref<128x128xf32, #tpu.memory_space<vmem>>
        %dma_start3A_110 = arith.constant 0 : i32
        %dma_start3A_111 = tpu.memref_slice %arg3[%mul3A_106, %dma_start3A_110] : memref<327680x128xf32, #tpu.memory_space<hbm>> -> memref<128x128xf32, #tpu.memory_space<hbm>>
        %dma_start3A_112 = arith.constant 0 : i32
        %dma_start3A_113 = arith.constant 0 : i32
        %dma_start3A_114 = tpu.memref_slice %arg10[%dma_start3A_112, %dma_start3A_113] : memref<256x128xf32, #tpu.memory_space<vmem>> -> memref<128x128xf32, #tpu.memory_space<vmem>>
        %dma_start3A_115 = arith.constant 0 : i32
        %dma_start3A_116 = tpu.memref_slice %arg3[%mul3A_106, %dma_start3A_115] : memref<327680x128xf32, #tpu.memory_space<hbm>> -> memref<128x128xf32, #tpu.memory_space<hbm>>
        tpu.enqueue_dma source(%dma_start3A_116 : memref<128x128xf32, #tpu.memory_space<hbm>>) target(%dma_start3A_114 : memref<128x128xf32, #tpu.memory_space<vmem>>) target_semaphore(%arg12 : memref<!tpu.dma_semaphore, #tpu.memory_space<semaphore_mem>>)
        %dma_wait3A_117 = arith.constant 0 : i32
        %dma_wait3A_118 = arith.constant 0 : i32
        %dma_wait3A_119 = tpu.memref_slice %arg10[%dma_wait3A_117, %dma_wait3A_118] : memref<256x128xf32, #tpu.memory_space<vmem>> -> memref<128x128xf32, #tpu.memory_space<vmem>>
        %dma_wait3A_120 = arith.constant 0 : i32
        %dma_wait3A_121 = tpu.memref_slice %arg3[%mul3A_106, %dma_wait3A_120] : memref<327680x128xf32, #tpu.memory_space<hbm>> -> memref<128x128xf32, #tpu.memory_space<hbm>>
        %dma_wait3A_122 = arith.constant 0 : i32
        %dma_wait3A_123 = arith.constant 0 : i32
        %dma_wait3A_124 = tpu.memref_slice %arg10[%dma_wait3A_122, %dma_wait3A_123] : memref<256x128xf32, #tpu.memory_space<vmem>> -> memref<128x128xf32, #tpu.memory_space<vmem>>
        %dma_wait3A_125 = arith.constant 0 : i32
        %dma_wait3A_126 = tpu.memref_slice %arg3[%mul3A_106, %dma_wait3A_125] : memref<327680x128xf32, #tpu.memory_space<hbm>> -> memref<128x128xf32, #tpu.memory_space<hbm>>
        tpu.wait_dma2 semaphore(%arg12 : memref<!tpu.dma_semaphore, #tpu.memory_space<semaphore_mem>>) src(%dma_wait3A_126 : memref<128x128xf32, #tpu.memory_space<hbm>>) dst(%dma_wait3A_124 : memref<128x128xf32, #tpu.memory_space<vmem>>)
        %dma_start3A_127 = arith.constant 0 : i32
        %dma_start3A_128 = arith.constant 0 : i32
        %dma_start3A_129 = arith.constant 0 : i32
        %dma_start3A_130 = tpu.memref_slice %arg10[%dma_start3A_128, %dma_start3A_129] : memref<256x128xf32, #tpu.memory_space<vmem>> -> memref<128x128xf32, #tpu.memory_space<vmem>>
        %dma_start3A_131 = arith.constant 0 : i32
        %dma_start3A_132 = arith.constant 0 : i32
        %dma_start3A_133 = tpu.memref_slice %arg9[%dma_start3A_131, %dma_start3A_132] : memref<2x128xi32, #tpu.memory_space<vmem>> -> memref<1x128xi32, #tpu.memory_space<vmem>>
        %dma_start3A_134 = arith.constant 0 : i32
        %dma_start3A_135 = tpu.memref_slice %dma_start3A_133[%dma_start3A_127, %dma_start3A_134] : memref<1x128xi32, #tpu.memory_space<vmem>> -> memref<1x128xi32, #tpu.memory_space<vmem>>
        %dma_start3A_136 = tpu.memref_squeeze %dma_start3A_135 : memref<1x128xi32, #tpu.memory_space<vmem>> -> memref<128xi32, #tpu.memory_space<vmem>>
        %dma_start3A_137 = arith.constant 0 : i32
        %dma_start3A_138 = arith.constant 0 : i32
        %dma_start3A_139 = tpu.memref_slice %arg7[%dma_start3A_137, %dma_start3A_138] : memref<10112x128xf32, #tpu.memory_space<vmem_shared>> -> memref<10112x128xf32, #tpu.memory_space<vmem_shared>>
        tpu.enqueue_indirect_dma source(%dma_start3A_130 : memref<128x128xf32, #tpu.memory_space<vmem>>) target(%dma_start3A_139 : memref<10112x128xf32, #tpu.memory_space<vmem_shared>>) offsets(%dma_start3A_136 : memref<128xi32, #tpu.memory_space<vmem>>) semaphore(%arg13 : memref<!tpu.dma_semaphore, #tpu.memory_space<semaphore_mem>>) {add = true}
        %dma_wait3A_140 = arith.constant 1 : i32
        %dma_wait3A_141 = arith.constant 0 : i32
        %dma_wait3A_142 = tpu.memref_slice %arg9[%dma_wait3A_140, %dma_wait3A_141] : memref<2x128xi32, #tpu.memory_space<vmem>> -> memref<1x128xi32, #tpu.memory_space<vmem>>
        %dma_wait3A_143 = arith.constant 0 : i32
        %dma_wait3A_144 = tpu.memref_slice %arg5[%add3A_90, %dma_wait3A_143] : memref<2560x128xi32, #tpu.memory_space<hbm>> -> memref<1x128xi32, #tpu.memory_space<hbm>>
        %dma_wait3A_145 = arith.constant 1 : i32
        %dma_wait3A_146 = arith.constant 0 : i32
        %dma_wait3A_147 = tpu.memref_slice %arg9[%dma_wait3A_145, %dma_wait3A_146] : memref<2x128xi32, #tpu.memory_space<vmem>> -> memref<1x128xi32, #tpu.memory_space<vmem>>
        %dma_wait3A_148 = arith.constant 0 : i32
        %dma_wait3A_149 = tpu.memref_slice %arg5[%add3A_90, %dma_wait3A_148] : memref<2560x128xi32, #tpu.memory_space<hbm>> -> memref<1x128xi32, #tpu.memory_space<hbm>>
        tpu.wait_dma2 semaphore(%arg11 : memref<!tpu.dma_semaphore, #tpu.memory_space<semaphore_mem>>) src(%dma_wait3A_149 : memref<1x128xi32, #tpu.memory_space<hbm>>) dst(%dma_wait3A_147 : memref<1x128xi32, #tpu.memory_space<vmem>>)
        %gt3A_150 = arith.constant 0 : i32
        %gt3A_151 = arith.cmpi sgt, %scan3A_75, %gt3A_150 : i32
        %convert_element_type3A_152 = arith.extui %gt3A_151 : i1 to i32
        %cond3A_153 = arith.constant 0 : i32
        %cond3A_154 = arith.cmpi ne, %convert_element_type3A_152, %cond3A_153 : i32
        scf.if %cond3A_154 {
          %dma_wait3A_198 = arith.constant 128 : i32
          %dma_wait3A_199 = arith.constant 0 : i32
          %dma_wait3A_200 = tpu.memref_slice %arg10[%dma_wait3A_198, %dma_wait3A_199] : memref<256x128xf32, #tpu.memory_space<vmem>> -> memref<128x128xf32, #tpu.memory_space<vmem>>
          %dma_wait3A_201 = arith.constant 0 : i32
          %dma_wait3A_202 = arith.constant 0 : i32
          %dma_wait3A_203 = tpu.memref_slice %arg7[%dma_wait3A_201, %dma_wait3A_202] : memref<10112x128xf32, #tpu.memory_space<vmem_shared>> -> memref<128x128xf32, #tpu.memory_space<vmem_shared>>
          %dma_wait3A_204 = arith.constant 0 : i32
          %dma_wait3A_205 = arith.constant 0 : i32
          %dma_wait3A_206 = tpu.memref_slice %arg7[%dma_wait3A_204, %dma_wait3A_205] : memref<10112x128xf32, #tpu.memory_space<vmem_shared>> -> memref<128x128xf32, #tpu.memory_space<vmem_shared>>
          %dma_wait3A_207 = arith.constant 128 : i32
          %dma_wait3A_208 = arith.constant 0 : i32
          %dma_wait3A_209 = tpu.memref_slice %arg10[%dma_wait3A_207, %dma_wait3A_208] : memref<256x128xf32, #tpu.memory_space<vmem>> -> memref<128x128xf32, #tpu.memory_space<vmem>>
          tpu.wait_dma2 semaphore(%arg14 : memref<!tpu.dma_semaphore, #tpu.memory_space<semaphore_mem>>) src(%dma_wait3A_209 : memref<128x128xf32, #tpu.memory_space<vmem>>) dst(%dma_wait3A_206 : memref<128x128xf32, #tpu.memory_space<vmem_shared>>)
        } else {
        }
        %add3A_155 = arith.constant 1 : i32
        %add3A_156 = arith.addi %add3A_78, %add3A_155 : i32
        %mul3A_157 = arith.constant 128 : i32
        %mul3A_158 = arith.muli %add3A_156, %mul3A_157 : i32
        %dma_start3A_159 = arith.constant 128 : i32
        %dma_start3A_160 = arith.constant 0 : i32
        %dma_start3A_161 = tpu.memref_slice %arg10[%dma_start3A_159, %dma_start3A_160] : memref<256x128xf32, #tpu.memory_space<vmem>> -> memref<128x128xf32, #tpu.memory_space<vmem>>
        %dma_start3A_162 = arith.constant 0 : i32
        %dma_start3A_163 = tpu.memref_slice %arg3[%mul3A_158, %dma_start3A_162] : memref<327680x128xf32, #tpu.memory_space<hbm>> -> memref<128x128xf32, #tpu.memory_space<hbm>>
        %dma_start3A_164 = arith.constant 128 : i32
        %dma_start3A_165 = arith.constant 0 : i32
        %dma_start3A_166 = tpu.memref_slice %arg10[%dma_start3A_164, %dma_start3A_165] : memref<256x128xf32, #tpu.memory_space<vmem>> -> memref<128x128xf32, #tpu.memory_space<vmem>>
        %dma_start3A_167 = arith.constant 0 : i32
        %dma_start3A_168 = tpu.memref_slice %arg3[%mul3A_158, %dma_start3A_167] : memref<327680x128xf32, #tpu.memory_space<hbm>> -> memref<128x128xf32, #tpu.memory_space<hbm>>
        tpu.enqueue_dma source(%dma_start3A_168 : memref<128x128xf32, #tpu.memory_space<hbm>>) target(%dma_start3A_166 : memref<128x128xf32, #tpu.memory_space<vmem>>) target_semaphore(%arg12 : memref<!tpu.dma_semaphore, #tpu.memory_space<semaphore_mem>>)
        %add3A_169 = arith.constant 1 : i32
        %add3A_170 = arith.addi %scan3A_75, %add3A_169 : i32
        %lt3A = arith.constant 80 : i32
        %lt3A_171 = arith.cmpi slt, %add3A_170, %lt3A : i32
        %convert_element_type3A_172 = arith.extui %lt3A_171 : i1 to i32
        %cond3A_173 = arith.constant 0 : i32
        %cond3A_174 = arith.cmpi ne, %convert_element_type3A_172, %cond3A_173 : i32
        scf.if %cond3A_174 {
          %add3A_198 = arith.constant 2 : i32
          %add3A_199 = arith.addi %add3A_78, %add3A_198 : i32
          %dma_start3A_200 = arith.constant 0 : i32
          %dma_start3A_201 = arith.constant 0 : i32
          %dma_start3A_202 = tpu.memref_slice %arg9[%dma_start3A_200, %dma_start3A_201] : memref<2x128xi32, #tpu.memory_space<vmem>> -> memref<1x128xi32, #tpu.memory_space<vmem>>
          %dma_start3A_203 = arith.constant 0 : i32
          %dma_start3A_204 = tpu.memref_slice %arg5[%add3A_199, %dma_start3A_203] : memref<2560x128xi32, #tpu.memory_space<hbm>> -> memref<1x128xi32, #tpu.memory_space<hbm>>
          %dma_start3A_205 = arith.constant 0 : i32
          %dma_start3A_206 = arith.constant 0 : i32
          %dma_start3A_207 = tpu.memref_slice %arg9[%dma_start3A_205, %dma_start3A_206] : memref<2x128xi32, #tpu.memory_space<vmem>> -> memref<1x128xi32, #tpu.memory_space<vmem>>
          %dma_start3A_208 = arith.constant 0 : i32
          %dma_start3A_209 = tpu.memref_slice %arg5[%add3A_199, %dma_start3A_208] : memref<2560x128xi32, #tpu.memory_space<hbm>> -> memref<1x128xi32, #tpu.memory_space<hbm>>
          tpu.enqueue_dma source(%dma_start3A_209 : memref<1x128xi32, #tpu.memory_space<hbm>>) target(%dma_start3A_207 : memref<1x128xi32, #tpu.memory_space<vmem>>) target_semaphore(%arg11 : memref<!tpu.dma_semaphore, #tpu.memory_space<semaphore_mem>>)
        } else {
        }
        %dma_wait3A_175 = arith.constant 128 : i32
        %dma_wait3A_176 = arith.constant 0 : i32
        %dma_wait3A_177 = tpu.memref_slice %arg10[%dma_wait3A_175, %dma_wait3A_176] : memref<256x128xf32, #tpu.memory_space<vmem>> -> memref<128x128xf32, #tpu.memory_space<vmem>>
        %dma_wait3A_178 = arith.constant 0 : i32
        %dma_wait3A_179 = tpu.memref_slice %arg3[%mul3A_158, %dma_wait3A_178] : memref<327680x128xf32, #tpu.memory_space<hbm>> -> memref<128x128xf32, #tpu.memory_space<hbm>>
        %dma_wait3A_180 = arith.constant 128 : i32
        %dma_wait3A_181 = arith.constant 0 : i32
        %dma_wait3A_182 = tpu.memref_slice %arg10[%dma_wait3A_180, %dma_wait3A_181] : memref<256x128xf32, #tpu.memory_space<vmem>> -> memref<128x128xf32, #tpu.memory_space<vmem>>
        %dma_wait3A_183 = arith.constant 0 : i32
        %dma_wait3A_184 = tpu.memref_slice %arg3[%mul3A_158, %dma_wait3A_183] : memref<327680x128xf32, #tpu.memory_space<hbm>> -> memref<128x128xf32, #tpu.memory_space<hbm>>
        tpu.wait_dma2 semaphore(%arg12 : memref<!tpu.dma_semaphore, #tpu.memory_space<semaphore_mem>>) src(%dma_wait3A_184 : memref<128x128xf32, #tpu.memory_space<hbm>>) dst(%dma_wait3A_182 : memref<128x128xf32, #tpu.memory_space<vmem>>)
        %dma_start3A_185 = arith.constant 0 : i32
        %dma_start3A_186 = arith.constant 128 : i32
        %dma_start3A_187 = arith.constant 0 : i32
        %dma_start3A_188 = tpu.memref_slice %arg10[%dma_start3A_186, %dma_start3A_187] : memref<256x128xf32, #tpu.memory_space<vmem>> -> memref<128x128xf32, #tpu.memory_space<vmem>>
        %dma_start3A_189 = arith.constant 1 : i32
        %dma_start3A_190 = arith.constant 0 : i32
        %dma_start3A_191 = tpu.memref_slice %arg9[%dma_start3A_189, %dma_start3A_190] : memref<2x128xi32, #tpu.memory_space<vmem>> -> memref<1x128xi32, #tpu.memory_space<vmem>>
        %dma_start3A_192 = arith.constant 0 : i32
        %dma_start3A_193 = tpu.memref_slice %dma_start3A_191[%dma_start3A_185, %dma_start3A_192] : memref<1x128xi32, #tpu.memory_space<vmem>> -> memref<1x128xi32, #tpu.memory_space<vmem>>
        %dma_start3A_194 = tpu.memref_squeeze %dma_start3A_193 : memref<1x128xi32, #tpu.memory_space<vmem>> -> memref<128xi32, #tpu.memory_space<vmem>>
        %dma_start3A_195 = arith.constant 0 : i32
        %dma_start3A_196 = arith.constant 0 : i32
        %dma_start3A_197 = tpu.memref_slice %arg7[%dma_start3A_195, %dma_start3A_196] : memref<10112x128xf32, #tpu.memory_space<vmem_shared>> -> memref<10112x128xf32, #tpu.memory_space<vmem_shared>>
        tpu.enqueue_indirect_dma source(%dma_start3A_188 : memref<128x128xf32, #tpu.memory_space<vmem>>) target(%dma_start3A_197 : memref<10112x128xf32, #tpu.memory_space<vmem_shared>>) offsets(%dma_start3A_194 : memref<128xi32, #tpu.memory_space<vmem>>) semaphore(%arg14 : memref<!tpu.dma_semaphore, #tpu.memory_space<semaphore_mem>>) {add = true}
      }
      %scan3A_74 = arith.constant 80 : i32
    } else {
    }
    %dma_wait3A = arith.constant 0 : i32
    %dma_wait3A_22 = arith.constant 0 : i32
    %dma_wait3A_23 = tpu.memref_slice %arg10[%dma_wait3A, %dma_wait3A_22] : memref<256x128xf32, #tpu.memory_space<vmem>> -> memref<128x128xf32, #tpu.memory_space<vmem>>
    %dma_wait3A_24 = arith.constant 0 : i32
    %dma_wait3A_25 = arith.constant 0 : i32
    %dma_wait3A_26 = tpu.memref_slice %arg7[%dma_wait3A_24, %dma_wait3A_25] : memref<10112x128xf32, #tpu.memory_space<vmem_shared>> -> memref<128x128xf32, #tpu.memory_space<vmem_shared>>
    %dma_wait3A_27 = arith.constant 0 : i32
    %dma_wait3A_28 = arith.constant 0 : i32
    %dma_wait3A_29 = tpu.memref_slice %arg7[%dma_wait3A_27, %dma_wait3A_28] : memref<10112x128xf32, #tpu.memory_space<vmem_shared>> -> memref<128x128xf32, #tpu.memory_space<vmem_shared>>
    %dma_wait3A_30 = arith.constant 0 : i32
    %dma_wait3A_31 = arith.constant 0 : i32
    %dma_wait3A_32 = tpu.memref_slice %arg10[%dma_wait3A_30, %dma_wait3A_31] : memref<256x128xf32, #tpu.memory_space<vmem>> -> memref<128x128xf32, #tpu.memory_space<vmem>>
    tpu.wait_dma2 semaphore(%arg13 : memref<!tpu.dma_semaphore, #tpu.memory_space<semaphore_mem>>) src(%dma_wait3A_32 : memref<128x128xf32, #tpu.memory_space<vmem>>) dst(%dma_wait3A_29 : memref<128x128xf32, #tpu.memory_space<vmem_shared>>)
    %dma_wait3A_33 = arith.constant 128 : i32
    %dma_wait3A_34 = arith.constant 0 : i32
    %dma_wait3A_35 = tpu.memref_slice %arg10[%dma_wait3A_33, %dma_wait3A_34] : memref<256x128xf32, #tpu.memory_space<vmem>> -> memref<128x128xf32, #tpu.memory_space<vmem>>
    %dma_wait3A_36 = arith.constant 0 : i32
    %dma_wait3A_37 = arith.constant 0 : i32
    %dma_wait3A_38 = tpu.memref_slice %arg7[%dma_wait3A_36, %dma_wait3A_37] : memref<10112x128xf32, #tpu.memory_space<vmem_shared>> -> memref<128x128xf32, #tpu.memory_space<vmem_shared>>
    %dma_wait3A_39 = arith.constant 0 : i32
    %dma_wait3A_40 = arith.constant 0 : i32
    %dma_wait3A_41 = tpu.memref_slice %arg7[%dma_wait3A_39, %dma_wait3A_40] : memref<10112x128xf32, #tpu.memory_space<vmem_shared>> -> memref<128x128xf32, #tpu.memory_space<vmem_shared>>
    %dma_wait3A_42 = arith.constant 128 : i32
    %dma_wait3A_43 = arith.constant 0 : i32
    %dma_wait3A_44 = tpu.memref_slice %arg10[%dma_wait3A_42, %dma_wait3A_43] : memref<256x128xf32, #tpu.memory_space<vmem>> -> memref<128x128xf32, #tpu.memory_space<vmem>>
    tpu.wait_dma2 semaphore(%arg14 : memref<!tpu.dma_semaphore, #tpu.memory_space<semaphore_mem>>) src(%dma_wait3A_44 : memref<128x128xf32, #tpu.memory_space<vmem>>) dst(%dma_wait3A_41 : memref<128x128xf32, #tpu.memory_space<vmem_shared>>)
    %barrier3A_45 = arith.constant 0 : index
    tpu.barrier barrier_id(%barrier3A_45)
    %scan3A_46 = arith.constant 0 : i32
    %scan3A_47 = arith.constant 0 : i32
    %scan3A_48 = arith.constant 4 : i32
    %scan3A_49 = arith.addi %scan3A_47, %scan3A_48 : i32
    %scan3A_50 = arith.constant 1 : i32
    scf.for %scan3A_60 = %scan3A_47 to %scan3A_49 step %scan3A_50  : i32 {
      %mul3A_61 = arith.constant 632 : i32
      %mul3A_62 = arith.muli %arg1, %mul3A_61 : i32
      %mul3A_63 = arith.constant 128 : i32
      %mul3A_64 = arith.muli %scan3A_60, %mul3A_63 : i32
      %add3A_65 = arith.addi %mul3A_62, %mul3A_64 : i32
      %mul3A_66 = arith.constant 632 : i32
      %mul3A_67 = arith.muli %arg1, %mul3A_66 : i32
      %mul3A_68 = arith.constant 128 : i32
      %mul3A_69 = arith.muli %scan3A_60, %mul3A_68 : i32
      %add3A_70 = arith.addi %mul3A_67, %mul3A_69 : i32
      "tpu.region"() ({
        %run_scoped3A = tpu.sem_alloc : memref<!tpu.dma_semaphore, #tpu.memory_space<semaphore_mem>>
        %dma_start3A = arith.constant 0 : i32
        %dma_start3A_71 = tpu.memref_slice %arg6[%arg0, %add3A_70, %dma_start3A] : memref<2x10112x128xf32, #tpu.memory_space<hbm>> -> memref<1x128x128xf32, #tpu.memory_space<hbm>>
        %dma_start3A_72 = tpu.memref_squeeze %dma_start3A_71 : memref<1x128x128xf32, #tpu.memory_space<hbm>> -> memref<128x128xf32, #tpu.memory_space<hbm>>
        %dma_start3A_73 = arith.constant 0 : i32
        %dma_start3A_74 = tpu.memref_slice %arg7[%add3A_65, %dma_start3A_73] : memref<10112x128xf32, #tpu.memory_space<vmem_shared>> -> memref<128x128xf32, #tpu.memory_space<vmem_shared>>
        tpu.enqueue_dma source(%dma_start3A_74 : memref<128x128xf32, #tpu.memory_space<vmem_shared>>) target(%dma_start3A_72 : memref<128x128xf32, #tpu.memory_space<hbm>>) target_semaphore(%run_scoped3A : memref<!tpu.dma_semaphore, #tpu.memory_space<semaphore_mem>>)
        %dma_wait3A_75 = arith.constant 0 : i32
        %dma_wait3A_76 = tpu.memref_slice %arg6[%arg0, %add3A_70, %dma_wait3A_75] : memref<2x10112x128xf32, #tpu.memory_space<hbm>> -> memref<1x128x128xf32, #tpu.memory_space<hbm>>
        %dma_wait3A_77 = tpu.memref_squeeze %dma_wait3A_76 : memref<1x128x128xf32, #tpu.memory_space<hbm>> -> memref<128x128xf32, #tpu.memory_space<hbm>>
        %dma_wait3A_78 = arith.constant 0 : i32
        %dma_wait3A_79 = tpu.memref_slice %arg7[%add3A_65, %dma_wait3A_78] : memref<10112x128xf32, #tpu.memory_space<vmem_shared>> -> memref<128x128xf32, #tpu.memory_space<vmem_shared>>
        tpu.wait_dma2 semaphore(%run_scoped3A : memref<!tpu.dma_semaphore, #tpu.memory_space<semaphore_mem>>) src(%dma_wait3A_79 : memref<128x128xf32, #tpu.memory_space<vmem_shared>>) dst(%dma_wait3A_77 : memref<128x128xf32, #tpu.memory_space<hbm>>)
        tpu.yield
      }) : () -> ()
    }
    %scan3A_51 = arith.constant 4 : i32
    %mul3A_52 = arith.constant 632 : i32
    %mul3A_53 = arith.muli %arg1, %mul3A_52 : i32
    %add3A_54 = arith.constant 512 : i32
    %add3A_55 = arith.addi %mul3A_53, %add3A_54 : i32
    %mul3A_56 = arith.constant 632 : i32
    %mul3A_57 = arith.muli %arg1, %mul3A_56 : i32
    %add3A_58 = arith.constant 512 : i32
    %add3A_59 = arith.addi %mul3A_57, %add3A_58 : i32
    "tpu.region"() ({
      %run_scoped3A = tpu.sem_alloc : memref<!tpu.dma_semaphore, #tpu.memory_space<semaphore_mem>>
      %dma_start3A = arith.constant 0 : i32
      %dma_start3A_60 = tpu.memref_slice %arg6[%arg0, %add3A_59, %dma_start3A] : memref<2x10112x128xf32, #tpu.memory_space<hbm>> -> memref<1x120x128xf32, #tpu.memory_space<hbm>>
      %dma_start3A_61 = tpu.memref_squeeze %dma_start3A_60 : memref<1x120x128xf32, #tpu.memory_space<hbm>> -> memref<120x128xf32, #tpu.memory_space<hbm>>
      %dma_start3A_62 = arith.constant 0 : i32
      %dma_start3A_63 = tpu.memref_slice %arg7[%add3A_55, %dma_start3A_62] : memref<10112x128xf32, #tpu.memory_space<vmem_shared>> -> memref<120x128xf32, #tpu.memory_space<vmem_shared>>
      tpu.enqueue_dma source(%dma_start3A_63 : memref<120x128xf32, #tpu.memory_space<vmem_shared>>) target(%dma_start3A_61 : memref<120x128xf32, #tpu.memory_space<hbm>>) target_semaphore(%run_scoped3A : memref<!tpu.dma_semaphore, #tpu.memory_space<semaphore_mem>>)
      %dma_wait3A_64 = arith.constant 0 : i32
      %dma_wait3A_65 = tpu.memref_slice %arg6[%arg0, %add3A_59, %dma_wait3A_64] : memref<2x10112x128xf32, #tpu.memory_space<hbm>> -> memref<1x120x128xf32, #tpu.memory_space<hbm>>
      %dma_wait3A_66 = tpu.memref_squeeze %dma_wait3A_65 : memref<1x120x128xf32, #tpu.memory_space<hbm>> -> memref<120x128xf32, #tpu.memory_space<hbm>>
      %dma_wait3A_67 = arith.constant 0 : i32
      %dma_wait3A_68 = tpu.memref_slice %arg7[%add3A_55, %dma_wait3A_67] : memref<10112x128xf32, #tpu.memory_space<vmem_shared>> -> memref<120x128xf32, #tpu.memory_space<vmem_shared>>
      tpu.wait_dma2 semaphore(%run_scoped3A : memref<!tpu.dma_semaphore, #tpu.memory_space<semaphore_mem>>) src(%dma_wait3A_68 : memref<120x128xf32, #tpu.memory_space<vmem_shared>>) dst(%dma_wait3A_66 : memref<120x128xf32, #tpu.memory_space<hbm>>)
      tpu.yield
    }) : () -> ()
    return
  }
}

#map = affine_map<(d0, d1) -> (0, 0)>
#map1 = affine_map<(d0, d1) -> (0, 0, 0)>
module attributes {stable_mosaic.version = 14 : i64} {
  func.func @_sc_agg(%arg0: i32, %arg1: i32, %arg2: memref<10000x128xf32, #tpu.memory_space<hbm>>, %arg3: memref<327680x128xf32, #tpu.memory_space<hbm>>, %arg4: memref<2560x128xi32, #tpu.memory_space<hbm>>, %arg5: memref<2560x128xi32, #tpu.memory_space<hbm>>, %arg6: memref<2x10112x128xf32, #tpu.memory_space<hbm>>, %arg7: memref<10112x128xf32, #tpu.memory_space<vmem_shared>>, %arg8: memref<2x128xi32, #tpu.memory_space<vmem>>, %arg9: memref<2x128xi32, #tpu.memory_space<vmem>>, %arg10: memref<256x128xf32, #tpu.memory_space<vmem>>, %arg11: memref<!tpu.dma_semaphore, #tpu.memory_space<semaphore_mem>>, %arg12: memref<!tpu.dma_semaphore, #tpu.memory_space<semaphore_mem>>, %arg13: memref<!tpu.dma_semaphore, #tpu.memory_space<semaphore_mem>>, %arg14: memref<!tpu.dma_semaphore, #tpu.memory_space<semaphore_mem>>) attributes {dimension_semantics = [#tpu.dimension_semantics<core_parallel>, #tpu.dimension_semantics<subcore_parallel>], iteration_bounds = array<i64: 2, 16>, scalar_prefetch = 0 : i64, scratch_operands = 8 : i64, tpu.core_type = #tpu.core_type<sc_vector_subcore>, window_params = [{transform_indices = #map}, {transform_indices = #map}, {transform_indices = #map}, {transform_indices = #map}, {transform_indices = #map1}]} {
    %scan3A = arith.constant 0 : i32
    %scan3A_0 = arith.constant 0 : i32
    %scan3A_1 = arith.constant 128 : i32
    %scan3A_2 = arith.addi %scan3A_0, %scan3A_1 : i32
    %scan3A_3 = arith.constant 1 : i32
    scf.for %scan3A_60 = %scan3A_0 to %scan3A_2 step %scan3A_3  : i32 {
      %broadcast_in_dim3A = arith.constant 0.000000e+00 : f32
      %broadcast_in_dim3A_61 = vector.broadcast %broadcast_in_dim3A : f32 to vector<16xf32>
      %swap3A = arith.index_cast %scan3A_60 : i32 to index
      %swap3A_62 = arith.constant 0 : index
      %swap3A_63 = tpu.vector_load %arg10[%swap3A, %swap3A_62] {strides = array<i32>} : memref<256x128xf32, #tpu.memory_space<vmem>>, vector<1x16xf32>,
      %swap3A_64 = vector.shape_cast %swap3A_63 : vector<1x16xf32> to vector<16xf32>
      %swap3A_65 = vector.shape_cast %broadcast_in_dim3A_61 : vector<16xf32> to vector<1x16xf32>
      tpu.vector_store %arg10[%swap3A, %swap3A_62], %swap3A_65 {strides = array<i32>} : memref<256x128xf32, #tpu.memory_space<vmem>>, vector<1x16xf32>,
      %broadcast_in_dim3A_66 = arith.constant 0.000000e+00 : f32
      %broadcast_in_dim3A_67 = vector.broadcast %broadcast_in_dim3A_66 : f32 to vector<16xf32>
      %swap3A_68 = arith.index_cast %scan3A_60 : i32 to index
      %swap3A_69 = arith.constant 16 : index
      %swap3A_70 = tpu.vector_load %arg10[%swap3A_68, %swap3A_69] {strides = array<i32>} : memref<256x128xf32, #tpu.memory_space<vmem>>, vector<1x16xf32>,
      %swap3A_71 = vector.shape_cast %swap3A_70 : vector<1x16xf32> to vector<16xf32>
      %swap3A_72 = vector.shape_cast %broadcast_in_dim3A_67 : vector<16xf32> to vector<1x16xf32>
      tpu.vector_store %arg10[%swap3A_68, %swap3A_69], %swap3A_72 {strides = array<i32>} : memref<256x128xf32, #tpu.memory_space<vmem>>, vector<1x16xf32>,
      %broadcast_in_dim3A_73 = arith.constant 0.000000e+00 : f32
      %broadcast_in_dim3A_74 = vector.broadcast %broadcast_in_dim3A_73 : f32 to vector<16xf32>
      %swap3A_75 = arith.index_cast %scan3A_60 : i32 to index
      %swap3A_76 = arith.constant 32 : index
      %swap3A_77 = tpu.vector_load %arg10[%swap3A_75, %swap3A_76] {strides = array<i32>} : memref<256x128xf32, #tpu.memory_space<vmem>>, vector<1x16xf32>,
      %swap3A_78 = vector.shape_cast %swap3A_77 : vector<1x16xf32> to vector<16xf32>
      %swap3A_79 = vector.shape_cast %broadcast_in_dim3A_74 : vector<16xf32> to vector<1x16xf32>
      tpu.vector_store %arg10[%swap3A_75, %swap3A_76], %swap3A_79 {strides = array<i32>} : memref<256x128xf32, #tpu.memory_space<vmem>>, vector<1x16xf32>,
      %broadcast_in_dim3A_80 = arith.constant 0.000000e+00 : f32
      %broadcast_in_dim3A_81 = vector.broadcast %broadcast_in_dim3A_80 : f32 to vector<16xf32>
      %swap3A_82 = arith.index_cast %scan3A_60 : i32 to index
      %swap3A_83 = arith.constant 48 : index
      %swap3A_84 = tpu.vector_load %arg10[%swap3A_82, %swap3A_83] {strides = array<i32>} : memref<256x128xf32, #tpu.memory_space<vmem>>, vector<1x16xf32>,
      %swap3A_85 = vector.shape_cast %swap3A_84 : vector<1x16xf32> to vector<16xf32>
      %swap3A_86 = vector.shape_cast %broadcast_in_dim3A_81 : vector<16xf32> to vector<1x16xf32>
      tpu.vector_store %arg10[%swap3A_82, %swap3A_83], %swap3A_86 {strides = array<i32>} : memref<256x128xf32, #tpu.memory_space<vmem>>, vector<1x16xf32>,
      %broadcast_in_dim3A_87 = arith.constant 0.000000e+00 : f32
      %broadcast_in_dim3A_88 = vector.broadcast %broadcast_in_dim3A_87 : f32 to vector<16xf32>
      %swap3A_89 = arith.index_cast %scan3A_60 : i32 to index
      %swap3A_90 = arith.constant 64 : index
      %swap3A_91 = tpu.vector_load %arg10[%swap3A_89, %swap3A_90] {strides = array<i32>} : memref<256x128xf32, #tpu.memory_space<vmem>>, vector<1x16xf32>,
      %swap3A_92 = vector.shape_cast %swap3A_91 : vector<1x16xf32> to vector<16xf32>
      %swap3A_93 = vector.shape_cast %broadcast_in_dim3A_88 : vector<16xf32> to vector<1x16xf32>
      tpu.vector_store %arg10[%swap3A_89, %swap3A_90], %swap3A_93 {strides = array<i32>} : memref<256x128xf32, #tpu.memory_space<vmem>>, vector<1x16xf32>,
      %broadcast_in_dim3A_94 = arith.constant 0.000000e+00 : f32
      %broadcast_in_dim3A_95 = vector.broadcast %broadcast_in_dim3A_94 : f32 to vector<16xf32>
      %swap3A_96 = arith.index_cast %scan3A_60 : i32 to index
      %swap3A_97 = arith.constant 80 : index
      %swap3A_98 = tpu.vector_load %arg10[%swap3A_96, %swap3A_97] {strides = array<i32>} : memref<256x128xf32, #tpu.memory_space<vmem>>, vector<1x16xf32>,
      %swap3A_99 = vector.shape_cast %swap3A_98 : vector<1x16xf32> to vector<16xf32>
      %swap3A_100 = vector.shape_cast %broadcast_in_dim3A_95 : vector<16xf32> to vector<1x16xf32>
      tpu.vector_store %arg10[%swap3A_96, %swap3A_97], %swap3A_100 {strides = array<i32>} : memref<256x128xf32, #tpu.memory_space<vmem>>, vector<1x16xf32>,
      %broadcast_in_dim3A_101 = arith.constant 0.000000e+00 : f32
      %broadcast_in_dim3A_102 = vector.broadcast %broadcast_in_dim3A_101 : f32 to vector<16xf32>
      %swap3A_103 = arith.index_cast %scan3A_60 : i32 to index
      %swap3A_104 = arith.constant 96 : index
      %swap3A_105 = tpu.vector_load %arg10[%swap3A_103, %swap3A_104] {strides = array<i32>} : memref<256x128xf32, #tpu.memory_space<vmem>>, vector<1x16xf32>,
      %swap3A_106 = vector.shape_cast %swap3A_105 : vector<1x16xf32> to vector<16xf32>
      %swap3A_107 = vector.shape_cast %broadcast_in_dim3A_102 : vector<16xf32> to vector<1x16xf32>
      tpu.vector_store %arg10[%swap3A_103, %swap3A_104], %swap3A_107 {strides = array<i32>} : memref<256x128xf32, #tpu.memory_space<vmem>>, vector<1x16xf32>,
      %broadcast_in_dim3A_108 = arith.constant 0.000000e+00 : f32
      %broadcast_in_dim3A_109 = vector.broadcast %broadcast_in_dim3A_108 : f32 to vector<16xf32>
      %swap3A_110 = arith.index_cast %scan3A_60 : i32 to index
      %swap3A_111 = arith.constant 112 : index
      %swap3A_112 = tpu.vector_load %arg10[%swap3A_110, %swap3A_111] {strides = array<i32>} : memref<256x128xf32, #tpu.memory_space<vmem>>, vector<1x16xf32>,
      %swap3A_113 = vector.shape_cast %swap3A_112 : vector<1x16xf32> to vector<16xf32>
      %swap3A_114 = vector.shape_cast %broadcast_in_dim3A_109 : vector<16xf32> to vector<1x16xf32>
      tpu.vector_store %arg10[%swap3A_110, %swap3A_111], %swap3A_114 {strides = array<i32>} : memref<256x128xf32, #tpu.memory_space<vmem>>, vector<1x16xf32>,
    }
    %scan3A_4 = arith.constant 128 : i32
    %scan3A_5 = arith.constant 0 : i32
    %scan3A_6 = arith.constant 0 : i32
    %scan3A_7 = arith.constant 4 : i32
    %scan3A_8 = arith.addi %scan3A_6, %scan3A_7 : i32
    %scan3A_9 = arith.constant 1 : i32
    scf.for %scan3A_60 = %scan3A_6 to %scan3A_8 step %scan3A_9  : i32 {
      %mul3A_61 = arith.constant 632 : i32
      %mul3A_62 = arith.muli %arg1, %mul3A_61 : i32
      %mul3A_63 = arith.constant 128 : i32
      %mul3A_64 = arith.muli %scan3A_60, %mul3A_63 : i32
      %add3A_65 = arith.addi %mul3A_62, %mul3A_64 : i32
      "tpu.region"() ({
        %run_scoped3A = tpu.sem_alloc : memref<!tpu.dma_semaphore, #tpu.memory_space<semaphore_mem>>
        %dma_start3A = arith.constant 0 : i32
        %dma_start3A_66 = arith.constant 0 : i32
        %dma_start3A_67 = tpu.memref_slice %arg10[%dma_start3A, %dma_start3A_66] : memref<256x128xf32, #tpu.memory_space<vmem>> -> memref<128x128xf32, #tpu.memory_space<vmem>>
        %dma_start3A_68 = arith.constant 0 : i32
        %dma_start3A_69 = tpu.memref_slice %arg7[%add3A_65, %dma_start3A_68] : memref<10112x128xf32, #tpu.memory_space<vmem_shared>> -> memref<128x128xf32, #tpu.memory_space<vmem_shared>>
        %dma_start3A_70 = arith.constant 0 : i32
        %dma_start3A_71 = tpu.memref_slice %arg7[%add3A_65, %dma_start3A_70] : memref<10112x128xf32, #tpu.memory_space<vmem_shared>> -> memref<128x128xf32, #tpu.memory_space<vmem_shared>>
        %dma_start3A_72 = arith.constant 0 : i32
        %dma_start3A_73 = arith.constant 0 : i32
        %dma_start3A_74 = tpu.memref_slice %arg10[%dma_start3A_72, %dma_start3A_73] : memref<256x128xf32, #tpu.memory_space<vmem>> -> memref<128x128xf32, #tpu.memory_space<vmem>>
        tpu.enqueue_dma source(%dma_start3A_74 : memref<128x128xf32, #tpu.memory_space<vmem>>) target(%dma_start3A_71 : memref<128x128xf32, #tpu.memory_space<vmem_shared>>) target_semaphore(%run_scoped3A : memref<!tpu.dma_semaphore, #tpu.memory_space<semaphore_mem>>)
        %dma_wait3A_75 = arith.constant 0 : i32
        %dma_wait3A_76 = arith.constant 0 : i32
        %dma_wait3A_77 = tpu.memref_slice %arg10[%dma_wait3A_75, %dma_wait3A_76] : memref<256x128xf32, #tpu.memory_space<vmem>> -> memref<128x128xf32, #tpu.memory_space<vmem>>
        %dma_wait3A_78 = arith.constant 0 : i32
        %dma_wait3A_79 = tpu.memref_slice %arg7[%add3A_65, %dma_wait3A_78] : memref<10112x128xf32, #tpu.memory_space<vmem_shared>> -> memref<128x128xf32, #tpu.memory_space<vmem_shared>>
        %dma_wait3A_80 = arith.constant 0 : i32
        %dma_wait3A_81 = tpu.memref_slice %arg7[%add3A_65, %dma_wait3A_80] : memref<10112x128xf32, #tpu.memory_space<vmem_shared>> -> memref<128x128xf32, #tpu.memory_space<vmem_shared>>
        %dma_wait3A_82 = arith.constant 0 : i32
        %dma_wait3A_83 = arith.constant 0 : i32
        %dma_wait3A_84 = tpu.memref_slice %arg10[%dma_wait3A_82, %dma_wait3A_83] : memref<256x128xf32, #tpu.memory_space<vmem>> -> memref<128x128xf32, #tpu.memory_space<vmem>>
        tpu.wait_dma2 semaphore(%run_scoped3A : memref<!tpu.dma_semaphore, #tpu.memory_space<semaphore_mem>>) src(%dma_wait3A_84 : memref<128x128xf32, #tpu.memory_space<vmem>>) dst(%dma_wait3A_81 : memref<128x128xf32, #tpu.memory_space<vmem_shared>>)
        tpu.yield
      }) : () -> ()
    }
    %scan3A_10 = arith.constant 4 : i32
    %mul3A = arith.constant 632 : i32
    %mul3A_11 = arith.muli %arg1, %mul3A : i32
    %add3A = arith.constant 512 : i32
    %add3A_12 = arith.addi %mul3A_11, %add3A : i32
    "tpu.region"() ({
      %run_scoped3A = tpu.sem_alloc : memref<!tpu.dma_semaphore, #tpu.memory_space<semaphore_mem>>
      %dma_start3A = arith.constant 0 : i32
      %dma_start3A_60 = arith.constant 0 : i32
      %dma_start3A_61 = tpu.memref_slice %arg10[%dma_start3A, %dma_start3A_60] : memref<256x128xf32, #tpu.memory_space<vmem>> -> memref<120x128xf32, #tpu.memory_space<vmem>>
      %dma_start3A_62 = arith.constant 0 : i32
      %dma_start3A_63 = tpu.memref_slice %arg7[%add3A_12, %dma_start3A_62] : memref<10112x128xf32, #tpu.memory_space<vmem_shared>> -> memref<120x128xf32, #tpu.memory_space<vmem_shared>>
      %dma_start3A_64 = arith.constant 0 : i32
      %dma_start3A_65 = tpu.memref_slice %arg7[%add3A_12, %dma_start3A_64] : memref<10112x128xf32, #tpu.memory_space<vmem_shared>> -> memref<120x128xf32, #tpu.memory_space<vmem_shared>>
      %dma_start3A_66 = arith.constant 0 : i32
      %dma_start3A_67 = arith.constant 0 : i32
      %dma_start3A_68 = tpu.memref_slice %arg10[%dma_start3A_66, %dma_start3A_67] : memref<256x128xf32, #tpu.memory_space<vmem>> -> memref<120x128xf32, #tpu.memory_space<vmem>>
      tpu.enqueue_dma source(%dma_start3A_68 : memref<120x128xf32, #tpu.memory_space<vmem>>) target(%dma_start3A_65 : memref<120x128xf32, #tpu.memory_space<vmem_shared>>) target_semaphore(%run_scoped3A : memref<!tpu.dma_semaphore, #tpu.memory_space<semaphore_mem>>)
      %dma_wait3A_69 = arith.constant 0 : i32
      %dma_wait3A_70 = arith.constant 0 : i32
      %dma_wait3A_71 = tpu.memref_slice %arg10[%dma_wait3A_69, %dma_wait3A_70] : memref<256x128xf32, #tpu.memory_space<vmem>> -> memref<120x128xf32, #tpu.memory_space<vmem>>
      %dma_wait3A_72 = arith.constant 0 : i32
      %dma_wait3A_73 = tpu.memref_slice %arg7[%add3A_12, %dma_wait3A_72] : memref<10112x128xf32, #tpu.memory_space<vmem_shared>> -> memref<120x128xf32, #tpu.memory_space<vmem_shared>>
      %dma_wait3A_74 = arith.constant 0 : i32
      %dma_wait3A_75 = tpu.memref_slice %arg7[%add3A_12, %dma_wait3A_74] : memref<10112x128xf32, #tpu.memory_space<vmem_shared>> -> memref<120x128xf32, #tpu.memory_space<vmem_shared>>
      %dma_wait3A_76 = arith.constant 0 : i32
      %dma_wait3A_77 = arith.constant 0 : i32
      %dma_wait3A_78 = tpu.memref_slice %arg10[%dma_wait3A_76, %dma_wait3A_77] : memref<256x128xf32, #tpu.memory_space<vmem>> -> memref<120x128xf32, #tpu.memory_space<vmem>>
      tpu.wait_dma2 semaphore(%run_scoped3A : memref<!tpu.dma_semaphore, #tpu.memory_space<semaphore_mem>>) src(%dma_wait3A_78 : memref<120x128xf32, #tpu.memory_space<vmem>>) dst(%dma_wait3A_75 : memref<120x128xf32, #tpu.memory_space<vmem_shared>>)
      tpu.yield
    }) : () -> ()
    %barrier3A = arith.constant 0 : index
    tpu.barrier barrier_id(%barrier3A)
    %mul3A_13 = arith.constant 160 : i32
    %mul3A_14 = arith.muli %arg1, %mul3A_13 : i32
    %eq3A = arith.constant 0 : i32
    %eq3A_15 = arith.cmpi eq, %arg0, %eq3A : i32
    %convert_element_type3A = arith.extui %eq3A_15 : i1 to i32
    %cond3A = arith.constant 0 : i32
    %cond3A_16 = arith.cmpi ne, %convert_element_type3A, %cond3A : i32
    scf.if %cond3A_16 {
      %dma_start3A = arith.constant 0 : i32
      %dma_start3A_60 = arith.constant 0 : i32
      %dma_start3A_61 = tpu.memref_slice %arg8[%dma_start3A, %dma_start3A_60] : memref<2x128xi32, #tpu.memory_space<vmem>> -> memref<1x128xi32, #tpu.memory_space<vmem>>
      %dma_start3A_62 = arith.constant 0 : i32
      %dma_start3A_63 = tpu.memref_slice %arg4[%mul3A_14, %dma_start3A_62] : memref<2560x128xi32, #tpu.memory_space<hbm>> -> memref<1x128xi32, #tpu.memory_space<hbm>>
      %dma_start3A_64 = arith.constant 0 : i32
      %dma_start3A_65 = arith.constant 0 : i32
      %dma_start3A_66 = tpu.memref_slice %arg8[%dma_start3A_64, %dma_start3A_65] : memref<2x128xi32, #tpu.memory_space<vmem>> -> memref<1x128xi32, #tpu.memory_space<vmem>>
      %dma_start3A_67 = arith.constant 0 : i32
      %dma_start3A_68 = tpu.memref_slice %arg4[%mul3A_14, %dma_start3A_67] : memref<2560x128xi32, #tpu.memory_space<hbm>> -> memref<1x128xi32, #tpu.memory_space<hbm>>
      tpu.enqueue_dma source(%dma_start3A_68 : memref<1x128xi32, #tpu.memory_space<hbm>>) target(%dma_start3A_66 : memref<1x128xi32, #tpu.memory_space<vmem>>) target_semaphore(%arg11 : memref<!tpu.dma_semaphore, #tpu.memory_space<semaphore_mem>>)
      %dma_start3A_69 = arith.constant 0 : i32
      %dma_start3A_70 = arith.constant 0 : i32
      %dma_start3A_71 = tpu.memref_slice %arg9[%dma_start3A_69, %dma_start3A_70] : memref<2x128xi32, #tpu.memory_space<vmem>> -> memref<1x128xi32, #tpu.memory_space<vmem>>
      %dma_start3A_72 = arith.constant 0 : i32
      %dma_start3A_73 = tpu.memref_slice %arg5[%mul3A_14, %dma_start3A_72] : memref<2560x128xi32, #tpu.memory_space<hbm>> -> memref<1x128xi32, #tpu.memory_space<hbm>>
      %dma_start3A_74 = arith.constant 0 : i32
      %dma_start3A_75 = arith.constant 0 : i32
      %dma_start3A_76 = tpu.memref_slice %arg9[%dma_start3A_74, %dma_start3A_75] : memref<2x128xi32, #tpu.memory_space<vmem>> -> memref<1x128xi32, #tpu.memory_space<vmem>>
      %dma_start3A_77 = arith.constant 0 : i32
      %dma_start3A_78 = tpu.memref_slice %arg5[%mul3A_14, %dma_start3A_77] : memref<2560x128xi32, #tpu.memory_space<hbm>> -> memref<1x128xi32, #tpu.memory_space<hbm>>
      tpu.enqueue_dma source(%dma_start3A_78 : memref<1x128xi32, #tpu.memory_space<hbm>>) target(%dma_start3A_76 : memref<1x128xi32, #tpu.memory_space<vmem>>) target_semaphore(%arg11 : memref<!tpu.dma_semaphore, #tpu.memory_space<semaphore_mem>>)
      %scan3A_79 = arith.constant 0 : i32
      %scan3A_80 = arith.constant 0 : i32
      %scan3A_81 = arith.constant 80 : i32
      %scan3A_82 = arith.addi %scan3A_80, %scan3A_81 : i32
      %scan3A_83 = arith.constant 1 : i32
      scf.for %scan3A_85 = %scan3A_80 to %scan3A_82 step %scan3A_83  : i32 {
        %mul3A_86 = arith.constant 2 : i32
        %mul3A_87 = arith.muli %mul3A_86, %scan3A_85 : i32
        %add3A_88 = arith.addi %mul3A_14, %mul3A_87 : i32
        %dma_wait3A_89 = arith.constant 0 : i32
        %dma_wait3A_90 = arith.constant 0 : i32
        %dma_wait3A_91 = tpu.memref_slice %arg8[%dma_wait3A_89, %dma_wait3A_90] : memref<2x128xi32, #tpu.memory_space<vmem>> -> memref<1x128xi32, #tpu.memory_space<vmem>>
        %dma_wait3A_92 = arith.constant 0 : i32
        %dma_wait3A_93 = tpu.memref_slice %arg4[%add3A_88, %dma_wait3A_92] : memref<2560x128xi32, #tpu.memory_space<hbm>> -> memref<1x128xi32, #tpu.memory_space<hbm>>
        %dma_wait3A_94 = arith.constant 0 : i32
        %dma_wait3A_95 = arith.constant 0 : i32
        %dma_wait3A_96 = tpu.memref_slice %arg8[%dma_wait3A_94, %dma_wait3A_95] : memref<2x128xi32, #tpu.memory_space<vmem>> -> memref<1x128xi32, #tpu.memory_space<vmem>>
        %dma_wait3A_97 = arith.constant 0 : i32
        %dma_wait3A_98 = tpu.memref_slice %arg4[%add3A_88, %dma_wait3A_97] : memref<2560x128xi32, #tpu.memory_space<hbm>> -> memref<1x128xi32, #tpu.memory_space<hbm>>
        tpu.wait_dma2 semaphore(%arg11 : memref<!tpu.dma_semaphore, #tpu.memory_space<semaphore_mem>>) src(%dma_wait3A_98 : memref<1x128xi32, #tpu.memory_space<hbm>>) dst(%dma_wait3A_96 : memref<1x128xi32, #tpu.memory_space<vmem>>)
        %dma_wait3A_99 = arith.constant 0 : i32
        %dma_wait3A_100 = arith.constant 0 : i32
        %dma_wait3A_101 = tpu.memref_slice %arg9[%dma_wait3A_99, %dma_wait3A_100] : memref<2x128xi32, #tpu.memory_space<vmem>> -> memref<1x128xi32, #tpu.memory_space<vmem>>
        %dma_wait3A_102 = arith.constant 0 : i32
        %dma_wait3A_103 = tpu.memref_slice %arg5[%add3A_88, %dma_wait3A_102] : memref<2560x128xi32, #tpu.memory_space<hbm>> -> memref<1x128xi32, #tpu.memory_space<hbm>>
        %dma_wait3A_104 = arith.constant 0 : i32
        %dma_wait3A_105 = arith.constant 0 : i32
        %dma_wait3A_106 = tpu.memref_slice %arg9[%dma_wait3A_104, %dma_wait3A_105] : memref<2x128xi32, #tpu.memory_space<vmem>> -> memref<1x128xi32, #tpu.memory_space<vmem>>
        %dma_wait3A_107 = arith.constant 0 : i32
        %dma_wait3A_108 = tpu.memref_slice %arg5[%add3A_88, %dma_wait3A_107] : memref<2560x128xi32, #tpu.memory_space<hbm>> -> memref<1x128xi32, #tpu.memory_space<hbm>>
        tpu.wait_dma2 semaphore(%arg11 : memref<!tpu.dma_semaphore, #tpu.memory_space<semaphore_mem>>) src(%dma_wait3A_108 : memref<1x128xi32, #tpu.memory_space<hbm>>) dst(%dma_wait3A_106 : memref<1x128xi32, #tpu.memory_space<vmem>>)
        %add3A_109 = arith.constant 1 : i32
        %add3A_110 = arith.addi %add3A_88, %add3A_109 : i32
        %dma_start3A_111 = arith.constant 1 : i32
        %dma_start3A_112 = arith.constant 0 : i32
        %dma_start3A_113 = tpu.memref_slice %arg8[%dma_start3A_111, %dma_start3A_112] : memref<2x128xi32, #tpu.memory_space<vmem>> -> memref<1x128xi32, #tpu.memory_space<vmem>>
        %dma_start3A_114 = arith.constant 0 : i32
        %dma_start3A_115 = tpu.memref_slice %arg4[%add3A_110, %dma_start3A_114] : memref<2560x128xi32, #tpu.memory_space<hbm>> -> memref<1x128xi32, #tpu.memory_space<hbm>>
        %dma_start3A_116 = arith.constant 1 : i32
        %dma_start3A_117 = arith.constant 0 : i32
        %dma_start3A_118 = tpu.memref_slice %arg8[%dma_start3A_116, %dma_start3A_117] : memref<2x128xi32, #tpu.memory_space<vmem>> -> memref<1x128xi32, #tpu.memory_space<vmem>>
        %dma_start3A_119 = arith.constant 0 : i32
        %dma_start3A_120 = tpu.memref_slice %arg4[%add3A_110, %dma_start3A_119] : memref<2560x128xi32, #tpu.memory_space<hbm>> -> memref<1x128xi32, #tpu.memory_space<hbm>>
        tpu.enqueue_dma source(%dma_start3A_120 : memref<1x128xi32, #tpu.memory_space<hbm>>) target(%dma_start3A_118 : memref<1x128xi32, #tpu.memory_space<vmem>>) target_semaphore(%arg11 : memref<!tpu.dma_semaphore, #tpu.memory_space<semaphore_mem>>)
        %add3A_121 = arith.constant 1 : i32
        %add3A_122 = arith.addi %add3A_88, %add3A_121 : i32
        %dma_start3A_123 = arith.constant 1 : i32
        %dma_start3A_124 = arith.constant 0 : i32
        %dma_start3A_125 = tpu.memref_slice %arg9[%dma_start3A_123, %dma_start3A_124] : memref<2x128xi32, #tpu.memory_space<vmem>> -> memref<1x128xi32, #tpu.memory_space<vmem>>
        %dma_start3A_126 = arith.constant 0 : i32
        %dma_start3A_127 = tpu.memref_slice %arg5[%add3A_122, %dma_start3A_126] : memref<2560x128xi32, #tpu.memory_space<hbm>> -> memref<1x128xi32, #tpu.memory_space<hbm>>
        %dma_start3A_128 = arith.constant 1 : i32
        %dma_start3A_129 = arith.constant 0 : i32
        %dma_start3A_130 = tpu.memref_slice %arg9[%dma_start3A_128, %dma_start3A_129] : memref<2x128xi32, #tpu.memory_space<vmem>> -> memref<1x128xi32, #tpu.memory_space<vmem>>
        %dma_start3A_131 = arith.constant 0 : i32
        %dma_start3A_132 = tpu.memref_slice %arg5[%add3A_122, %dma_start3A_131] : memref<2560x128xi32, #tpu.memory_space<hbm>> -> memref<1x128xi32, #tpu.memory_space<hbm>>
        tpu.enqueue_dma source(%dma_start3A_132 : memref<1x128xi32, #tpu.memory_space<hbm>>) target(%dma_start3A_130 : memref<1x128xi32, #tpu.memory_space<vmem>>) target_semaphore(%arg11 : memref<!tpu.dma_semaphore, #tpu.memory_space<semaphore_mem>>)
        %gt3A = arith.constant 0 : i32
        %gt3A_133 = arith.cmpi sgt, %scan3A_85, %gt3A : i32
        %convert_element_type3A_134 = arith.extui %gt3A_133 : i1 to i32
        %cond3A_135 = arith.constant 0 : i32
        %cond3A_136 = arith.cmpi ne, %convert_element_type3A_134, %cond3A_135 : i32
        scf.if %cond3A_136 {
          %dma_wait3A_246 = arith.constant 0 : i32
          %dma_wait3A_247 = arith.constant 0 : i32
          %dma_wait3A_248 = tpu.memref_slice %arg10[%dma_wait3A_246, %dma_wait3A_247] : memref<256x128xf32, #tpu.memory_space<vmem>> -> memref<128x128xf32, #tpu.memory_space<vmem>>
          %dma_wait3A_249 = arith.constant 0 : i32
          %dma_wait3A_250 = arith.constant 0 : i32
          %dma_wait3A_251 = tpu.memref_slice %arg7[%dma_wait3A_249, %dma_wait3A_250] : memref<10112x128xf32, #tpu.memory_space<vmem_shared>> -> memref<128x128xf32, #tpu.memory_space<vmem_shared>>
          %dma_wait3A_252 = arith.constant 0 : i32
          %dma_wait3A_253 = arith.constant 0 : i32
          %dma_wait3A_254 = tpu.memref_slice %arg7[%dma_wait3A_252, %dma_wait3A_253] : memref<10112x128xf32, #tpu.memory_space<vmem_shared>> -> memref<128x128xf32, #tpu.memory_space<vmem_shared>>
          %dma_wait3A_255 = arith.constant 0 : i32
          %dma_wait3A_256 = arith.constant 0 : i32
          %dma_wait3A_257 = tpu.memref_slice %arg10[%dma_wait3A_255, %dma_wait3A_256] : memref<256x128xf32, #tpu.memory_space<vmem>> -> memref<128x128xf32, #tpu.memory_space<vmem>>
          tpu.wait_dma2 semaphore(%arg13 : memref<!tpu.dma_semaphore, #tpu.memory_space<semaphore_mem>>) src(%dma_wait3A_257 : memref<128x128xf32, #tpu.memory_space<vmem>>) dst(%dma_wait3A_254 : memref<128x128xf32, #tpu.memory_space<vmem_shared>>)
        } else {
        }
        %dma_start3A_137 = arith.constant 0 : i32
        %dma_start3A_138 = arith.constant 0 : i32
        %dma_start3A_139 = arith.constant 0 : i32
        %dma_start3A_140 = tpu.memref_slice %arg10[%dma_start3A_138, %dma_start3A_139] : memref<256x128xf32, #tpu.memory_space<vmem>> -> memref<128x128xf32, #tpu.memory_space<vmem>>
        %dma_start3A_141 = arith.constant 0 : i32
        %dma_start3A_142 = arith.constant 0 : i32
        %dma_start3A_143 = tpu.memref_slice %arg8[%dma_start3A_141, %dma_start3A_142] : memref<2x128xi32, #tpu.memory_space<vmem>> -> memref<1x128xi32, #tpu.memory_space<vmem>>
        %dma_start3A_144 = arith.constant 0 : i32
        %dma_start3A_145 = tpu.memref_slice %dma_start3A_143[%dma_start3A_137, %dma_start3A_144] : memref<1x128xi32, #tpu.memory_space<vmem>> -> memref<1x128xi32, #tpu.memory_space<vmem>>
        %dma_start3A_146 = tpu.memref_squeeze %dma_start3A_145 : memref<1x128xi32, #tpu.memory_space<vmem>> -> memref<128xi32, #tpu.memory_space<vmem>>
        %dma_start3A_147 = arith.constant 0 : i32
        %dma_start3A_148 = arith.constant 0 : i32
        %dma_start3A_149 = tpu.memref_slice %arg2[%dma_start3A_147, %dma_start3A_148] : memref<10000x128xf32, #tpu.memory_space<hbm>> -> memref<10000x128xf32, #tpu.memory_space<hbm>>
        tpu.enqueue_indirect_dma source(%dma_start3A_149 : memref<10000x128xf32, #tpu.memory_space<hbm>>) target(%dma_start3A_140 : memref<128x128xf32, #tpu.memory_space<vmem>>) offsets(%dma_start3A_146 : memref<128xi32, #tpu.memory_space<vmem>>) semaphore(%arg12 : memref<!tpu.dma_semaphore, #tpu.memory_space<semaphore_mem>>)
        %dma_wait3A_150 = arith.constant 0 : i32
        %dma_wait3A_151 = arith.constant 0 : i32
        %dma_wait3A_152 = arith.constant 0 : i32
        %dma_wait3A_153 = tpu.memref_slice %arg10[%dma_wait3A_151, %dma_wait3A_152] : memref<256x128xf32, #tpu.memory_space<vmem>> -> memref<128x128xf32, #tpu.memory_space<vmem>>
        %dma_wait3A_154 = arith.constant 0 : i32
        %dma_wait3A_155 = arith.constant 0 : i32
        %dma_wait3A_156 = tpu.memref_slice %arg8[%dma_wait3A_154, %dma_wait3A_155] : memref<2x128xi32, #tpu.memory_space<vmem>> -> memref<1x128xi32, #tpu.memory_space<vmem>>
        %dma_wait3A_157 = arith.constant 0 : i32
        %dma_wait3A_158 = tpu.memref_slice %dma_wait3A_156[%dma_wait3A_150, %dma_wait3A_157] : memref<1x128xi32, #tpu.memory_space<vmem>> -> memref<1x128xi32, #tpu.memory_space<vmem>>
        %dma_wait3A_159 = tpu.memref_squeeze %dma_wait3A_158 : memref<1x128xi32, #tpu.memory_space<vmem>> -> memref<128xi32, #tpu.memory_space<vmem>>
        %dma_wait3A_160 = arith.constant 0 : i32
        %dma_wait3A_161 = arith.constant 0 : i32
        %dma_wait3A_162 = tpu.memref_slice %arg2[%dma_wait3A_160, %dma_wait3A_161] : memref<10000x128xf32, #tpu.memory_space<hbm>> -> memref<10000x128xf32, #tpu.memory_space<hbm>>
        tpu.wait_indirect_dma semaphore(%arg12 : memref<!tpu.dma_semaphore, #tpu.memory_space<semaphore_mem>>) src(%dma_wait3A_162 : memref<10000x128xf32, #tpu.memory_space<hbm>>) dst(%dma_wait3A_153 : memref<128x128xf32, #tpu.memory_space<vmem>>)
        %dma_start3A_163 = arith.constant 0 : i32
        %dma_start3A_164 = arith.constant 0 : i32
        %dma_start3A_165 = arith.constant 0 : i32
        %dma_start3A_166 = tpu.memref_slice %arg10[%dma_start3A_164, %dma_start3A_165] : memref<256x128xf32, #tpu.memory_space<vmem>> -> memref<128x128xf32, #tpu.memory_space<vmem>>
        %dma_start3A_167 = arith.constant 0 : i32
        %dma_start3A_168 = arith.constant 0 : i32
        %dma_start3A_169 = tpu.memref_slice %arg9[%dma_start3A_167, %dma_start3A_168] : memref<2x128xi32, #tpu.memory_space<vmem>> -> memref<1x128xi32, #tpu.memory_space<vmem>>
        %dma_start3A_170 = arith.constant 0 : i32
        %dma_start3A_171 = tpu.memref_slice %dma_start3A_169[%dma_start3A_163, %dma_start3A_170] : memref<1x128xi32, #tpu.memory_space<vmem>> -> memref<1x128xi32, #tpu.memory_space<vmem>>
        %dma_start3A_172 = tpu.memref_squeeze %dma_start3A_171 : memref<1x128xi32, #tpu.memory_space<vmem>> -> memref<128xi32, #tpu.memory_space<vmem>>
        %dma_start3A_173 = arith.constant 0 : i32
        %dma_start3A_174 = arith.constant 0 : i32
        %dma_start3A_175 = tpu.memref_slice %arg7[%dma_start3A_173, %dma_start3A_174] : memref<10112x128xf32, #tpu.memory_space<vmem_shared>> -> memref<10112x128xf32, #tpu.memory_space<vmem_shared>>
        tpu.enqueue_indirect_dma source(%dma_start3A_166 : memref<128x128xf32, #tpu.memory_space<vmem>>) target(%dma_start3A_175 : memref<10112x128xf32, #tpu.memory_space<vmem_shared>>) offsets(%dma_start3A_172 : memref<128xi32, #tpu.memory_space<vmem>>) semaphore(%arg13 : memref<!tpu.dma_semaphore, #tpu.memory_space<semaphore_mem>>) {add = true}
        %dma_wait3A_176 = arith.constant 1 : i32
        %dma_wait3A_177 = arith.constant 0 : i32
        %dma_wait3A_178 = tpu.memref_slice %arg8[%dma_wait3A_176, %dma_wait3A_177] : memref<2x128xi32, #tpu.memory_space<vmem>> -> memref<1x128xi32, #tpu.memory_space<vmem>>
        %dma_wait3A_179 = arith.constant 0 : i32
        %dma_wait3A_180 = tpu.memref_slice %arg4[%add3A_110, %dma_wait3A_179] : memref<2560x128xi32, #tpu.memory_space<hbm>> -> memref<1x128xi32, #tpu.memory_space<hbm>>
        %dma_wait3A_181 = arith.constant 1 : i32
        %dma_wait3A_182 = arith.constant 0 : i32
        %dma_wait3A_183 = tpu.memref_slice %arg8[%dma_wait3A_181, %dma_wait3A_182] : memref<2x128xi32, #tpu.memory_space<vmem>> -> memref<1x128xi32, #tpu.memory_space<vmem>>
        %dma_wait3A_184 = arith.constant 0 : i32
        %dma_wait3A_185 = tpu.memref_slice %arg4[%add3A_110, %dma_wait3A_184] : memref<2560x128xi32, #tpu.memory_space<hbm>> -> memref<1x128xi32, #tpu.memory_space<hbm>>
        tpu.wait_dma2 semaphore(%arg11 : memref<!tpu.dma_semaphore, #tpu.memory_space<semaphore_mem>>) src(%dma_wait3A_185 : memref<1x128xi32, #tpu.memory_space<hbm>>) dst(%dma_wait3A_183 : memref<1x128xi32, #tpu.memory_space<vmem>>)
        %dma_wait3A_186 = arith.constant 1 : i32
        %dma_wait3A_187 = arith.constant 0 : i32
        %dma_wait3A_188 = tpu.memref_slice %arg9[%dma_wait3A_186, %dma_wait3A_187] : memref<2x128xi32, #tpu.memory_space<vmem>> -> memref<1x128xi32, #tpu.memory_space<vmem>>
        %dma_wait3A_189 = arith.constant 0 : i32
        %dma_wait3A_190 = tpu.memref_slice %arg5[%add3A_122, %dma_wait3A_189] : memref<2560x128xi32, #tpu.memory_space<hbm>> -> memref<1x128xi32, #tpu.memory_space<hbm>>
        %dma_wait3A_191 = arith.constant 1 : i32
        %dma_wait3A_192 = arith.constant 0 : i32
        %dma_wait3A_193 = tpu.memref_slice %arg9[%dma_wait3A_191, %dma_wait3A_192] : memref<2x128xi32, #tpu.memory_space<vmem>> -> memref<1x128xi32, #tpu.memory_space<vmem>>
        %dma_wait3A_194 = arith.constant 0 : i32
        %dma_wait3A_195 = tpu.memref_slice %arg5[%add3A_122, %dma_wait3A_194] : memref<2560x128xi32, #tpu.memory_space<hbm>> -> memref<1x128xi32, #tpu.memory_space<hbm>>
        tpu.wait_dma2 semaphore(%arg11 : memref<!tpu.dma_semaphore, #tpu.memory_space<semaphore_mem>>) src(%dma_wait3A_195 : memref<1x128xi32, #tpu.memory_space<hbm>>) dst(%dma_wait3A_193 : memref<1x128xi32, #tpu.memory_space<vmem>>)
        %gt3A_196 = arith.constant 0 : i32
        %gt3A_197 = arith.cmpi sgt, %scan3A_85, %gt3A_196 : i32
        %convert_element_type3A_198 = arith.extui %gt3A_197 : i1 to i32
        %cond3A_199 = arith.constant 0 : i32
        %cond3A_200 = arith.cmpi ne, %convert_element_type3A_198, %cond3A_199 : i32
        scf.if %cond3A_200 {
          %dma_wait3A_246 = arith.constant 128 : i32
          %dma_wait3A_247 = arith.constant 0 : i32
          %dma_wait3A_248 = tpu.memref_slice %arg10[%dma_wait3A_246, %dma_wait3A_247] : memref<256x128xf32, #tpu.memory_space<vmem>> -> memref<128x128xf32, #tpu.memory_space<vmem>>
          %dma_wait3A_249 = arith.constant 0 : i32
          %dma_wait3A_250 = arith.constant 0 : i32
          %dma_wait3A_251 = tpu.memref_slice %arg7[%dma_wait3A_249, %dma_wait3A_250] : memref<10112x128xf32, #tpu.memory_space<vmem_shared>> -> memref<128x128xf32, #tpu.memory_space<vmem_shared>>
          %dma_wait3A_252 = arith.constant 0 : i32
          %dma_wait3A_253 = arith.constant 0 : i32
          %dma_wait3A_254 = tpu.memref_slice %arg7[%dma_wait3A_252, %dma_wait3A_253] : memref<10112x128xf32, #tpu.memory_space<vmem_shared>> -> memref<128x128xf32, #tpu.memory_space<vmem_shared>>
          %dma_wait3A_255 = arith.constant 128 : i32
          %dma_wait3A_256 = arith.constant 0 : i32
          %dma_wait3A_257 = tpu.memref_slice %arg10[%dma_wait3A_255, %dma_wait3A_256] : memref<256x128xf32, #tpu.memory_space<vmem>> -> memref<128x128xf32, #tpu.memory_space<vmem>>
          tpu.wait_dma2 semaphore(%arg14 : memref<!tpu.dma_semaphore, #tpu.memory_space<semaphore_mem>>) src(%dma_wait3A_257 : memref<128x128xf32, #tpu.memory_space<vmem>>) dst(%dma_wait3A_254 : memref<128x128xf32, #tpu.memory_space<vmem_shared>>)
        } else {
        }
        %dma_start3A_201 = arith.constant 0 : i32
        %dma_start3A_202 = arith.constant 128 : i32
        %dma_start3A_203 = arith.constant 0 : i32
        %dma_start3A_204 = tpu.memref_slice %arg10[%dma_start3A_202, %dma_start3A_203] : memref<256x128xf32, #tpu.memory_space<vmem>> -> memref<128x128xf32, #tpu.memory_space<vmem>>
        %dma_start3A_205 = arith.constant 1 : i32
        %dma_start3A_206 = arith.constant 0 : i32
        %dma_start3A_207 = tpu.memref_slice %arg8[%dma_start3A_205, %dma_start3A_206] : memref<2x128xi32, #tpu.memory_space<vmem>> -> memref<1x128xi32, #tpu.memory_space<vmem>>
        %dma_start3A_208 = arith.constant 0 : i32
        %dma_start3A_209 = tpu.memref_slice %dma_start3A_207[%dma_start3A_201, %dma_start3A_208] : memref<1x128xi32, #tpu.memory_space<vmem>> -> memref<1x128xi32, #tpu.memory_space<vmem>>
        %dma_start3A_210 = tpu.memref_squeeze %dma_start3A_209 : memref<1x128xi32, #tpu.memory_space<vmem>> -> memref<128xi32, #tpu.memory_space<vmem>>
        %dma_start3A_211 = arith.constant 0 : i32
        %dma_start3A_212 = arith.constant 0 : i32
        %dma_start3A_213 = tpu.memref_slice %arg2[%dma_start3A_211, %dma_start3A_212] : memref<10000x128xf32, #tpu.memory_space<hbm>> -> memref<10000x128xf32, #tpu.memory_space<hbm>>
        tpu.enqueue_indirect_dma source(%dma_start3A_213 : memref<10000x128xf32, #tpu.memory_space<hbm>>) target(%dma_start3A_204 : memref<128x128xf32, #tpu.memory_space<vmem>>) offsets(%dma_start3A_210 : memref<128xi32, #tpu.memory_space<vmem>>) semaphore(%arg12 : memref<!tpu.dma_semaphore, #tpu.memory_space<semaphore_mem>>)
        %add3A_214 = arith.constant 1 : i32
        %add3A_215 = arith.addi %scan3A_85, %add3A_214 : i32
        %lt3A = arith.constant 80 : i32
        %lt3A_216 = arith.cmpi slt, %add3A_215, %lt3A : i32
        %convert_element_type3A_217 = arith.extui %lt3A_216 : i1 to i32
        %cond3A_218 = arith.constant 0 : i32
        %cond3A_219 = arith.cmpi ne, %convert_element_type3A_217, %cond3A_218 : i32
        scf.if %cond3A_219 {
          %add3A_246 = arith.constant 2 : i32
          %add3A_247 = arith.addi %add3A_88, %add3A_246 : i32
          %dma_start3A_248 = arith.constant 0 : i32
          %dma_start3A_249 = arith.constant 0 : i32
          %dma_start3A_250 = tpu.memref_slice %arg8[%dma_start3A_248, %dma_start3A_249] : memref<2x128xi32, #tpu.memory_space<vmem>> -> memref<1x128xi32, #tpu.memory_space<vmem>>
          %dma_start3A_251 = arith.constant 0 : i32
          %dma_start3A_252 = tpu.memref_slice %arg4[%add3A_247, %dma_start3A_251] : memref<2560x128xi32, #tpu.memory_space<hbm>> -> memref<1x128xi32, #tpu.memory_space<hbm>>
          %dma_start3A_253 = arith.constant 0 : i32
          %dma_start3A_254 = arith.constant 0 : i32
          %dma_start3A_255 = tpu.memref_slice %arg8[%dma_start3A_253, %dma_start3A_254] : memref<2x128xi32, #tpu.memory_space<vmem>> -> memref<1x128xi32, #tpu.memory_space<vmem>>
          %dma_start3A_256 = arith.constant 0 : i32
          %dma_start3A_257 = tpu.memref_slice %arg4[%add3A_247, %dma_start3A_256] : memref<2560x128xi32, #tpu.memory_space<hbm>> -> memref<1x128xi32, #tpu.memory_space<hbm>>
          tpu.enqueue_dma source(%dma_start3A_257 : memref<1x128xi32, #tpu.memory_space<hbm>>) target(%dma_start3A_255 : memref<1x128xi32, #tpu.memory_space<vmem>>) target_semaphore(%arg11 : memref<!tpu.dma_semaphore, #tpu.memory_space<semaphore_mem>>)
          %add3A_258 = arith.constant 2 : i32
          %add3A_259 = arith.addi %add3A_88, %add3A_258 : i32
          %dma_start3A_260 = arith.constant 0 : i32
          %dma_start3A_261 = arith.constant 0 : i32
          %dma_start3A_262 = tpu.memref_slice %arg9[%dma_start3A_260, %dma_start3A_261] : memref<2x128xi32, #tpu.memory_space<vmem>> -> memref<1x128xi32, #tpu.memory_space<vmem>>
          %dma_start3A_263 = arith.constant 0 : i32
          %dma_start3A_264 = tpu.memref_slice %arg5[%add3A_259, %dma_start3A_263] : memref<2560x128xi32, #tpu.memory_space<hbm>> -> memref<1x128xi32, #tpu.memory_space<hbm>>
          %dma_start3A_265 = arith.constant 0 : i32
          %dma_start3A_266 = arith.constant 0 : i32
          %dma_start3A_267 = tpu.memref_slice %arg9[%dma_start3A_265, %dma_start3A_266] : memref<2x128xi32, #tpu.memory_space<vmem>> -> memref<1x128xi32, #tpu.memory_space<vmem>>
          %dma_start3A_268 = arith.constant 0 : i32
          %dma_start3A_269 = tpu.memref_slice %arg5[%add3A_259, %dma_start3A_268] : memref<2560x128xi32, #tpu.memory_space<hbm>> -> memref<1x128xi32, #tpu.memory_space<hbm>>
          tpu.enqueue_dma source(%dma_start3A_269 : memref<1x128xi32, #tpu.memory_space<hbm>>) target(%dma_start3A_267 : memref<1x128xi32, #tpu.memory_space<vmem>>) target_semaphore(%arg11 : memref<!tpu.dma_semaphore, #tpu.memory_space<semaphore_mem>>)
        } else {
        }
        %dma_wait3A_220 = arith.constant 0 : i32
        %dma_wait3A_221 = arith.constant 128 : i32
        %dma_wait3A_222 = arith.constant 0 : i32
        %dma_wait3A_223 = tpu.memref_slice %arg10[%dma_wait3A_221, %dma_wait3A_222] : memref<256x128xf32, #tpu.memory_space<vmem>> -> memref<128x128xf32, #tpu.memory_space<vmem>>
        %dma_wait3A_224 = arith.constant 1 : i32
        %dma_wait3A_225 = arith.constant 0 : i32
        %dma_wait3A_226 = tpu.memref_slice %arg8[%dma_wait3A_224, %dma_wait3A_225] : memref<2x128xi32, #tpu.memory_space<vmem>> -> memref<1x128xi32, #tpu.memory_space<vmem>>
        %dma_wait3A_227 = arith.constant 0 : i32
        %dma_wait3A_228 = tpu.memref_slice %dma_wait3A_226[%dma_wait3A_220, %dma_wait3A_227] : memref<1x128xi32, #tpu.memory_space<vmem>> -> memref<1x128xi32, #tpu.memory_space<vmem>>
        %dma_wait3A_229 = tpu.memref_squeeze %dma_wait3A_228 : memref<1x128xi32, #tpu.memory_space<vmem>> -> memref<128xi32, #tpu.memory_space<vmem>>
        %dma_wait3A_230 = arith.constant 0 : i32
        %dma_wait3A_231 = arith.constant 0 : i32
        %dma_wait3A_232 = tpu.memref_slice %arg2[%dma_wait3A_230, %dma_wait3A_231] : memref<10000x128xf32, #tpu.memory_space<hbm>> -> memref<10000x128xf32, #tpu.memory_space<hbm>>
        tpu.wait_indirect_dma semaphore(%arg12 : memref<!tpu.dma_semaphore, #tpu.memory_space<semaphore_mem>>) src(%dma_wait3A_232 : memref<10000x128xf32, #tpu.memory_space<hbm>>) dst(%dma_wait3A_223 : memref<128x128xf32, #tpu.memory_space<vmem>>)
        %dma_start3A_233 = arith.constant 0 : i32
        %dma_start3A_234 = arith.constant 128 : i32
        %dma_start3A_235 = arith.constant 0 : i32
        %dma_start3A_236 = tpu.memref_slice %arg10[%dma_start3A_234, %dma_start3A_235] : memref<256x128xf32, #tpu.memory_space<vmem>> -> memref<128x128xf32, #tpu.memory_space<vmem>>
        %dma_start3A_237 = arith.constant 1 : i32
        %dma_start3A_238 = arith.constant 0 : i32
        %dma_start3A_239 = tpu.memref_slice %arg9[%dma_start3A_237, %dma_start3A_238] : memref<2x128xi32, #tpu.memory_space<vmem>> -> memref<1x128xi32, #tpu.memory_space<vmem>>
        %dma_start3A_240 = arith.constant 0 : i32
        %dma_start3A_241 = tpu.memref_slice %dma_start3A_239[%dma_start3A_233, %dma_start3A_240] : memref<1x128xi32, #tpu.memory_space<vmem>> -> memref<1x128xi32, #tpu.memory_space<vmem>>
        %dma_start3A_242 = tpu.memref_squeeze %dma_start3A_241 : memref<1x128xi32, #tpu.memory_space<vmem>> -> memref<128xi32, #tpu.memory_space<vmem>>
        %dma_start3A_243 = arith.constant 0 : i32
        %dma_start3A_244 = arith.constant 0 : i32
        %dma_start3A_245 = tpu.memref_slice %arg7[%dma_start3A_243, %dma_start3A_244] : memref<10112x128xf32, #tpu.memory_space<vmem_shared>> -> memref<10112x128xf32, #tpu.memory_space<vmem_shared>>
        tpu.enqueue_indirect_dma source(%dma_start3A_236 : memref<128x128xf32, #tpu.memory_space<vmem>>) target(%dma_start3A_245 : memref<10112x128xf32, #tpu.memory_space<vmem_shared>>) offsets(%dma_start3A_242 : memref<128xi32, #tpu.memory_space<vmem>>) semaphore(%arg14 : memref<!tpu.dma_semaphore, #tpu.memory_space<semaphore_mem>>) {add = true}
      }
      %scan3A_84 = arith.constant 80 : i32
    } else {
    }
    %eq3A_17 = arith.constant 1 : i32
    %eq3A_18 = arith.cmpi eq, %arg0, %eq3A_17 : i32
    %convert_element_type3A_19 = arith.extui %eq3A_18 : i1 to i32
    %cond3A_20 = arith.constant 0 : i32
    %cond3A_21 = arith.cmpi ne, %convert_element_type3A_19, %cond3A_20 : i32
    scf.if %cond3A_21 {
      %dma_start3A = arith.constant 0 : i32
      %dma_start3A_60 = arith.constant 0 : i32
      %dma_start3A_61 = tpu.memref_slice %arg9[%dma_start3A, %dma_start3A_60] : memref<2x128xi32, #tpu.memory_space<vmem>> -> memref<1x128xi32, #tpu.memory_space<vmem>>
      %dma_start3A_62 = arith.constant 0 : i32
      %dma_start3A_63 = tpu.memref_slice %arg5[%mul3A_14, %dma_start3A_62] : memref<2560x128xi32, #tpu.memory_space<hbm>> -> memref<1x128xi32, #tpu.memory_space<hbm>>
      %dma_start3A_64 = arith.constant 0 : i32
      %dma_start3A_65 = arith.constant 0 : i32
      %dma_start3A_66 = tpu.memref_slice %arg9[%dma_start3A_64, %dma_start3A_65] : memref<2x128xi32, #tpu.memory_space<vmem>> -> memref<1x128xi32, #tpu.memory_space<vmem>>
      %dma_start3A_67 = arith.constant 0 : i32
      %dma_start3A_68 = tpu.memref_slice %arg5[%mul3A_14, %dma_start3A_67] : memref<2560x128xi32, #tpu.memory_space<hbm>> -> memref<1x128xi32, #tpu.memory_space<hbm>>
      tpu.enqueue_dma source(%dma_start3A_68 : memref<1x128xi32, #tpu.memory_space<hbm>>) target(%dma_start3A_66 : memref<1x128xi32, #tpu.memory_space<vmem>>) target_semaphore(%arg11 : memref<!tpu.dma_semaphore, #tpu.memory_space<semaphore_mem>>)
      %scan3A_69 = arith.constant 0 : i32
      %scan3A_70 = arith.constant 0 : i32
      %scan3A_71 = arith.constant 80 : i32
      %scan3A_72 = arith.addi %scan3A_70, %scan3A_71 : i32
      %scan3A_73 = arith.constant 1 : i32
      scf.for %scan3A_75 = %scan3A_70 to %scan3A_72 step %scan3A_73  : i32 {
        %mul3A_76 = arith.constant 2 : i32
        %mul3A_77 = arith.muli %mul3A_76, %scan3A_75 : i32
        %add3A_78 = arith.addi %mul3A_14, %mul3A_77 : i32
        %dma_wait3A_79 = arith.constant 0 : i32
        %dma_wait3A_80 = arith.constant 0 : i32
        %dma_wait3A_81 = tpu.memref_slice %arg9[%dma_wait3A_79, %dma_wait3A_80] : memref<2x128xi32, #tpu.memory_space<vmem>> -> memref<1x128xi32, #tpu.memory_space<vmem>>
        %dma_wait3A_82 = arith.constant 0 : i32
        %dma_wait3A_83 = tpu.memref_slice %arg5[%add3A_78, %dma_wait3A_82] : memref<2560x128xi32, #tpu.memory_space<hbm>> -> memref<1x128xi32, #tpu.memory_space<hbm>>
        %dma_wait3A_84 = arith.constant 0 : i32
        %dma_wait3A_85 = arith.constant 0 : i32
        %dma_wait3A_86 = tpu.memref_slice %arg9[%dma_wait3A_84, %dma_wait3A_85] : memref<2x128xi32, #tpu.memory_space<vmem>> -> memref<1x128xi32, #tpu.memory_space<vmem>>
        %dma_wait3A_87 = arith.constant 0 : i32
        %dma_wait3A_88 = tpu.memref_slice %arg5[%add3A_78, %dma_wait3A_87] : memref<2560x128xi32, #tpu.memory_space<hbm>> -> memref<1x128xi32, #tpu.memory_space<hbm>>
        tpu.wait_dma2 semaphore(%arg11 : memref<!tpu.dma_semaphore, #tpu.memory_space<semaphore_mem>>) src(%dma_wait3A_88 : memref<1x128xi32, #tpu.memory_space<hbm>>) dst(%dma_wait3A_86 : memref<1x128xi32, #tpu.memory_space<vmem>>)
        %add3A_89 = arith.constant 1 : i32
        %add3A_90 = arith.addi %add3A_78, %add3A_89 : i32
        %dma_start3A_91 = arith.constant 1 : i32
        %dma_start3A_92 = arith.constant 0 : i32
        %dma_start3A_93 = tpu.memref_slice %arg9[%dma_start3A_91, %dma_start3A_92] : memref<2x128xi32, #tpu.memory_space<vmem>> -> memref<1x128xi32, #tpu.memory_space<vmem>>
        %dma_start3A_94 = arith.constant 0 : i32
        %dma_start3A_95 = tpu.memref_slice %arg5[%add3A_90, %dma_start3A_94] : memref<2560x128xi32, #tpu.memory_space<hbm>> -> memref<1x128xi32, #tpu.memory_space<hbm>>
        %dma_start3A_96 = arith.constant 1 : i32
        %dma_start3A_97 = arith.constant 0 : i32
        %dma_start3A_98 = tpu.memref_slice %arg9[%dma_start3A_96, %dma_start3A_97] : memref<2x128xi32, #tpu.memory_space<vmem>> -> memref<1x128xi32, #tpu.memory_space<vmem>>
        %dma_start3A_99 = arith.constant 0 : i32
        %dma_start3A_100 = tpu.memref_slice %arg5[%add3A_90, %dma_start3A_99] : memref<2560x128xi32, #tpu.memory_space<hbm>> -> memref<1x128xi32, #tpu.memory_space<hbm>>
        tpu.enqueue_dma source(%dma_start3A_100 : memref<1x128xi32, #tpu.memory_space<hbm>>) target(%dma_start3A_98 : memref<1x128xi32, #tpu.memory_space<vmem>>) target_semaphore(%arg11 : memref<!tpu.dma_semaphore, #tpu.memory_space<semaphore_mem>>)
        %gt3A = arith.constant 0 : i32
        %gt3A_101 = arith.cmpi sgt, %scan3A_75, %gt3A : i32
        %convert_element_type3A_102 = arith.extui %gt3A_101 : i1 to i32
        %cond3A_103 = arith.constant 0 : i32
        %cond3A_104 = arith.cmpi ne, %convert_element_type3A_102, %cond3A_103 : i32
        scf.if %cond3A_104 {
          %dma_wait3A_198 = arith.constant 0 : i32
          %dma_wait3A_199 = arith.constant 0 : i32
          %dma_wait3A_200 = tpu.memref_slice %arg10[%dma_wait3A_198, %dma_wait3A_199] : memref<256x128xf32, #tpu.memory_space<vmem>> -> memref<128x128xf32, #tpu.memory_space<vmem>>
          %dma_wait3A_201 = arith.constant 0 : i32
          %dma_wait3A_202 = arith.constant 0 : i32
          %dma_wait3A_203 = tpu.memref_slice %arg7[%dma_wait3A_201, %dma_wait3A_202] : memref<10112x128xf32, #tpu.memory_space<vmem_shared>> -> memref<128x128xf32, #tpu.memory_space<vmem_shared>>
          %dma_wait3A_204 = arith.constant 0 : i32
          %dma_wait3A_205 = arith.constant 0 : i32
          %dma_wait3A_206 = tpu.memref_slice %arg7[%dma_wait3A_204, %dma_wait3A_205] : memref<10112x128xf32, #tpu.memory_space<vmem_shared>> -> memref<128x128xf32, #tpu.memory_space<vmem_shared>>
          %dma_wait3A_207 = arith.constant 0 : i32
          %dma_wait3A_208 = arith.constant 0 : i32
          %dma_wait3A_209 = tpu.memref_slice %arg10[%dma_wait3A_207, %dma_wait3A_208] : memref<256x128xf32, #tpu.memory_space<vmem>> -> memref<128x128xf32, #tpu.memory_space<vmem>>
          tpu.wait_dma2 semaphore(%arg13 : memref<!tpu.dma_semaphore, #tpu.memory_space<semaphore_mem>>) src(%dma_wait3A_209 : memref<128x128xf32, #tpu.memory_space<vmem>>) dst(%dma_wait3A_206 : memref<128x128xf32, #tpu.memory_space<vmem_shared>>)
        } else {
        }
        %mul3A_105 = arith.constant 128 : i32
        %mul3A_106 = arith.muli %add3A_78, %mul3A_105 : i32
        %dma_start3A_107 = arith.constant 0 : i32
        %dma_start3A_108 = arith.constant 0 : i32
        %dma_start3A_109 = tpu.memref_slice %arg10[%dma_start3A_107, %dma_start3A_108] : memref<256x128xf32, #tpu.memory_space<vmem>> -> memref<128x128xf32, #tpu.memory_space<vmem>>
        %dma_start3A_110 = arith.constant 0 : i32
        %dma_start3A_111 = tpu.memref_slice %arg3[%mul3A_106, %dma_start3A_110] : memref<327680x128xf32, #tpu.memory_space<hbm>> -> memref<128x128xf32, #tpu.memory_space<hbm>>
        %dma_start3A_112 = arith.constant 0 : i32
        %dma_start3A_113 = arith.constant 0 : i32
        %dma_start3A_114 = tpu.memref_slice %arg10[%dma_start3A_112, %dma_start3A_113] : memref<256x128xf32, #tpu.memory_space<vmem>> -> memref<128x128xf32, #tpu.memory_space<vmem>>
        %dma_start3A_115 = arith.constant 0 : i32
        %dma_start3A_116 = tpu.memref_slice %arg3[%mul3A_106, %dma_start3A_115] : memref<327680x128xf32, #tpu.memory_space<hbm>> -> memref<128x128xf32, #tpu.memory_space<hbm>>
        tpu.enqueue_dma source(%dma_start3A_116 : memref<128x128xf32, #tpu.memory_space<hbm>>) target(%dma_start3A_114 : memref<128x128xf32, #tpu.memory_space<vmem>>) target_semaphore(%arg12 : memref<!tpu.dma_semaphore, #tpu.memory_space<semaphore_mem>>)
        %dma_wait3A_117 = arith.constant 0 : i32
        %dma_wait3A_118 = arith.constant 0 : i32
        %dma_wait3A_119 = tpu.memref_slice %arg10[%dma_wait3A_117, %dma_wait3A_118] : memref<256x128xf32, #tpu.memory_space<vmem>> -> memref<128x128xf32, #tpu.memory_space<vmem>>
        %dma_wait3A_120 = arith.constant 0 : i32
        %dma_wait3A_121 = tpu.memref_slice %arg3[%mul3A_106, %dma_wait3A_120] : memref<327680x128xf32, #tpu.memory_space<hbm>> -> memref<128x128xf32, #tpu.memory_space<hbm>>
        %dma_wait3A_122 = arith.constant 0 : i32
        %dma_wait3A_123 = arith.constant 0 : i32
        %dma_wait3A_124 = tpu.memref_slice %arg10[%dma_wait3A_122, %dma_wait3A_123] : memref<256x128xf32, #tpu.memory_space<vmem>> -> memref<128x128xf32, #tpu.memory_space<vmem>>
        %dma_wait3A_125 = arith.constant 0 : i32
        %dma_wait3A_126 = tpu.memref_slice %arg3[%mul3A_106, %dma_wait3A_125] : memref<327680x128xf32, #tpu.memory_space<hbm>> -> memref<128x128xf32, #tpu.memory_space<hbm>>
        tpu.wait_dma2 semaphore(%arg12 : memref<!tpu.dma_semaphore, #tpu.memory_space<semaphore_mem>>) src(%dma_wait3A_126 : memref<128x128xf32, #tpu.memory_space<hbm>>) dst(%dma_wait3A_124 : memref<128x128xf32, #tpu.memory_space<vmem>>)
        %dma_start3A_127 = arith.constant 0 : i32
        %dma_start3A_128 = arith.constant 0 : i32
        %dma_start3A_129 = arith.constant 0 : i32
        %dma_start3A_130 = tpu.memref_slice %arg10[%dma_start3A_128, %dma_start3A_129] : memref<256x128xf32, #tpu.memory_space<vmem>> -> memref<128x128xf32, #tpu.memory_space<vmem>>
        %dma_start3A_131 = arith.constant 0 : i32
        %dma_start3A_132 = arith.constant 0 : i32
        %dma_start3A_133 = tpu.memref_slice %arg9[%dma_start3A_131, %dma_start3A_132] : memref<2x128xi32, #tpu.memory_space<vmem>> -> memref<1x128xi32, #tpu.memory_space<vmem>>
        %dma_start3A_134 = arith.constant 0 : i32
        %dma_start3A_135 = tpu.memref_slice %dma_start3A_133[%dma_start3A_127, %dma_start3A_134] : memref<1x128xi32, #tpu.memory_space<vmem>> -> memref<1x128xi32, #tpu.memory_space<vmem>>
        %dma_start3A_136 = tpu.memref_squeeze %dma_start3A_135 : memref<1x128xi32, #tpu.memory_space<vmem>> -> memref<128xi32, #tpu.memory_space<vmem>>
        %dma_start3A_137 = arith.constant 0 : i32
        %dma_start3A_138 = arith.constant 0 : i32
        %dma_start3A_139 = tpu.memref_slice %arg7[%dma_start3A_137, %dma_start3A_138] : memref<10112x128xf32, #tpu.memory_space<vmem_shared>> -> memref<10112x128xf32, #tpu.memory_space<vmem_shared>>
        tpu.enqueue_indirect_dma source(%dma_start3A_130 : memref<128x128xf32, #tpu.memory_space<vmem>>) target(%dma_start3A_139 : memref<10112x128xf32, #tpu.memory_space<vmem_shared>>) offsets(%dma_start3A_136 : memref<128xi32, #tpu.memory_space<vmem>>) semaphore(%arg13 : memref<!tpu.dma_semaphore, #tpu.memory_space<semaphore_mem>>) {add = true}
        %dma_wait3A_140 = arith.constant 1 : i32
        %dma_wait3A_141 = arith.constant 0 : i32
        %dma_wait3A_142 = tpu.memref_slice %arg9[%dma_wait3A_140, %dma_wait3A_141] : memref<2x128xi32, #tpu.memory_space<vmem>> -> memref<1x128xi32, #tpu.memory_space<vmem>>
        %dma_wait3A_143 = arith.constant 0 : i32
        %dma_wait3A_144 = tpu.memref_slice %arg5[%add3A_90, %dma_wait3A_143] : memref<2560x128xi32, #tpu.memory_space<hbm>> -> memref<1x128xi32, #tpu.memory_space<hbm>>
        %dma_wait3A_145 = arith.constant 1 : i32
        %dma_wait3A_146 = arith.constant 0 : i32
        %dma_wait3A_147 = tpu.memref_slice %arg9[%dma_wait3A_145, %dma_wait3A_146] : memref<2x128xi32, #tpu.memory_space<vmem>> -> memref<1x128xi32, #tpu.memory_space<vmem>>
        %dma_wait3A_148 = arith.constant 0 : i32
        %dma_wait3A_149 = tpu.memref_slice %arg5[%add3A_90, %dma_wait3A_148] : memref<2560x128xi32, #tpu.memory_space<hbm>> -> memref<1x128xi32, #tpu.memory_space<hbm>>
        tpu.wait_dma2 semaphore(%arg11 : memref<!tpu.dma_semaphore, #tpu.memory_space<semaphore_mem>>) src(%dma_wait3A_149 : memref<1x128xi32, #tpu.memory_space<hbm>>) dst(%dma_wait3A_147 : memref<1x128xi32, #tpu.memory_space<vmem>>)
        %gt3A_150 = arith.constant 0 : i32
        %gt3A_151 = arith.cmpi sgt, %scan3A_75, %gt3A_150 : i32
        %convert_element_type3A_152 = arith.extui %gt3A_151 : i1 to i32
        %cond3A_153 = arith.constant 0 : i32
        %cond3A_154 = arith.cmpi ne, %convert_element_type3A_152, %cond3A_153 : i32
        scf.if %cond3A_154 {
          %dma_wait3A_198 = arith.constant 128 : i32
          %dma_wait3A_199 = arith.constant 0 : i32
          %dma_wait3A_200 = tpu.memref_slice %arg10[%dma_wait3A_198, %dma_wait3A_199] : memref<256x128xf32, #tpu.memory_space<vmem>> -> memref<128x128xf32, #tpu.memory_space<vmem>>
          %dma_wait3A_201 = arith.constant 0 : i32
          %dma_wait3A_202 = arith.constant 0 : i32
          %dma_wait3A_203 = tpu.memref_slice %arg7[%dma_wait3A_201, %dma_wait3A_202] : memref<10112x128xf32, #tpu.memory_space<vmem_shared>> -> memref<128x128xf32, #tpu.memory_space<vmem_shared>>
          %dma_wait3A_204 = arith.constant 0 : i32
          %dma_wait3A_205 = arith.constant 0 : i32
          %dma_wait3A_206 = tpu.memref_slice %arg7[%dma_wait3A_204, %dma_wait3A_205] : memref<10112x128xf32, #tpu.memory_space<vmem_shared>> -> memref<128x128xf32, #tpu.memory_space<vmem_shared>>
          %dma_wait3A_207 = arith.constant 128 : i32
          %dma_wait3A_208 = arith.constant 0 : i32
          %dma_wait3A_209 = tpu.memref_slice %arg10[%dma_wait3A_207, %dma_wait3A_208] : memref<256x128xf32, #tpu.memory_space<vmem>> -> memref<128x128xf32, #tpu.memory_space<vmem>>
          tpu.wait_dma2 semaphore(%arg14 : memref<!tpu.dma_semaphore, #tpu.memory_space<semaphore_mem>>) src(%dma_wait3A_209 : memref<128x128xf32, #tpu.memory_space<vmem>>) dst(%dma_wait3A_206 : memref<128x128xf32, #tpu.memory_space<vmem_shared>>)
        } else {
        }
        %add3A_155 = arith.constant 1 : i32
        %add3A_156 = arith.addi %add3A_78, %add3A_155 : i32
        %mul3A_157 = arith.constant 128 : i32
        %mul3A_158 = arith.muli %add3A_156, %mul3A_157 : i32
        %dma_start3A_159 = arith.constant 128 : i32
        %dma_start3A_160 = arith.constant 0 : i32
        %dma_start3A_161 = tpu.memref_slice %arg10[%dma_start3A_159, %dma_start3A_160] : memref<256x128xf32, #tpu.memory_space<vmem>> -> memref<128x128xf32, #tpu.memory_space<vmem>>
        %dma_start3A_162 = arith.constant 0 : i32
        %dma_start3A_163 = tpu.memref_slice %arg3[%mul3A_158, %dma_start3A_162] : memref<327680x128xf32, #tpu.memory_space<hbm>> -> memref<128x128xf32, #tpu.memory_space<hbm>>
        %dma_start3A_164 = arith.constant 128 : i32
        %dma_start3A_165 = arith.constant 0 : i32
        %dma_start3A_166 = tpu.memref_slice %arg10[%dma_start3A_164, %dma_start3A_165] : memref<256x128xf32, #tpu.memory_space<vmem>> -> memref<128x128xf32, #tpu.memory_space<vmem>>
        %dma_start3A_167 = arith.constant 0 : i32
        %dma_start3A_168 = tpu.memref_slice %arg3[%mul3A_158, %dma_start3A_167] : memref<327680x128xf32, #tpu.memory_space<hbm>> -> memref<128x128xf32, #tpu.memory_space<hbm>>
        tpu.enqueue_dma source(%dma_start3A_168 : memref<128x128xf32, #tpu.memory_space<hbm>>) target(%dma_start3A_166 : memref<128x128xf32, #tpu.memory_space<vmem>>) target_semaphore(%arg12 : memref<!tpu.dma_semaphore, #tpu.memory_space<semaphore_mem>>)
        %add3A_169 = arith.constant 1 : i32
        %add3A_170 = arith.addi %scan3A_75, %add3A_169 : i32
        %lt3A = arith.constant 80 : i32
        %lt3A_171 = arith.cmpi slt, %add3A_170, %lt3A : i32
        %convert_element_type3A_172 = arith.extui %lt3A_171 : i1 to i32
        %cond3A_173 = arith.constant 0 : i32
        %cond3A_174 = arith.cmpi ne, %convert_element_type3A_172, %cond3A_173 : i32
        scf.if %cond3A_174 {
          %add3A_198 = arith.constant 2 : i32
          %add3A_199 = arith.addi %add3A_78, %add3A_198 : i32
          %dma_start3A_200 = arith.constant 0 : i32
          %dma_start3A_201 = arith.constant 0 : i32
          %dma_start3A_202 = tpu.memref_slice %arg9[%dma_start3A_200, %dma_start3A_201] : memref<2x128xi32, #tpu.memory_space<vmem>> -> memref<1x128xi32, #tpu.memory_space<vmem>>
          %dma_start3A_203 = arith.constant 0 : i32
          %dma_start3A_204 = tpu.memref_slice %arg5[%add3A_199, %dma_start3A_203] : memref<2560x128xi32, #tpu.memory_space<hbm>> -> memref<1x128xi32, #tpu.memory_space<hbm>>
          %dma_start3A_205 = arith.constant 0 : i32
          %dma_start3A_206 = arith.constant 0 : i32
          %dma_start3A_207 = tpu.memref_slice %arg9[%dma_start3A_205, %dma_start3A_206] : memref<2x128xi32, #tpu.memory_space<vmem>> -> memref<1x128xi32, #tpu.memory_space<vmem>>
          %dma_start3A_208 = arith.constant 0 : i32
          %dma_start3A_209 = tpu.memref_slice %arg5[%add3A_199, %dma_start3A_208] : memref<2560x128xi32, #tpu.memory_space<hbm>> -> memref<1x128xi32, #tpu.memory_space<hbm>>
          tpu.enqueue_dma source(%dma_start3A_209 : memref<1x128xi32, #tpu.memory_space<hbm>>) target(%dma_start3A_207 : memref<1x128xi32, #tpu.memory_space<vmem>>) target_semaphore(%arg11 : memref<!tpu.dma_semaphore, #tpu.memory_space<semaphore_mem>>)
        } else {
        }
        %dma_wait3A_175 = arith.constant 128 : i32
        %dma_wait3A_176 = arith.constant 0 : i32
        %dma_wait3A_177 = tpu.memref_slice %arg10[%dma_wait3A_175, %dma_wait3A_176] : memref<256x128xf32, #tpu.memory_space<vmem>> -> memref<128x128xf32, #tpu.memory_space<vmem>>
        %dma_wait3A_178 = arith.constant 0 : i32
        %dma_wait3A_179 = tpu.memref_slice %arg3[%mul3A_158, %dma_wait3A_178] : memref<327680x128xf32, #tpu.memory_space<hbm>> -> memref<128x128xf32, #tpu.memory_space<hbm>>
        %dma_wait3A_180 = arith.constant 128 : i32
        %dma_wait3A_181 = arith.constant 0 : i32
        %dma_wait3A_182 = tpu.memref_slice %arg10[%dma_wait3A_180, %dma_wait3A_181] : memref<256x128xf32, #tpu.memory_space<vmem>> -> memref<128x128xf32, #tpu.memory_space<vmem>>
        %dma_wait3A_183 = arith.constant 0 : i32
        %dma_wait3A_184 = tpu.memref_slice %arg3[%mul3A_158, %dma_wait3A_183] : memref<327680x128xf32, #tpu.memory_space<hbm>> -> memref<128x128xf32, #tpu.memory_space<hbm>>
        tpu.wait_dma2 semaphore(%arg12 : memref<!tpu.dma_semaphore, #tpu.memory_space<semaphore_mem>>) src(%dma_wait3A_184 : memref<128x128xf32, #tpu.memory_space<hbm>>) dst(%dma_wait3A_182 : memref<128x128xf32, #tpu.memory_space<vmem>>)
        %dma_start3A_185 = arith.constant 0 : i32
        %dma_start3A_186 = arith.constant 128 : i32
        %dma_start3A_187 = arith.constant 0 : i32
        %dma_start3A_188 = tpu.memref_slice %arg10[%dma_start3A_186, %dma_start3A_187] : memref<256x128xf32, #tpu.memory_space<vmem>> -> memref<128x128xf32, #tpu.memory_space<vmem>>
        %dma_start3A_189 = arith.constant 1 : i32
        %dma_start3A_190 = arith.constant 0 : i32
        %dma_start3A_191 = tpu.memref_slice %arg9[%dma_start3A_189, %dma_start3A_190] : memref<2x128xi32, #tpu.memory_space<vmem>> -> memref<1x128xi32, #tpu.memory_space<vmem>>
        %dma_start3A_192 = arith.constant 0 : i32
        %dma_start3A_193 = tpu.memref_slice %dma_start3A_191[%dma_start3A_185, %dma_start3A_192] : memref<1x128xi32, #tpu.memory_space<vmem>> -> memref<1x128xi32, #tpu.memory_space<vmem>>
        %dma_start3A_194 = tpu.memref_squeeze %dma_start3A_193 : memref<1x128xi32, #tpu.memory_space<vmem>> -> memref<128xi32, #tpu.memory_space<vmem>>
        %dma_start3A_195 = arith.constant 0 : i32
        %dma_start3A_196 = arith.constant 0 : i32
        %dma_start3A_197 = tpu.memref_slice %arg7[%dma_start3A_195, %dma_start3A_196] : memref<10112x128xf32, #tpu.memory_space<vmem_shared>> -> memref<10112x128xf32, #tpu.memory_space<vmem_shared>>
        tpu.enqueue_indirect_dma source(%dma_start3A_188 : memref<128x128xf32, #tpu.memory_space<vmem>>) target(%dma_start3A_197 : memref<10112x128xf32, #tpu.memory_space<vmem_shared>>) offsets(%dma_start3A_194 : memref<128xi32, #tpu.memory_space<vmem>>) semaphore(%arg14 : memref<!tpu.dma_semaphore, #tpu.memory_space<semaphore_mem>>) {add = true}
      }
      %scan3A_74 = arith.constant 80 : i32
    } else {
    }
    %dma_wait3A = arith.constant 0 : i32
    %dma_wait3A_22 = arith.constant 0 : i32
    %dma_wait3A_23 = tpu.memref_slice %arg10[%dma_wait3A, %dma_wait3A_22] : memref<256x128xf32, #tpu.memory_space<vmem>> -> memref<128x128xf32, #tpu.memory_space<vmem>>
    %dma_wait3A_24 = arith.constant 0 : i32
    %dma_wait3A_25 = arith.constant 0 : i32
    %dma_wait3A_26 = tpu.memref_slice %arg7[%dma_wait3A_24, %dma_wait3A_25] : memref<10112x128xf32, #tpu.memory_space<vmem_shared>> -> memref<128x128xf32, #tpu.memory_space<vmem_shared>>
    %dma_wait3A_27 = arith.constant 0 : i32
    %dma_wait3A_28 = arith.constant 0 : i32
    %dma_wait3A_29 = tpu.memref_slice %arg7[%dma_wait3A_27, %dma_wait3A_28] : memref<10112x128xf32, #tpu.memory_space<vmem_shared>> -> memref<128x128xf32, #tpu.memory_space<vmem_shared>>
    %dma_wait3A_30 = arith.constant 0 : i32
    %dma_wait3A_31 = arith.constant 0 : i32
    %dma_wait3A_32 = tpu.memref_slice %arg10[%dma_wait3A_30, %dma_wait3A_31] : memref<256x128xf32, #tpu.memory_space<vmem>> -> memref<128x128xf32, #tpu.memory_space<vmem>>
    tpu.wait_dma2 semaphore(%arg13 : memref<!tpu.dma_semaphore, #tpu.memory_space<semaphore_mem>>) src(%dma_wait3A_32 : memref<128x128xf32, #tpu.memory_space<vmem>>) dst(%dma_wait3A_29 : memref<128x128xf32, #tpu.memory_space<vmem_shared>>)
    %dma_wait3A_33 = arith.constant 128 : i32
    %dma_wait3A_34 = arith.constant 0 : i32
    %dma_wait3A_35 = tpu.memref_slice %arg10[%dma_wait3A_33, %dma_wait3A_34] : memref<256x128xf32, #tpu.memory_space<vmem>> -> memref<128x128xf32, #tpu.memory_space<vmem>>
    %dma_wait3A_36 = arith.constant 0 : i32
    %dma_wait3A_37 = arith.constant 0 : i32
    %dma_wait3A_38 = tpu.memref_slice %arg7[%dma_wait3A_36, %dma_wait3A_37] : memref<10112x128xf32, #tpu.memory_space<vmem_shared>> -> memref<128x128xf32, #tpu.memory_space<vmem_shared>>
    %dma_wait3A_39 = arith.constant 0 : i32
    %dma_wait3A_40 = arith.constant 0 : i32
    %dma_wait3A_41 = tpu.memref_slice %arg7[%dma_wait3A_39, %dma_wait3A_40] : memref<10112x128xf32, #tpu.memory_space<vmem_shared>> -> memref<128x128xf32, #tpu.memory_space<vmem_shared>>
    %dma_wait3A_42 = arith.constant 128 : i32
    %dma_wait3A_43 = arith.constant 0 : i32
    %dma_wait3A_44 = tpu.memref_slice %arg10[%dma_wait3A_42, %dma_wait3A_43] : memref<256x128xf32, #tpu.memory_space<vmem>> -> memref<128x128xf32, #tpu.memory_space<vmem>>
    tpu.wait_dma2 semaphore(%arg14 : memref<!tpu.dma_semaphore, #tpu.memory_space<semaphore_mem>>) src(%dma_wait3A_44 : memref<128x128xf32, #tpu.memory_space<vmem>>) dst(%dma_wait3A_41 : memref<128x128xf32, #tpu.memory_space<vmem_shared>>)
    %barrier3A_45 = arith.constant 0 : index
    tpu.barrier barrier_id(%barrier3A_45)
    %scan3A_46 = arith.constant 0 : i32
    %scan3A_47 = arith.constant 0 : i32
    %scan3A_48 = arith.constant 4 : i32
    %scan3A_49 = arith.addi %scan3A_47, %scan3A_48 : i32
    %scan3A_50 = arith.constant 1 : i32
    scf.for %scan3A_60 = %scan3A_47 to %scan3A_49 step %scan3A_50  : i32 {
      %mul3A_61 = arith.constant 632 : i32
      %mul3A_62 = arith.muli %arg1, %mul3A_61 : i32
      %mul3A_63 = arith.constant 128 : i32
      %mul3A_64 = arith.muli %scan3A_60, %mul3A_63 : i32
      %add3A_65 = arith.addi %mul3A_62, %mul3A_64 : i32
      %mul3A_66 = arith.constant 632 : i32
      %mul3A_67 = arith.muli %arg1, %mul3A_66 : i32
      %mul3A_68 = arith.constant 128 : i32
      %mul3A_69 = arith.muli %scan3A_60, %mul3A_68 : i32
      %add3A_70 = arith.addi %mul3A_67, %mul3A_69 : i32
      "tpu.region"() ({
        %run_scoped3A = tpu.sem_alloc : memref<!tpu.dma_semaphore, #tpu.memory_space<semaphore_mem>>
        %dma_start3A = arith.constant 0 : i32
        %dma_start3A_71 = tpu.memref_slice %arg6[%arg0, %add3A_70, %dma_start3A] : memref<2x10112x128xf32, #tpu.memory_space<hbm>> -> memref<1x128x128xf32, #tpu.memory_space<hbm>>
        %dma_start3A_72 = tpu.memref_squeeze %dma_start3A_71 : memref<1x128x128xf32, #tpu.memory_space<hbm>> -> memref<128x128xf32, #tpu.memory_space<hbm>>
        %dma_start3A_73 = arith.constant 0 : i32
        %dma_start3A_74 = tpu.memref_slice %arg7[%add3A_65, %dma_start3A_73] : memref<10112x128xf32, #tpu.memory_space<vmem_shared>> -> memref<128x128xf32, #tpu.memory_space<vmem_shared>>
        tpu.enqueue_dma source(%dma_start3A_74 : memref<128x128xf32, #tpu.memory_space<vmem_shared>>) target(%dma_start3A_72 : memref<128x128xf32, #tpu.memory_space<hbm>>) target_semaphore(%run_scoped3A : memref<!tpu.dma_semaphore, #tpu.memory_space<semaphore_mem>>)
        %dma_wait3A_75 = arith.constant 0 : i32
        %dma_wait3A_76 = tpu.memref_slice %arg6[%arg0, %add3A_70, %dma_wait3A_75] : memref<2x10112x128xf32, #tpu.memory_space<hbm>> -> memref<1x128x128xf32, #tpu.memory_space<hbm>>
        %dma_wait3A_77 = tpu.memref_squeeze %dma_wait3A_76 : memref<1x128x128xf32, #tpu.memory_space<hbm>> -> memref<128x128xf32, #tpu.memory_space<hbm>>
        %dma_wait3A_78 = arith.constant 0 : i32
        %dma_wait3A_79 = tpu.memref_slice %arg7[%add3A_65, %dma_wait3A_78] : memref<10112x128xf32, #tpu.memory_space<vmem_shared>> -> memref<128x128xf32, #tpu.memory_space<vmem_shared>>
        tpu.wait_dma2 semaphore(%run_scoped3A : memref<!tpu.dma_semaphore, #tpu.memory_space<semaphore_mem>>) src(%dma_wait3A_79 : memref<128x128xf32, #tpu.memory_space<vmem_shared>>) dst(%dma_wait3A_77 : memref<128x128xf32, #tpu.memory_space<hbm>>)
        tpu.yield
      }) : () -> ()
    }
    %scan3A_51 = arith.constant 4 : i32
    %mul3A_52 = arith.constant 632 : i32
    %mul3A_53 = arith.muli %arg1, %mul3A_52 : i32
    %add3A_54 = arith.constant 512 : i32
    %add3A_55 = arith.addi %mul3A_53, %add3A_54 : i32
    %mul3A_56 = arith.constant 632 : i32
    %mul3A_57 = arith.muli %arg1, %mul3A_56 : i32
    %add3A_58 = arith.constant 512 : i32
    %add3A_59 = arith.addi %mul3A_57, %add3A_58 : i32
    "tpu.region"() ({
      %run_scoped3A = tpu.sem_alloc : memref<!tpu.dma_semaphore, #tpu.memory_space<semaphore_mem>>
      %dma_start3A = arith.constant 0 : i32
      %dma_start3A_60 = tpu.memref_slice %arg6[%arg0, %add3A_59, %dma_start3A] : memref<2x10112x128xf32, #tpu.memory_space<hbm>> -> memref<1x120x128xf32, #tpu.memory_space<hbm>>
      %dma_start3A_61 = tpu.memref_squeeze %dma_start3A_60 : memref<1x120x128xf32, #tpu.memory_space<hbm>> -> memref<120x128xf32, #tpu.memory_space<hbm>>
      %dma_start3A_62 = arith.constant 0 : i32
      %dma_start3A_63 = tpu.memref_slice %arg7[%add3A_55, %dma_start3A_62] : memref<10112x128xf32, #tpu.memory_space<vmem_shared>> -> memref<120x128xf32, #tpu.memory_space<vmem_shared>>
      tpu.enqueue_dma source(%dma_start3A_63 : memref<120x128xf32, #tpu.memory_space<vmem_shared>>) target(%dma_start3A_61 : memref<120x128xf32, #tpu.memory_space<hbm>>) target_semaphore(%run_scoped3A : memref<!tpu.dma_semaphore, #tpu.memory_space<semaphore_mem>>)
      %dma_wait3A_64 = arith.constant 0 : i32
      %dma_wait3A_65 = tpu.memref_slice %arg6[%arg0, %add3A_59, %dma_wait3A_64] : memref<2x10112x128xf32, #tpu.memory_space<hbm>> -> memref<1x120x128xf32, #tpu.memory_space<hbm>>
      %dma_wait3A_66 = tpu.memref_squeeze %dma_wait3A_65 : memref<1x120x128xf32, #tpu.memory_space<hbm>> -> memref<120x128xf32, #tpu.memory_space<hbm>>
      %dma_wait3A_67 = arith.constant 0 : i32
      %dma_wait3A_68 = tpu.memref_slice %arg7[%add3A_55, %dma_wait3A_67] : memref<10112x128xf32, #tpu.memory_space<vmem_shared>> -> memref<120x128xf32, #tpu.memory_space<vmem_shared>>
      tpu.wait_dma2 semaphore(%run_scoped3A : memref<!tpu.dma_semaphore, #tpu.memory_space<semaphore_mem>>) src(%dma_wait3A_68 : memref<120x128xf32, #tpu.memory_space<vmem_shared>>) dst(%dma_wait3A_66 : memref<120x128xf32, #tpu.memory_space<hbm>>)
      tpu.yield
    }) : () -> ()
    return
  }
}

module attributes {stable_mosaic.version = 14 : i64} {
  func.func @_tc_emb(%arg0: i32, %arg1: memref<2048x3xf32, #tpu.memory_space<vmem>>, %arg2: memref<3x128xf32, #tpu.memory_space<vmem>>, %arg3: memref<1x128xf32, #tpu.memory_space<vmem>>, %arg4: memref<2048x128xf32, #tpu.memory_space<vmem>>) attributes {dimension_semantics = [#tpu.dimension_semantics<arbitrary>], iteration_bounds = array<i64: 160>, scalar_prefetch = 0 : i64, scratch_operands = 0 : i64, tpu.core_type = #tpu.core_type<tc>, window_params = [{transform_indices = @transform_0, window_bounds = array<i64: 2048, 3>}, {pipeline_mode = #tpu.pipeline_mode<synchronous>, transform_indices = @transform_1, window_bounds = array<i64: 3, 128>}, {pipeline_mode = #tpu.pipeline_mode<synchronous>, transform_indices = @transform_2, window_bounds = array<i64: 1, 128>}, {transform_indices = @transform_3, window_bounds = array<i64: 2048, 128>}]} {
    %get3A = arith.constant 0 : index
    %get3A_0 = arith.constant 0 : index
    %get3A_1 = vector.load %arg1[%get3A, %get3A_0] : memref<2048x3xf32, #tpu.memory_space<vmem>>, vector<2048x3xf32>
    %get3A_2 = arith.constant 0 : index
    %get3A_3 = arith.constant 0 : index
    %get3A_4 = vector.load %arg2[%get3A_2, %get3A_3] : memref<3x128xf32, #tpu.memory_space<vmem>>, vector<3x128xf32>
    %convert_element_type3A = arith.truncf %get3A_1 : vector<2048x3xf32> to vector<2048x3xbf16>
    %convert_element_type3A_5 = arith.truncf %get3A_4 : vector<3x128xf32> to vector<3x128xbf16>
    %dot_general3A = arith.constant dense<0.000000e+00> : vector<2048x128xf32>
    %dot_general3A_6 = tpu.matmul %convert_element_type3A, %convert_element_type3A_5, %dot_general3A {dimension_numbers = #tpu.dot_dimension_numbers<[1], [0], [0], [1], [0, 0, 1, 1], [], []>, transpose_lhs_hint = false} : vector<2048x3xbf16>, vector<3x128xbf16>, vector<2048x128xf32> -> vector<2048x128xf32>
    %get3A_7 = arith.constant 0 : index
    %get3A_8 = arith.constant 0 : index
    %get3A_9 = vector.load %arg3[%get3A_7, %get3A_8] : memref<1x128xf32, #tpu.memory_space<vmem>>, vector<1x128xf32>
    %add3A = vector.broadcast %get3A_9 : vector<1x128xf32> to vector<2048x128xf32>
    %add3A_10 = arith.addf %dot_general3A_6, %add3A : vector<2048x128xf32>
    %swap3A = arith.constant 0 : index
    %swap3A_11 = arith.constant 0 : index
    %swap3A_12 = vector.load %arg4[%swap3A, %swap3A_11] : memref<2048x128xf32, #tpu.memory_space<vmem>>, vector<2048x128xf32>
    tpu.vector_store %arg4[%swap3A, %swap3A_11], %add3A_10 {strides = array<i32>} : memref<2048x128xf32, #tpu.memory_space<vmem>>, vector<2048x128xf32>,
    return
  }
  func.func @transform_0(%arg0: i32) -> (i32, i32) {
    %c0_i32 = arith.constant 0 : i32
    %c0_i32_0 = arith.constant 0 : i32
    return %arg0, %c0_i32 : i32, i32
  }
  func.func @transform_1(%arg0: i32) -> (i32, i32) {
    %c0_i32 = arith.constant 0 : i32
    %c0_i32_0 = arith.constant 0 : i32
    %c0_i32_1 = arith.constant 0 : i32
    return %c0_i32, %c0_i32_0 : i32, i32
  }
  func.func @transform_2(%arg0: i32) -> (i32, i32) {
    %c0_i32 = arith.constant 0 : i32
    %c0_i32_0 = arith.constant 0 : i32
    %c0_i32_1 = arith.constant 0 : i32
    return %c0_i32, %c0_i32_0 : i32, i32
  }
  func.func @transform_3(%arg0: i32) -> (i32, i32) {
    %c0_i32 = arith.constant 0 : i32
    %c0_i32_0 = arith.constant 0 : i32
    return %arg0, %c0_i32 : i32, i32
  }
}

module attributes {stable_mosaic.version = 14 : i64} {
  func.func @_tc_tab(%arg0: i32, %arg1: memref<1000x3xf32, #tpu.memory_space<vmem>>, %arg2: memref<3x128xf32, #tpu.memory_space<vmem>>, %arg3: memref<1x128xf32, #tpu.memory_space<vmem>>, %arg4: memref<1000x128xf32, #tpu.memory_space<vmem>>) attributes {dimension_semantics = [#tpu.dimension_semantics<arbitrary>], iteration_bounds = array<i64: 10>, scalar_prefetch = 0 : i64, scratch_operands = 0 : i64, tpu.core_type = #tpu.core_type<tc>, window_params = [{transform_indices = @transform_0, window_bounds = array<i64: 1000, 3>}, {pipeline_mode = #tpu.pipeline_mode<synchronous>, transform_indices = @transform_1, window_bounds = array<i64: 3, 128>}, {pipeline_mode = #tpu.pipeline_mode<synchronous>, transform_indices = @transform_2, window_bounds = array<i64: 1, 128>}, {transform_indices = @transform_3, window_bounds = array<i64: 1000, 128>}]} {
    %get3A = arith.constant 0 : index
    %get3A_0 = arith.constant 0 : index
    %get3A_1 = vector.load %arg1[%get3A, %get3A_0] : memref<1000x3xf32, #tpu.memory_space<vmem>>, vector<1000x3xf32>
    %get3A_2 = arith.constant 0 : index
    %get3A_3 = arith.constant 0 : index
    %get3A_4 = vector.load %arg2[%get3A_2, %get3A_3] : memref<3x128xf32, #tpu.memory_space<vmem>>, vector<3x128xf32>
    %convert_element_type3A = arith.truncf %get3A_1 : vector<1000x3xf32> to vector<1000x3xbf16>
    %convert_element_type3A_5 = arith.truncf %get3A_4 : vector<3x128xf32> to vector<3x128xbf16>
    %dot_general3A = arith.constant dense<0.000000e+00> : vector<1000x128xf32>
    %dot_general3A_6 = tpu.matmul %convert_element_type3A, %convert_element_type3A_5, %dot_general3A {dimension_numbers = #tpu.dot_dimension_numbers<[1], [0], [0], [1], [0, 0, 1, 1], [], []>, transpose_lhs_hint = false} : vector<1000x3xbf16>, vector<3x128xbf16>, vector<1000x128xf32> -> vector<1000x128xf32>
    %get3A_7 = arith.constant 0 : index
    %get3A_8 = arith.constant 0 : index
    %get3A_9 = vector.load %arg3[%get3A_7, %get3A_8] : memref<1x128xf32, #tpu.memory_space<vmem>>, vector<1x128xf32>
    %add3A = vector.broadcast %get3A_9 : vector<1x128xf32> to vector<1000x128xf32>
    %add3A_10 = arith.addf %dot_general3A_6, %add3A : vector<1000x128xf32>
    %swap3A = arith.constant 0 : index
    %swap3A_11 = arith.constant 0 : index
    %swap3A_12 = vector.load %arg4[%swap3A, %swap3A_11] : memref<1000x128xf32, #tpu.memory_space<vmem>>, vector<1000x128xf32>
    tpu.vector_store %arg4[%swap3A, %swap3A_11], %add3A_10 {strides = array<i32>} : memref<1000x128xf32, #tpu.memory_space<vmem>>, vector<1000x128xf32>,
    return
  }
  func.func @transform_0(%arg0: i32) -> (i32, i32) {
    %c0_i32 = arith.constant 0 : i32
    %c0_i32_0 = arith.constant 0 : i32
    return %arg0, %c0_i32 : i32, i32
  }
  func.func @transform_1(%arg0: i32) -> (i32, i32) {
    %c0_i32 = arith.constant 0 : i32
    %c0_i32_0 = arith.constant 0 : i32
    %c0_i32_1 = arith.constant 0 : i32
    return %c0_i32, %c0_i32_0 : i32, i32
  }
  func.func @transform_2(%arg0: i32) -> (i32, i32) {
    %c0_i32 = arith.constant 0 : i32
    %c0_i32_0 = arith.constant 0 : i32
    %c0_i32_1 = arith.constant 0 : i32
    return %c0_i32, %c0_i32_0 : i32, i32
  }
  func.func @transform_3(%arg0: i32) -> (i32, i32) {
    %c0_i32 = arith.constant 0 : i32
    %c0_i32_0 = arith.constant 0 : i32
    return %arg0, %c0_i32 : i32, i32
  }
}

module attributes {stable_mosaic.version = 14 : i64} {
  func.func @_tc_layer(%arg0: i32, %arg1: i32, %arg2: memref<2x1000x128xf32, #tpu.memory_space<vmem>>, %arg3: memref<1000x128xf32, #tpu.memory_space<vmem>>, %arg4: memref<3x128xf32, #tpu.memory_space<vmem>>, %arg5: memref<1x128xf32, #tpu.memory_space<vmem>>, %arg6: memref<256x256xf32, #tpu.memory_space<vmem>>, %arg7: memref<1x256xf32, #tpu.memory_space<vmem>>, %arg8: memref<1x256xf32, #tpu.memory_space<vmem>>, %arg9: memref<1x256xf32, #tpu.memory_space<vmem>>, %arg10: memref<256x128xf32, #tpu.memory_space<vmem>>, %arg11: memref<1x128xf32, #tpu.memory_space<vmem>>, %arg12: memref<1000x128xf32, #tpu.memory_space<vmem>>, %arg13: memref<10000x256xf32, #tpu.memory_space<vmem>>, %arg14: memref<2x256xf32, #tpu.memory_space<vmem>>) attributes {dimension_semantics = [#tpu.dimension_semantics<arbitrary>, #tpu.dimension_semantics<arbitrary>], iteration_bounds = array<i64: 2, 10>, scalar_prefetch = 0 : i64, scratch_operands = 2 : i64, tpu.core_type = #tpu.core_type<tc>, window_params = [{transform_indices = @transform_0, window_bounds = array<i64: 2, 1000, 128>}, {transform_indices = @transform_1, window_bounds = array<i64: 1000, 128>}, {pipeline_mode = #tpu.pipeline_mode<synchronous>, transform_indices = @transform_2, window_bounds = array<i64: 3, 128>}, {pipeline_mode = #tpu.pipeline_mode<synchronous>, transform_indices = @transform_3, window_bounds = array<i64: 1, 128>}, {pipeline_mode = #tpu.pipeline_mode<synchronous>, transform_indices = @transform_4, window_bounds = array<i64: 256, 256>}, {pipeline_mode = #tpu.pipeline_mode<synchronous>, transform_indices = @transform_5, window_bounds = array<i64: 1, 256>}, {pipeline_mode = #tpu.pipeline_mode<synchronous>, transform_indices = @transform_6, window_bounds = array<i64: 1, 256>}, {pipeline_mode = #tpu.pipeline_mode<synchronous>, transform_indices = @transform_7, window_bounds = array<i64: 1, 256>}, {pipeline_mode = #tpu.pipeline_mode<synchronous>, transform_indices = @transform_8, window_bounds = array<i64: 256, 128>}, {pipeline_mode = #tpu.pipeline_mode<synchronous>, transform_indices = @transform_9, window_bounds = array<i64: 1, 128>}, {transform_indices = @transform_10, window_bounds = array<i64: 1000, 128>}]} {
    %eq3A = arith.constant 0 : i32
    %eq3A_0 = arith.cmpi eq, %arg0, %eq3A : i32
    %convert_element_type3A = arith.extui %eq3A_0 : i1 to i32
    %cond3A = arith.constant 0 : i32
    %cond3A_1 = arith.cmpi ne, %convert_element_type3A, %cond3A : i32
    scf.if %cond3A_1 {
      %iota3A = tpu.iota {dimensions = array<i32: 1>} : vector<1x3xi32>
      %eq3A_7 = arith.constant 1 : i32
      %eq3A_8 = vector.broadcast %eq3A_7 : i32 to vector<1x3xi32>
      %eq3A_9 = arith.cmpi eq, %iota3A, %eq3A_8 : vector<1x3xi32>
      %jit3A = arith.constant 1.000000e+00 : f32
      %jit3A_10 = arith.constant 0.000000e+00 : f32
      %broadcast_in_dim3A = vector.broadcast %jit3A : f32 to vector<1x3xf32>
      %broadcast_in_dim3A_11 = vector.broadcast %jit3A_10 : f32 to vector<1x3xf32>
      %select_n3A = arith.select %eq3A_9, %broadcast_in_dim3A, %broadcast_in_dim3A_11 : vector<1x3xi1>, vector<1x3xf32>
      %get3A = arith.constant 0 : index
      %get3A_12 = arith.constant 0 : index
      %get3A_13 = vector.load %arg4[%get3A, %get3A_12] : memref<3x128xf32, #tpu.memory_space<vmem>>, vector<3x128xf32>
      %convert_element_type3A_14 = arith.truncf %select_n3A : vector<1x3xf32> to vector<1x3xbf16>
      %convert_element_type3A_15 = arith.truncf %get3A_13 : vector<3x128xf32> to vector<3x128xbf16>
      %dot_general3A = arith.constant dense<0.000000e+00> : vector<1x128xf32>
      %dot_general3A_16 = tpu.matmul %convert_element_type3A_14, %convert_element_type3A_15, %dot_general3A {dimension_numbers = #tpu.dot_dimension_numbers<[1], [0], [0], [1], [0, 0, 1, 1], [], []>, transpose_lhs_hint = false} : vector<1x3xbf16>, vector<3x128xbf16>, vector<1x128xf32> -> vector<1x128xf32>
      %get3A_17 = arith.constant 0 : index
      %get3A_18 = arith.constant 0 : index
      %get3A_19 = vector.load %arg5[%get3A_17, %get3A_18] : memref<1x128xf32, #tpu.memory_space<vmem>>, vector<1x128xf32>
      %add3A = arith.addf %dot_general3A_16, %get3A_19 : vector<1x128xf32>
      %get3A_20 = arith.constant 0 : index
      %get3A_21 = arith.constant 0 : index
      %get3A_22 = arith.constant 0 : index
      %get3A_23 = vector.load %arg2[%get3A_20, %get3A_21, %get3A_22] : memref<2x1000x128xf32, #tpu.memory_space<vmem>>, vector<1x1000x128xf32>
      %get3A_24 = vector.shape_cast %get3A_23 : vector<1x1000x128xf32> to vector<1000x128xf32>
      %get3A_25 = arith.constant 0 : index
      %get3A_26 = arith.constant 0 : index
      %get3A_27 = vector.load %arg3[%get3A_25, %get3A_26] : memref<1000x128xf32, #tpu.memory_space<vmem>>, vector<1000x128xf32>
      %add3A_28 = arith.addf %get3A_24, %get3A_27 : vector<1000x128xf32>
      %get3A_29 = arith.constant 1 : index
      %get3A_30 = arith.constant 0 : index
      %get3A_31 = arith.constant 0 : index
      %get3A_32 = vector.load %arg2[%get3A_29, %get3A_30, %get3A_31] : memref<2x1000x128xf32, #tpu.memory_space<vmem>>, vector<1x1000x128xf32>
      %get3A_33 = vector.shape_cast %get3A_32 : vector<1x1000x128xf32> to vector<1000x128xf32>
      %add3A_34 = vector.broadcast %add3A : vector<1x128xf32> to vector<1000x128xf32>
      %add3A_35 = arith.addf %get3A_33, %add3A_34 : vector<1000x128xf32>
      %concatenate3A = tpu.concatenate %add3A_28, %add3A_35 in 1 : vector<1000x128xf32>, vector<1000x128xf32> -> vector<1000x256xf32>
      %get3A_36 = arith.constant 0 : index
      %get3A_37 = arith.constant 0 : index
      %get3A_38 = vector.load %arg6[%get3A_36, %get3A_37] : memref<256x256xf32, #tpu.memory_space<vmem>>, vector<256x256xf32>
      %convert_element_type3A_39 = arith.truncf %concatenate3A : vector<1000x256xf32> to vector<1000x256xbf16>
      %convert_element_type3A_40 = arith.truncf %get3A_38 : vector<256x256xf32> to vector<256x256xbf16>
      %dot_general3A_41 = arith.constant dense<0.000000e+00> : vector<1000x256xf32>
      %dot_general3A_42 = tpu.matmul %convert_element_type3A_39, %convert_element_type3A_40, %dot_general3A_41 {dimension_numbers = #tpu.dot_dimension_numbers<[1], [0], [0], [1], [0, 0, 1, 1], [], []>, transpose_lhs_hint = false} : vector<1000x256xbf16>, vector<256x256xbf16>, vector<1000x256xf32> -> vector<1000x256xf32>
      %get3A_43 = arith.constant 0 : index
      %get3A_44 = arith.constant 0 : index
      %get3A_45 = vector.load %arg7[%get3A_43, %get3A_44] : memref<1x256xf32, #tpu.memory_space<vmem>>, vector<1x256xf32>
      %add3A_46 = vector.broadcast %get3A_45 : vector<1x256xf32> to vector<1000x256xf32>
      %add3A_47 = arith.addf %dot_general3A_42, %add3A_46 : vector<1000x256xf32>
      %mul3A = arith.constant 1000 : i32
      %mul3A_48 = arith.muli %arg1, %mul3A : i32
      %swap3A = arith.index_cast %mul3A_48 : i32 to index
      %swap3A_49 = arith.constant 0 : index
      %swap3A_50 = vector.load %arg13[%swap3A, %swap3A_49] : memref<10000x256xf32, #tpu.memory_space<vmem>>, vector<1000x256xf32>
      tpu.vector_store %arg13[%swap3A, %swap3A_49], %add3A_47 {strides = array<i32>} : memref<10000x256xf32, #tpu.memory_space<vmem>>, vector<1000x256xf32>,
      %eq3A_51 = arith.constant 0 : i32
      %eq3A_52 = arith.cmpi eq, %arg1, %eq3A_51 : i32
      %convert_element_type3A_53 = arith.extui %eq3A_52 : i1 to i32
      %cond3A_54 = arith.constant 0 : i32
      %cond3A_55 = arith.cmpi ne, %convert_element_type3A_53, %cond3A_54 : i32
      scf.if %cond3A_55 {
        %broadcast_in_dim3A_76 = arith.constant 0.000000e+00 : f32
        %broadcast_in_dim3A_77 = vector.broadcast %broadcast_in_dim3A_76 : f32 to vector<2x256xf32>
        %swap3A_78 = arith.constant 0 : index
        %swap3A_79 = arith.constant 0 : index
        %swap3A_80 = vector.load %arg14[%swap3A_78, %swap3A_79] : memref<2x256xf32, #tpu.memory_space<vmem>>, vector<2x256xf32>
        tpu.vector_store %arg14[%swap3A_78, %swap3A_79], %broadcast_in_dim3A_77 {strides = array<i32>} : memref<2x256xf32, #tpu.memory_space<vmem>>, vector<2x256xf32>,
      } else {
      }
      %get3A_56 = arith.constant 0 : index
      %get3A_57 = arith.constant 0 : index
      %get3A_58 = vector.load %arg14[%get3A_56, %get3A_57] : memref<2x256xf32, #tpu.memory_space<vmem>>, vector<1x256xf32>
      %reduce_sum3A = arith.constant dense<0.000000e+00> : vector<256xf32>
      %reduce_sum3A_59 = vector.multi_reduction <add>, %add3A_47, %reduce_sum3A [0] : vector<1000x256xf32> to vector<256xf32>
      %broadcast_in_dim3A_60 = vector.shape_cast %reduce_sum3A_59 : vector<256xf32> to vector<1x256xf32>
      %add3A_61 = arith.addf %get3A_58, %broadcast_in_dim3A_60 : vector<1x256xf32>
      %swap3A_62 = arith.constant 0 : index
      %swap3A_63 = arith.constant 0 : index
      %swap3A_64 = vector.load %arg14[%swap3A_62, %swap3A_63] : memref<2x256xf32, #tpu.memory_space<vmem>>, vector<1x256xf32>
      tpu.vector_store %arg14[%swap3A_62, %swap3A_63], %add3A_61 {strides = array<i32>} : memref<2x256xf32, #tpu.memory_space<vmem>>, vector<1x256xf32>,
      %get3A_65 = arith.constant 1 : index
      %get3A_66 = arith.constant 0 : index
      %get3A_67 = vector.load %arg14[%get3A_65, %get3A_66] : memref<2x256xf32, #tpu.memory_space<vmem>>, vector<1x256xf32>
      %mul3A_68 = arith.mulf %add3A_47, %add3A_47 : vector<1000x256xf32>
      %reduce_sum3A_69 = arith.constant dense<0.000000e+00> : vector<256xf32>
      %reduce_sum3A_70 = vector.multi_reduction <add>, %mul3A_68, %reduce_sum3A_69 [0] : vector<1000x256xf32> to vector<256xf32>
      %broadcast_in_dim3A_71 = vector.shape_cast %reduce_sum3A_70 : vector<256xf32> to vector<1x256xf32>
      %add3A_72 = arith.addf %get3A_67, %broadcast_in_dim3A_71 : vector<1x256xf32>
      %swap3A_73 = arith.constant 1 : index
      %swap3A_74 = arith.constant 0 : index
      %swap3A_75 = vector.load %arg14[%swap3A_73, %swap3A_74] : memref<2x256xf32, #tpu.memory_space<vmem>>, vector<1x256xf32>
      tpu.vector_store %arg14[%swap3A_73, %swap3A_74], %add3A_72 {strides = array<i32>} : memref<2x256xf32, #tpu.memory_space<vmem>>, vector<1x256xf32>,
    } else {
    }
    %eq3A_2 = arith.constant 1 : i32
    %eq3A_3 = arith.cmpi eq, %arg0, %eq3A_2 : i32
    %convert_element_type3A_4 = arith.extui %eq3A_3 : i1 to i32
    %cond3A_5 = arith.constant 0 : i32
    %cond3A_6 = arith.cmpi ne, %convert_element_type3A_4, %cond3A_5 : i32
    scf.if %cond3A_6 {
      %get3A = arith.constant 0 : index
      %get3A_7 = arith.constant 0 : index
      %get3A_8 = vector.load %arg14[%get3A, %get3A_7] : memref<2x256xf32, #tpu.memory_space<vmem>>, vector<1x256xf32>
      %div3A = arith.constant 1.000000e+04 : f32
      %div3A_9 = vector.broadcast %div3A : f32 to vector<1x256xf32>
      %div3A_10 = arith.divf %get3A_8, %div3A_9 : vector<1x256xf32>
      %get3A_11 = arith.constant 1 : index
      %get3A_12 = arith.constant 0 : index
      %get3A_13 = vector.load %arg14[%get3A_11, %get3A_12] : memref<2x256xf32, #tpu.memory_space<vmem>>, vector<1x256xf32>
      %div3A_14 = arith.constant 1.000000e+04 : f32
      %div3A_15 = vector.broadcast %div3A_14 : f32 to vector<1x256xf32>
      %div3A_16 = arith.divf %get3A_13, %div3A_15 : vector<1x256xf32>
      %mul3A = arith.mulf %div3A_10, %div3A_10 : vector<1x256xf32>
      %sub3A = arith.subf %div3A_16, %mul3A : vector<1x256xf32>
      %add3A = arith.constant 9.99999974E-6 : f32
      %add3A_17 = vector.broadcast %add3A : f32 to vector<1x256xf32>
      %add3A_18 = arith.addf %sub3A, %add3A_17 : vector<1x256xf32>
      %rsqrt3A = math.rsqrt %add3A_18 : vector<1x256xf32>
      %mul3A_19 = arith.constant 1000 : i32
      %mul3A_20 = arith.muli %arg1, %mul3A_19 : i32
      %get3A_21 = arith.index_cast %mul3A_20 : i32 to index
      %get3A_22 = arith.constant 0 : index
      %get3A_23 = vector.load %arg13[%get3A_21, %get3A_22] : memref<10000x256xf32, #tpu.memory_space<vmem>>, vector<1000x256xf32>
      %sub3A_24 = vector.broadcast %div3A_10 : vector<1x256xf32> to vector<1000x256xf32>
      %sub3A_25 = arith.subf %get3A_23, %sub3A_24 : vector<1000x256xf32>
      %mul3A_26 = vector.broadcast %rsqrt3A : vector<1x256xf32> to vector<1000x256xf32>
      %mul3A_27 = arith.mulf %sub3A_25, %mul3A_26 : vector<1000x256xf32>
      %get3A_28 = arith.constant 0 : index
      %get3A_29 = arith.constant 0 : index
      %get3A_30 = vector.load %arg8[%get3A_28, %get3A_29] : memref<1x256xf32, #tpu.memory_space<vmem>>, vector<1x256xf32>
      %mul3A_31 = vector.broadcast %get3A_30 : vector<1x256xf32> to vector<1000x256xf32>
      %mul3A_32 = arith.mulf %mul3A_27, %mul3A_31 : vector<1000x256xf32>
      %get3A_33 = arith.constant 0 : index
      %get3A_34 = arith.constant 0 : index
      %get3A_35 = vector.load %arg9[%get3A_33, %get3A_34] : memref<1x256xf32, #tpu.memory_space<vmem>>, vector<1x256xf32>
      %add3A_36 = vector.broadcast %get3A_35 : vector<1x256xf32> to vector<1000x256xf32>
      %add3A_37 = arith.addf %mul3A_32, %add3A_36 : vector<1000x256xf32>
      %max3A = arith.constant 0.000000e+00 : f32
      %max3A_38 = vector.broadcast %max3A : f32 to vector<1000x256xf32>
      %max3A_39 = arith.maximumf %add3A_37, %max3A_38 : vector<1000x256xf32>
      %get3A_40 = arith.constant 0 : index
      %get3A_41 = arith.constant 0 : index
      %get3A_42 = vector.load %arg10[%get3A_40, %get3A_41] : memref<256x128xf32, #tpu.memory_space<vmem>>, vector<256x128xf32>
      %convert_element_type3A_43 = arith.truncf %max3A_39 : vector<1000x256xf32> to vector<1000x256xbf16>
      %convert_element_type3A_44 = arith.truncf %get3A_42 : vector<256x128xf32> to vector<256x128xbf16>
      %dot_general3A = arith.constant dense<0.000000e+00> : vector<1000x128xf32>
      %dot_general3A_45 = tpu.matmul %convert_element_type3A_43, %convert_element_type3A_44, %dot_general3A {dimension_numbers = #tpu.dot_dimension_numbers<[1], [0], [0], [1], [0, 0, 1, 1], [], []>, transpose_lhs_hint = false} : vector<1000x256xbf16>, vector<256x128xbf16>, vector<1000x128xf32> -> vector<1000x128xf32>
      %get3A_46 = arith.constant 0 : index
      %get3A_47 = arith.constant 0 : index
      %get3A_48 = vector.load %arg11[%get3A_46, %get3A_47] : memref<1x128xf32, #tpu.memory_space<vmem>>, vector<1x128xf32>
      %add3A_49 = vector.broadcast %get3A_48 : vector<1x128xf32> to vector<1000x128xf32>
      %add3A_50 = arith.addf %dot_general3A_45, %add3A_49 : vector<1000x128xf32>
      %max3A_51 = arith.constant 0.000000e+00 : f32
      %max3A_52 = vector.broadcast %max3A_51 : f32 to vector<1000x128xf32>
      %max3A_53 = arith.maximumf %add3A_50, %max3A_52 : vector<1000x128xf32>
      %swap3A = arith.constant 0 : index
      %swap3A_54 = arith.constant 0 : index
      %swap3A_55 = vector.load %arg12[%swap3A, %swap3A_54] : memref<1000x128xf32, #tpu.memory_space<vmem>>, vector<1000x128xf32>
      tpu.vector_store %arg12[%swap3A, %swap3A_54], %max3A_53 {strides = array<i32>} : memref<1000x128xf32, #tpu.memory_space<vmem>>, vector<1000x128xf32>,
    } else {
    }
    return
  }
  func.func @transform_0(%arg0: i32, %arg1: i32) -> (i32, i32, i32) {
    %c0_i32 = arith.constant 0 : i32
    %c0_i32_0 = arith.constant 0 : i32
    %c0_i32_1 = arith.constant 0 : i32
    return %c0_i32, %arg1, %c0_i32_0 : i32, i32, i32
  }
  func.func @transform_1(%arg0: i32, %arg1: i32) -> (i32, i32) {
    %c0_i32 = arith.constant 0 : i32
    %c0_i32_0 = arith.constant 0 : i32
    return %arg1, %c0_i32 : i32, i32
  }
  func.func @transform_2(%arg0: i32, %arg1: i32) -> (i32, i32) {
    %c0_i32 = arith.constant 0 : i32
    %c0_i32_0 = arith.constant 0 : i32
    %c0_i32_1 = arith.constant 0 : i32
    return %c0_i32, %c0_i32_0 : i32, i32
  }
  func.func @transform_3(%arg0: i32, %arg1: i32) -> (i32, i32) {
    %c0_i32 = arith.constant 0 : i32
    %c0_i32_0 = arith.constant 0 : i32
    %c0_i32_1 = arith.constant 0 : i32
    return %c0_i32, %c0_i32_0 : i32, i32
  }
  func.func @transform_4(%arg0: i32, %arg1: i32) -> (i32, i32) {
    %c0_i32 = arith.constant 0 : i32
    %c0_i32_0 = arith.constant 0 : i32
    %c0_i32_1 = arith.constant 0 : i32
    return %c0_i32, %c0_i32_0 : i32, i32
  }
  func.func @transform_5(%arg0: i32, %arg1: i32) -> (i32, i32) {
    %c0_i32 = arith.constant 0 : i32
    %c0_i32_0 = arith.constant 0 : i32
    %c0_i32_1 = arith.constant 0 : i32
    return %c0_i32, %c0_i32_0 : i32, i32
  }
  func.func @transform_6(%arg0: i32, %arg1: i32) -> (i32, i32) {
    %c0_i32 = arith.constant 0 : i32
    %c0_i32_0 = arith.constant 0 : i32
    %c0_i32_1 = arith.constant 0 : i32
    return %c0_i32, %c0_i32_0 : i32, i32
  }
  func.func @transform_7(%arg0: i32, %arg1: i32) -> (i32, i32) {
    %c0_i32 = arith.constant 0 : i32
    %c0_i32_0 = arith.constant 0 : i32
    %c0_i32_1 = arith.constant 0 : i32
    return %c0_i32, %c0_i32_0 : i32, i32
  }
  func.func @transform_8(%arg0: i32, %arg1: i32) -> (i32, i32) {
    %c0_i32 = arith.constant 0 : i32
    %c0_i32_0 = arith.constant 0 : i32
    %c0_i32_1 = arith.constant 0 : i32
    return %c0_i32, %c0_i32_0 : i32, i32
  }
  func.func @transform_9(%arg0: i32, %arg1: i32) -> (i32, i32) {
    %c0_i32 = arith.constant 0 : i32
    %c0_i32_0 = arith.constant 0 : i32
    %c0_i32_1 = arith.constant 0 : i32
    return %c0_i32, %c0_i32_0 : i32, i32
  }
  func.func @transform_10(%arg0: i32, %arg1: i32) -> (i32, i32) {
    %mul3A = arith.muli %arg0, %arg1 : i32
    %c0_i32 = arith.constant 0 : i32
    %c0_i32_0 = arith.constant 0 : i32
    return %mul3A, %c0_i32 : i32, i32
  }
}

module attributes {stable_mosaic.version = 14 : i64} {
  func.func @_tc_layer(%arg0: i32, %arg1: i32, %arg2: memref<2x1000x128xf32, #tpu.memory_space<vmem>>, %arg3: memref<1000x128xf32, #tpu.memory_space<vmem>>, %arg4: memref<3x128xf32, #tpu.memory_space<vmem>>, %arg5: memref<1x128xf32, #tpu.memory_space<vmem>>, %arg6: memref<256x256xf32, #tpu.memory_space<vmem>>, %arg7: memref<1x256xf32, #tpu.memory_space<vmem>>, %arg8: memref<1x256xf32, #tpu.memory_space<vmem>>, %arg9: memref<1x256xf32, #tpu.memory_space<vmem>>, %arg10: memref<256x128xf32, #tpu.memory_space<vmem>>, %arg11: memref<1x128xf32, #tpu.memory_space<vmem>>, %arg12: memref<1000x128xf32, #tpu.memory_space<vmem>>, %arg13: memref<10000x256xf32, #tpu.memory_space<vmem>>, %arg14: memref<2x256xf32, #tpu.memory_space<vmem>>) attributes {dimension_semantics = [#tpu.dimension_semantics<arbitrary>, #tpu.dimension_semantics<arbitrary>], iteration_bounds = array<i64: 2, 10>, scalar_prefetch = 0 : i64, scratch_operands = 2 : i64, tpu.core_type = #tpu.core_type<tc>, window_params = [{transform_indices = @transform_0, window_bounds = array<i64: 2, 1000, 128>}, {transform_indices = @transform_1, window_bounds = array<i64: 1000, 128>}, {pipeline_mode = #tpu.pipeline_mode<synchronous>, transform_indices = @transform_2, window_bounds = array<i64: 3, 128>}, {pipeline_mode = #tpu.pipeline_mode<synchronous>, transform_indices = @transform_3, window_bounds = array<i64: 1, 128>}, {pipeline_mode = #tpu.pipeline_mode<synchronous>, transform_indices = @transform_4, window_bounds = array<i64: 256, 256>}, {pipeline_mode = #tpu.pipeline_mode<synchronous>, transform_indices = @transform_5, window_bounds = array<i64: 1, 256>}, {pipeline_mode = #tpu.pipeline_mode<synchronous>, transform_indices = @transform_6, window_bounds = array<i64: 1, 256>}, {pipeline_mode = #tpu.pipeline_mode<synchronous>, transform_indices = @transform_7, window_bounds = array<i64: 1, 256>}, {pipeline_mode = #tpu.pipeline_mode<synchronous>, transform_indices = @transform_8, window_bounds = array<i64: 256, 128>}, {pipeline_mode = #tpu.pipeline_mode<synchronous>, transform_indices = @transform_9, window_bounds = array<i64: 1, 128>}, {transform_indices = @transform_10, window_bounds = array<i64: 1000, 128>}]} {
    %eq3A = arith.constant 0 : i32
    %eq3A_0 = arith.cmpi eq, %arg0, %eq3A : i32
    %convert_element_type3A = arith.extui %eq3A_0 : i1 to i32
    %cond3A = arith.constant 0 : i32
    %cond3A_1 = arith.cmpi ne, %convert_element_type3A, %cond3A : i32
    scf.if %cond3A_1 {
      %iota3A = tpu.iota {dimensions = array<i32: 1>} : vector<1x3xi32>
      %eq3A_7 = arith.constant 1 : i32
      %eq3A_8 = vector.broadcast %eq3A_7 : i32 to vector<1x3xi32>
      %eq3A_9 = arith.cmpi eq, %iota3A, %eq3A_8 : vector<1x3xi32>
      %jit3A = arith.constant 1.000000e+00 : f32
      %jit3A_10 = arith.constant 0.000000e+00 : f32
      %broadcast_in_dim3A = vector.broadcast %jit3A : f32 to vector<1x3xf32>
      %broadcast_in_dim3A_11 = vector.broadcast %jit3A_10 : f32 to vector<1x3xf32>
      %select_n3A = arith.select %eq3A_9, %broadcast_in_dim3A, %broadcast_in_dim3A_11 : vector<1x3xi1>, vector<1x3xf32>
      %get3A = arith.constant 0 : index
      %get3A_12 = arith.constant 0 : index
      %get3A_13 = vector.load %arg4[%get3A, %get3A_12] : memref<3x128xf32, #tpu.memory_space<vmem>>, vector<3x128xf32>
      %convert_element_type3A_14 = arith.truncf %select_n3A : vector<1x3xf32> to vector<1x3xbf16>
      %convert_element_type3A_15 = arith.truncf %get3A_13 : vector<3x128xf32> to vector<3x128xbf16>
      %dot_general3A = arith.constant dense<0.000000e+00> : vector<1x128xf32>
      %dot_general3A_16 = tpu.matmul %convert_element_type3A_14, %convert_element_type3A_15, %dot_general3A {dimension_numbers = #tpu.dot_dimension_numbers<[1], [0], [0], [1], [0, 0, 1, 1], [], []>, transpose_lhs_hint = false} : vector<1x3xbf16>, vector<3x128xbf16>, vector<1x128xf32> -> vector<1x128xf32>
      %get3A_17 = arith.constant 0 : index
      %get3A_18 = arith.constant 0 : index
      %get3A_19 = vector.load %arg5[%get3A_17, %get3A_18] : memref<1x128xf32, #tpu.memory_space<vmem>>, vector<1x128xf32>
      %add3A = arith.addf %dot_general3A_16, %get3A_19 : vector<1x128xf32>
      %get3A_20 = arith.constant 0 : index
      %get3A_21 = arith.constant 0 : index
      %get3A_22 = arith.constant 0 : index
      %get3A_23 = vector.load %arg2[%get3A_20, %get3A_21, %get3A_22] : memref<2x1000x128xf32, #tpu.memory_space<vmem>>, vector<1x1000x128xf32>
      %get3A_24 = vector.shape_cast %get3A_23 : vector<1x1000x128xf32> to vector<1000x128xf32>
      %get3A_25 = arith.constant 0 : index
      %get3A_26 = arith.constant 0 : index
      %get3A_27 = vector.load %arg3[%get3A_25, %get3A_26] : memref<1000x128xf32, #tpu.memory_space<vmem>>, vector<1000x128xf32>
      %add3A_28 = arith.addf %get3A_24, %get3A_27 : vector<1000x128xf32>
      %get3A_29 = arith.constant 1 : index
      %get3A_30 = arith.constant 0 : index
      %get3A_31 = arith.constant 0 : index
      %get3A_32 = vector.load %arg2[%get3A_29, %get3A_30, %get3A_31] : memref<2x1000x128xf32, #tpu.memory_space<vmem>>, vector<1x1000x128xf32>
      %get3A_33 = vector.shape_cast %get3A_32 : vector<1x1000x128xf32> to vector<1000x128xf32>
      %add3A_34 = vector.broadcast %add3A : vector<1x128xf32> to vector<1000x128xf32>
      %add3A_35 = arith.addf %get3A_33, %add3A_34 : vector<1000x128xf32>
      %concatenate3A = tpu.concatenate %add3A_28, %add3A_35 in 1 : vector<1000x128xf32>, vector<1000x128xf32> -> vector<1000x256xf32>
      %get3A_36 = arith.constant 0 : index
      %get3A_37 = arith.constant 0 : index
      %get3A_38 = vector.load %arg6[%get3A_36, %get3A_37] : memref<256x256xf32, #tpu.memory_space<vmem>>, vector<256x256xf32>
      %convert_element_type3A_39 = arith.truncf %concatenate3A : vector<1000x256xf32> to vector<1000x256xbf16>
      %convert_element_type3A_40 = arith.truncf %get3A_38 : vector<256x256xf32> to vector<256x256xbf16>
      %dot_general3A_41 = arith.constant dense<0.000000e+00> : vector<1000x256xf32>
      %dot_general3A_42 = tpu.matmul %convert_element_type3A_39, %convert_element_type3A_40, %dot_general3A_41 {dimension_numbers = #tpu.dot_dimension_numbers<[1], [0], [0], [1], [0, 0, 1, 1], [], []>, transpose_lhs_hint = false} : vector<1000x256xbf16>, vector<256x256xbf16>, vector<1000x256xf32> -> vector<1000x256xf32>
      %get3A_43 = arith.constant 0 : index
      %get3A_44 = arith.constant 0 : index
      %get3A_45 = vector.load %arg7[%get3A_43, %get3A_44] : memref<1x256xf32, #tpu.memory_space<vmem>>, vector<1x256xf32>
      %add3A_46 = vector.broadcast %get3A_45 : vector<1x256xf32> to vector<1000x256xf32>
      %add3A_47 = arith.addf %dot_general3A_42, %add3A_46 : vector<1000x256xf32>
      %mul3A = arith.constant 1000 : i32
      %mul3A_48 = arith.muli %arg1, %mul3A : i32
      %swap3A = arith.index_cast %mul3A_48 : i32 to index
      %swap3A_49 = arith.constant 0 : index
      %swap3A_50 = vector.load %arg13[%swap3A, %swap3A_49] : memref<10000x256xf32, #tpu.memory_space<vmem>>, vector<1000x256xf32>
      tpu.vector_store %arg13[%swap3A, %swap3A_49], %add3A_47 {strides = array<i32>} : memref<10000x256xf32, #tpu.memory_space<vmem>>, vector<1000x256xf32>,
      %eq3A_51 = arith.constant 0 : i32
      %eq3A_52 = arith.cmpi eq, %arg1, %eq3A_51 : i32
      %convert_element_type3A_53 = arith.extui %eq3A_52 : i1 to i32
      %cond3A_54 = arith.constant 0 : i32
      %cond3A_55 = arith.cmpi ne, %convert_element_type3A_53, %cond3A_54 : i32
      scf.if %cond3A_55 {
        %broadcast_in_dim3A_76 = arith.constant 0.000000e+00 : f32
        %broadcast_in_dim3A_77 = vector.broadcast %broadcast_in_dim3A_76 : f32 to vector<2x256xf32>
        %swap3A_78 = arith.constant 0 : index
        %swap3A_79 = arith.constant 0 : index
        %swap3A_80 = vector.load %arg14[%swap3A_78, %swap3A_79] : memref<2x256xf32, #tpu.memory_space<vmem>>, vector<2x256xf32>
        tpu.vector_store %arg14[%swap3A_78, %swap3A_79], %broadcast_in_dim3A_77 {strides = array<i32>} : memref<2x256xf32, #tpu.memory_space<vmem>>, vector<2x256xf32>,
      } else {
      }
      %get3A_56 = arith.constant 0 : index
      %get3A_57 = arith.constant 0 : index
      %get3A_58 = vector.load %arg14[%get3A_56, %get3A_57] : memref<2x256xf32, #tpu.memory_space<vmem>>, vector<1x256xf32>
      %reduce_sum3A = arith.constant dense<0.000000e+00> : vector<256xf32>
      %reduce_sum3A_59 = vector.multi_reduction <add>, %add3A_47, %reduce_sum3A [0] : vector<1000x256xf32> to vector<256xf32>
      %broadcast_in_dim3A_60 = vector.shape_cast %reduce_sum3A_59 : vector<256xf32> to vector<1x256xf32>
      %add3A_61 = arith.addf %get3A_58, %broadcast_in_dim3A_60 : vector<1x256xf32>
      %swap3A_62 = arith.constant 0 : index
      %swap3A_63 = arith.constant 0 : index
      %swap3A_64 = vector.load %arg14[%swap3A_62, %swap3A_63] : memref<2x256xf32, #tpu.memory_space<vmem>>, vector<1x256xf32>
      tpu.vector_store %arg14[%swap3A_62, %swap3A_63], %add3A_61 {strides = array<i32>} : memref<2x256xf32, #tpu.memory_space<vmem>>, vector<1x256xf32>,
      %get3A_65 = arith.constant 1 : index
      %get3A_66 = arith.constant 0 : index
      %get3A_67 = vector.load %arg14[%get3A_65, %get3A_66] : memref<2x256xf32, #tpu.memory_space<vmem>>, vector<1x256xf32>
      %mul3A_68 = arith.mulf %add3A_47, %add3A_47 : vector<1000x256xf32>
      %reduce_sum3A_69 = arith.constant dense<0.000000e+00> : vector<256xf32>
      %reduce_sum3A_70 = vector.multi_reduction <add>, %mul3A_68, %reduce_sum3A_69 [0] : vector<1000x256xf32> to vector<256xf32>
      %broadcast_in_dim3A_71 = vector.shape_cast %reduce_sum3A_70 : vector<256xf32> to vector<1x256xf32>
      %add3A_72 = arith.addf %get3A_67, %broadcast_in_dim3A_71 : vector<1x256xf32>
      %swap3A_73 = arith.constant 1 : index
      %swap3A_74 = arith.constant 0 : index
      %swap3A_75 = vector.load %arg14[%swap3A_73, %swap3A_74] : memref<2x256xf32, #tpu.memory_space<vmem>>, vector<1x256xf32>
      tpu.vector_store %arg14[%swap3A_73, %swap3A_74], %add3A_72 {strides = array<i32>} : memref<2x256xf32, #tpu.memory_space<vmem>>, vector<1x256xf32>,
    } else {
    }
    %eq3A_2 = arith.constant 1 : i32
    %eq3A_3 = arith.cmpi eq, %arg0, %eq3A_2 : i32
    %convert_element_type3A_4 = arith.extui %eq3A_3 : i1 to i32
    %cond3A_5 = arith.constant 0 : i32
    %cond3A_6 = arith.cmpi ne, %convert_element_type3A_4, %cond3A_5 : i32
    scf.if %cond3A_6 {
      %get3A = arith.constant 0 : index
      %get3A_7 = arith.constant 0 : index
      %get3A_8 = vector.load %arg14[%get3A, %get3A_7] : memref<2x256xf32, #tpu.memory_space<vmem>>, vector<1x256xf32>
      %div3A = arith.constant 1.000000e+04 : f32
      %div3A_9 = vector.broadcast %div3A : f32 to vector<1x256xf32>
      %div3A_10 = arith.divf %get3A_8, %div3A_9 : vector<1x256xf32>
      %get3A_11 = arith.constant 1 : index
      %get3A_12 = arith.constant 0 : index
      %get3A_13 = vector.load %arg14[%get3A_11, %get3A_12] : memref<2x256xf32, #tpu.memory_space<vmem>>, vector<1x256xf32>
      %div3A_14 = arith.constant 1.000000e+04 : f32
      %div3A_15 = vector.broadcast %div3A_14 : f32 to vector<1x256xf32>
      %div3A_16 = arith.divf %get3A_13, %div3A_15 : vector<1x256xf32>
      %mul3A = arith.mulf %div3A_10, %div3A_10 : vector<1x256xf32>
      %sub3A = arith.subf %div3A_16, %mul3A : vector<1x256xf32>
      %add3A = arith.constant 9.99999974E-6 : f32
      %add3A_17 = vector.broadcast %add3A : f32 to vector<1x256xf32>
      %add3A_18 = arith.addf %sub3A, %add3A_17 : vector<1x256xf32>
      %rsqrt3A = math.rsqrt %add3A_18 : vector<1x256xf32>
      %mul3A_19 = arith.constant 1000 : i32
      %mul3A_20 = arith.muli %arg1, %mul3A_19 : i32
      %get3A_21 = arith.index_cast %mul3A_20 : i32 to index
      %get3A_22 = arith.constant 0 : index
      %get3A_23 = vector.load %arg13[%get3A_21, %get3A_22] : memref<10000x256xf32, #tpu.memory_space<vmem>>, vector<1000x256xf32>
      %sub3A_24 = vector.broadcast %div3A_10 : vector<1x256xf32> to vector<1000x256xf32>
      %sub3A_25 = arith.subf %get3A_23, %sub3A_24 : vector<1000x256xf32>
      %mul3A_26 = vector.broadcast %rsqrt3A : vector<1x256xf32> to vector<1000x256xf32>
      %mul3A_27 = arith.mulf %sub3A_25, %mul3A_26 : vector<1000x256xf32>
      %get3A_28 = arith.constant 0 : index
      %get3A_29 = arith.constant 0 : index
      %get3A_30 = vector.load %arg8[%get3A_28, %get3A_29] : memref<1x256xf32, #tpu.memory_space<vmem>>, vector<1x256xf32>
      %mul3A_31 = vector.broadcast %get3A_30 : vector<1x256xf32> to vector<1000x256xf32>
      %mul3A_32 = arith.mulf %mul3A_27, %mul3A_31 : vector<1000x256xf32>
      %get3A_33 = arith.constant 0 : index
      %get3A_34 = arith.constant 0 : index
      %get3A_35 = vector.load %arg9[%get3A_33, %get3A_34] : memref<1x256xf32, #tpu.memory_space<vmem>>, vector<1x256xf32>
      %add3A_36 = vector.broadcast %get3A_35 : vector<1x256xf32> to vector<1000x256xf32>
      %add3A_37 = arith.addf %mul3A_32, %add3A_36 : vector<1000x256xf32>
      %max3A = arith.constant 0.000000e+00 : f32
      %max3A_38 = vector.broadcast %max3A : f32 to vector<1000x256xf32>
      %max3A_39 = arith.maximumf %add3A_37, %max3A_38 : vector<1000x256xf32>
      %get3A_40 = arith.constant 0 : index
      %get3A_41 = arith.constant 0 : index
      %get3A_42 = vector.load %arg10[%get3A_40, %get3A_41] : memref<256x128xf32, #tpu.memory_space<vmem>>, vector<256x128xf32>
      %convert_element_type3A_43 = arith.truncf %max3A_39 : vector<1000x256xf32> to vector<1000x256xbf16>
      %convert_element_type3A_44 = arith.truncf %get3A_42 : vector<256x128xf32> to vector<256x128xbf16>
      %dot_general3A = arith.constant dense<0.000000e+00> : vector<1000x128xf32>
      %dot_general3A_45 = tpu.matmul %convert_element_type3A_43, %convert_element_type3A_44, %dot_general3A {dimension_numbers = #tpu.dot_dimension_numbers<[1], [0], [0], [1], [0, 0, 1, 1], [], []>, transpose_lhs_hint = false} : vector<1000x256xbf16>, vector<256x128xbf16>, vector<1000x128xf32> -> vector<1000x128xf32>
      %get3A_46 = arith.constant 0 : index
      %get3A_47 = arith.constant 0 : index
      %get3A_48 = vector.load %arg11[%get3A_46, %get3A_47] : memref<1x128xf32, #tpu.memory_space<vmem>>, vector<1x128xf32>
      %add3A_49 = vector.broadcast %get3A_48 : vector<1x128xf32> to vector<1000x128xf32>
      %add3A_50 = arith.addf %dot_general3A_45, %add3A_49 : vector<1000x128xf32>
      %swap3A = arith.constant 0 : index
      %swap3A_51 = arith.constant 0 : index
      %swap3A_52 = vector.load %arg12[%swap3A, %swap3A_51] : memref<1000x128xf32, #tpu.memory_space<vmem>>, vector<1000x128xf32>
      tpu.vector_store %arg12[%swap3A, %swap3A_51], %add3A_50 {strides = array<i32>} : memref<1000x128xf32, #tpu.memory_space<vmem>>, vector<1000x128xf32>,
    } else {
    }
    return
  }
  func.func @transform_0(%arg0: i32, %arg1: i32) -> (i32, i32, i32) {
    %c0_i32 = arith.constant 0 : i32
    %c0_i32_0 = arith.constant 0 : i32
    %c0_i32_1 = arith.constant 0 : i32
    return %c0_i32, %arg1, %c0_i32_0 : i32, i32, i32
  }
  func.func @transform_1(%arg0: i32, %arg1: i32) -> (i32, i32) {
    %c0_i32 = arith.constant 0 : i32
    %c0_i32_0 = arith.constant 0 : i32
    return %arg1, %c0_i32 : i32, i32
  }
  func.func @transform_2(%arg0: i32, %arg1: i32) -> (i32, i32) {
    %c0_i32 = arith.constant 0 : i32
    %c0_i32_0 = arith.constant 0 : i32
    %c0_i32_1 = arith.constant 0 : i32
    return %c0_i32, %c0_i32_0 : i32, i32
  }
  func.func @transform_3(%arg0: i32, %arg1: i32) -> (i32, i32) {
    %c0_i32 = arith.constant 0 : i32
    %c0_i32_0 = arith.constant 0 : i32
    %c0_i32_1 = arith.constant 0 : i32
    return %c0_i32, %c0_i32_0 : i32, i32
  }
  func.func @transform_4(%arg0: i32, %arg1: i32) -> (i32, i32) {
    %c0_i32 = arith.constant 0 : i32
    %c0_i32_0 = arith.constant 0 : i32
    %c0_i32_1 = arith.constant 0 : i32
    return %c0_i32, %c0_i32_0 : i32, i32
  }
  func.func @transform_5(%arg0: i32, %arg1: i32) -> (i32, i32) {
    %c0_i32 = arith.constant 0 : i32
    %c0_i32_0 = arith.constant 0 : i32
    %c0_i32_1 = arith.constant 0 : i32
    return %c0_i32, %c0_i32_0 : i32, i32
  }
  func.func @transform_6(%arg0: i32, %arg1: i32) -> (i32, i32) {
    %c0_i32 = arith.constant 0 : i32
    %c0_i32_0 = arith.constant 0 : i32
    %c0_i32_1 = arith.constant 0 : i32
    return %c0_i32, %c0_i32_0 : i32, i32
  }
  func.func @transform_7(%arg0: i32, %arg1: i32) -> (i32, i32) {
    %c0_i32 = arith.constant 0 : i32
    %c0_i32_0 = arith.constant 0 : i32
    %c0_i32_1 = arith.constant 0 : i32
    return %c0_i32, %c0_i32_0 : i32, i32
  }
  func.func @transform_8(%arg0: i32, %arg1: i32) -> (i32, i32) {
    %c0_i32 = arith.constant 0 : i32
    %c0_i32_0 = arith.constant 0 : i32
    %c0_i32_1 = arith.constant 0 : i32
    return %c0_i32, %c0_i32_0 : i32, i32
  }
  func.func @transform_9(%arg0: i32, %arg1: i32) -> (i32, i32) {
    %c0_i32 = arith.constant 0 : i32
    %c0_i32_0 = arith.constant 0 : i32
    %c0_i32_1 = arith.constant 0 : i32
    return %c0_i32, %c0_i32_0 : i32, i32
  }
  func.func @transform_10(%arg0: i32, %arg1: i32) -> (i32, i32) {
    %mul3A = arith.muli %arg0, %arg1 : i32
    %c0_i32 = arith.constant 0 : i32
    %c0_i32_0 = arith.constant 0 : i32
    return %mul3A, %c0_i32 : i32, i32
  }
}

</mosaic_0001>

<sc_bundles>
// kernel: kernel.12.cloned.1.call-start
scs
__scs_entry_jumppad:
0x0: {  	(pc) =	sbr.rel $0x88, $3  }
0x1: {  	(tag) =	ssettag $0x0;
	lr =	simm.s32 $0x1  }
0x2: {  	[smem:$0x3F8C] =	sst lr;
	_ =	strace $0xD0000000  }
0x3: {  	_ = 	snop  }
0x4: {  	_ = 	snop  }
0x5: {  	_ = 	snop  }
0x6: {  	_ = 	snop  }
0x7: {  	_ = 	snop  }
__scs_overlays_trampoline_lowered:
0x8: {  	[smem:$0x3F9B] =	sst s0  }
0x9: {  	[smem:$0x3F9C] =	sst s1  }
0xa: {  	[smem:$0x3F9D] =	sst s2  }
0xb: {  	[smem:$0x3F9E] =	sst s3  }
0xc: {  	[smem:$0x3F9F] =	sst s4  }
0xd: {  	[smem:$0x3FA0] =	sst s5  }
0xe: {  	[smem:$0x3FA1] =	sst s6  }
0xf: {  	[smem:$0x3FA2] =	sst s7  }
0x10: {  	[smem:$0x3FA3] =	sst s8  }
0x11: {  	[smem:$0x3FA4] =	sst s9;
	s0 =	simm.s32 @!p0 $0x0  }
0x12: {  	s1 =	sld [smem:$0x3F8A];
	s0 =	simm.s32 @p0 $0x1  }
0x13: {  	[smem:$0x3FA5] =	sst s0;
	s0 =	simm.s32 @!p1 $0x0  }
0x14: {  	s2 =	sld [smem:$0x3F89];
	s0 =	simm.s32 @p1 $0x1  }
0x15: {  	[smem:$0x3FA6] =	sst s0;
	s0 =	simm.s32 @!p2 $0x0  }
0x16: {  	s3 =	sld [smem:$0x3FDB];
	s0 =	simm.s32 @p2 $0x1  }
0x17: {  	s4 =	simm.s32 $0x1BF5;
	[smem:$0x3FA8] =	sst s0  }
0x18: {  	s0 =	sld [smem:$0x3F8B];
	_ =	swait.ge [sflag:s4], $0x0  }
0x19: {  	s7 =	sld [smem:$0x3F8C]  }
0x1a: {  	s8 =	sadd.s32 $0xFFFFE003, lr  }
0x1b: {  	s9 =	sadd.s32 $0xFFFFFEF7, lr;
	s5 =	simm.s32 $0xFFFFFFFF;
	p2 =	slt.u32 s8, $0xFFFFF086  }
0x1c: {  	p1 =	slt.u32 s9, $0xF7A;
	s5 =	simm.s32 @!p2 $0x0  }
0x1d: {  	s5 =	simm.s32 @p1 $0x1;
	p0 =	seq.s32 s7, s2  }
0x1e: {  	s7 =	smul.u32 @!p0 $0xF7A, s2;
	p2 =	seq.s32 @!p0 s5, $0x0  }
0x1f: {  	s9 =	smul.u32 $0xF7A, s1;
	s8 =	simm.s32 @!p0 $0x1BF5;
	p2 =	por !p2, p0  }
0x20: {  	[sflag:s8] =	ssyncset.s32 @!p0 $0xFFFFF086;
	s6 =	sadd.s32 @!p0 s3, s7;
	s7 =	simm.s32 @!p0 $0x108  }
0x21: {  	s3 =	sadd.s32 s3, s9;
	s6 =	sadd.s32 @!p0 $0x88, s6;
	s7 =	simm.s32 @p2 $0x1082  }
0x22: {  	[simem:s7], [sflag:s8] =	dma.local @!p0 [hbm:s6], $0xF7A  }
0x23: {  	s9 =	sor.u32 $0xD0000000, s2;
	s6 =	simm.s32 $0x108;
	_ =	swait.ge @!p0 [sflag:s8], $0x0  }
0x24: {  	s3 =	sadd.s32 $0x88, s3;
	s6 =	simm.s32 @!p1 $0x1082;
	[sflag:s4] =	ssyncset.s32 $0xFFFFF086  }
0x25: {  	[simem:s6], [sflag:s4] =	dma.local [hbm:s3], $0xF7A  }
0x26: {  	[smem:$0x3F8C] =	sst s1;
	(tag) =	ssettag s2;
	_ =	strace s9  }
0x27: {  	s1 =	sld [smem:$0x3F9C]  }
0x28: {  	s2 =	sld [smem:$0x3F9D]  }
0x29: {  	s4 =	sld [smem:$0x3F9F]  }
0x2a: {  	p0 =	seq.s32 s5, $0x0;
	s5 =	sld [smem:$0x3FA0]  }
0x2b: {  	s6 =	sld [smem:$0x3FA1]  }
0x2c: {  	s7 =	sld [smem:$0x3FA2]  }
0x2d: {  	s3 =	simm.s32 $0x108;
	s8 =	sld [smem:$0x3FA3]  }
0x2e: {  	s3 =	simm.s32 @!p0 $0x1082;
	s9 =	sld [smem:$0x3FA4]  }
0x2f: {  	lr =	sadd.s32 s0, s3;
	s0 =	sld [smem:$0x3F9B]  }
0x30: {  	s3 =	sld [smem:$0x3F9E]  }
0x31: {  	[smem:$0x3FA7] =	sst s10  }
0x32: {  	s10 =	sld [smem:$0x3FA5];
	_ =	sdelay $0x3  }
0x33: {  	p0 =	seq.s32 s10, $0x1;
	s10 =	sld [smem:$0x3FA7];
	_ =	sdelay $0x3  }
0x34: {  	[smem:$0x3FA7] =	sst s10  }
0x35: {  	s10 =	sld [smem:$0x3FA6];
	_ =	sdelay $0x3  }
0x36: {  	p1 =	seq.s32 s10, $0x1;
	s10 =	sld [smem:$0x3FA7];
	_ =	sdelay $0x3  }
0x37: {  	[smem:$0x3FA7] =	sst s10  }
0x38: {  	s10 =	sld [smem:$0x3FA8]  }
0x39: {  	_ = 	snop;
	(pc) =	sbr.ind lr, $3  }
0x3a: {  	_ = 	snop  }
0x3b: {  	_ = 	snop  }
0x3c: {  	p2 =	seq.s32 s10, $0x1;
	s10 =	sld [smem:$0x3FA7]  }
0x3d: {  	_ =	shalt  }
0x3e: {  	_ =	shalt  }
0x3f: {  	_ =	shalt  }
0x40: {  	_ =	shalt  }
0x41: {  	_ =	shalt  }
0x42: {  	_ =	shalt  }
0x43: {  	_ =	shalt  }
0x44: {  	_ =	shalt  }
0x45: {  	_ =	shalt  }
0x46: {  	_ =	shalt  }
0x47: {  	_ =	shalt  }
0x48: {  	_ =	shalt  }
0x49: {  	_ =	shalt  }
0x4a: {  	_ =	shalt  }
0x4b: {  	_ =	shalt  }
0x4c: {  	_ =	shalt  }
0x4d: {  	_ =	shalt  }
0x4e: {  	_ =	shalt  }
0x4f: {  	_ =	shalt  }
0x50: {  	_ =	shalt  }
0x51: {  	_ =	shalt  }
0x52: {  	_ =	shalt  }
0x53: {  	_ =	shalt  }
0x54: {  	_ =	shalt  }
0x55: {  	_ =	shalt  }
0x56: {  	_ =	shalt  }
0x57: {  	_ =	shalt  }
0x58: {  	_ =	shalt  }
0x59: {  	_ =	shalt  }
0x5a: {  	_ =	shalt  }
0x5b: {  	_ =	shalt  }
0x5c: {  	_ =	shalt  }
0x5d: {  	_ =	shalt  }
0x5e: {  	_ =	shalt  }
0x5f: {  	_ =	shalt  }
0x60: {  	_ =	shalt  }
0x61: {  	_ =	shalt  }
0x62: {  	_ =	shalt  }
0x63: {  	_ =	shalt  }
0x64: {  	_ =	shalt  }
0x65: {  	_ =	shalt  }
0x66: {  	_ =	shalt  }
0x67: {  	_ =	shalt  }
0x68: {  	_ =	shalt  }
0x69: {  	_ =	shalt  }
0x6a: {  	_ =	shalt  }
0x6b: {  	_ =	shalt  }
0x6c: {  	_ =	shalt  }
0x6d: {  	_ =	shalt  }
0x6e: {  	_ =	shalt  }
0x6f: {  	_ =	shalt  }
0x70: {  	_ =	shalt  }
0x71: {  	_ =	shalt  }
0x72: {  	_ =	shalt  }
0x73: {  	_ =	shalt  }
0x74: {  	_ =	shalt  }
0x75: {  	_ =	shalt  }
0x76: {  	_ =	shalt  }
0x77: {  	_ =	shalt  }
0x78: {  	_ =	shalt  }
0x79: {  	_ =	shalt  }
0x7a: {  	_ =	shalt  }
0x7b: {  	_ =	shalt  }
0x7c: {  	_ =	shalt  }
0x7d: {  	_ =	shalt  }
0x7e: {  	_ =	shalt  }
0x7f: {  	_ =	shalt  }
0x80: {  	_ =	shalt  }
0x81: {  	_ =	shalt  }
0x82: {  	_ =	shalt  }
0x83: {  	_ =	shalt  }
0x84: {  	_ =	shalt  }
0x85: {  	_ =	shalt  }
0x86: {  	_ =	shalt  }
0x87: {  	_ =	shalt  }
.Lfunc_end0:
.L_simem_size_0:
called_computation.1_lowered:
.L_overlay_start_0:
0x88: {  	s2 =	sld [smem:$0x3FD9]  }
0x89: {  	s3 =	sld [smem:$0x3FFE];
	_ =	sdelay $0x1  }
0x8a: {  	s1 =	srdreg.scid  }
0x8b: {  	s0 =	sand.u32 $0x1, s1  }
0x8c: {  	s17 =	sshll.u32 s0, $0xA;
	s2 =	sadd.s32 s3, s2  }
0x8d: {  	s2 =	sadd.s32 s2, s17  }
0x8e: {  	[smem:$0x3FB3] =	sst s2  }
0x8f: {  	_ = 	snop  }
0x90: {  	s2 =	sld [smem:$0x3FD0];
	(tm) =	ssettm $0x1  }
0x91: {  	s18 =	sld [smem:$0x3FFB];
	_ =	sdelay $0x3  }
0x92: {  	_ =	strace s18  }
0x93: {  	s3 =	sld [smem:$0x3FFC];
	_ =	sdelay $0x3  }
0x94: {  	_ =	strace s3  }
0x95: {  	s3 =	sld [smem:$0x3FFD];
	_ =	sdelay $0x3  }
0x96: {  	_ =	strace s3  }
0x97: {  	_ =	strace $0x8FFFFFFF  }
0x98: {  	s19 =	sld [smem:$0x3FDB];
	_ =	sdelay $0x1  }
0x99: {  	s4 =	simm.s32 $_scs_section_size  }
0x9a: {  	s5 =	simm.s32 $_size__tile_overlayer_lowered;
	s6 =	simm.s32 $_tile_overlayer_lowered  }
0x9b: {  	s22 =	simm.s32 $0x1BFF;
	s21 =	sshll.u32 s6, $0x1;
	s3 =	sadd.s32 s4, s19  }
0x9c: {  	s7 =	simm.s32 $0x0;
	s20 =	sshll.u32 s5, $0x1;
	s5 =	sadd.s32 s21, s3  }
0x9d: {  	[timem:s7], [sflag:s22] =	dma.local [hbm:s5], s20  }
0x9e: {  	_ =	swait.ge [sflag:s22], s20  }
0x9f: {  	s4 =	ssub.s32 $0x0, s20;
	[sflag:s22] =	ssyncset.done $0x0  }
0xa0: {  	[sflag:s22] =	ssyncadd.s32 s4;
	_ =	sdelay $0x1  }
0xa1: {  	s23 =	simm.s32 $0x1B8B  }
0xa2: {  	_ =	swait.ge [sflag:s23], $0x1  }
0xa3: {  	[sflag:s23] =	ssyncset.done $0x0  }
0xa4: {  	s25 =	simm.s32 $0x1B8E;
	s24 =	sld [smem:$0x3FFE];
	[sflag:s23] =	ssyncadd.s32 $0xFFFFFFFF  }
0xa5: {  	s26 =	simm.s32 $execute0_lowered;
	[smem:$0x3FD2] =	sst s25  }
0xa6: {  	s5 =	sshll.u32 s26, $0x1;
	_ =	strace $0x80000049;
	[dreg:$0x1] =	wrdreg $0xFFFFFFFF  }
0xa7: {  	s28 =	simm.s32 $_size_execute0_lowered;
	s3 =	sadd.s32 s3, s5;
	[dreg:$0x0] =	wrdreg $0x0  }
0xa8: {  	s5 =	sshll.u32 s28, $0x1;
	[dreg:$0x2] =	wrdreg s3  }
0xa9: {  	[dreg:$0x3] =	wrdreg s5  }
0xaa: {  	[dreg:$0x4] =	wrdreg $0xC0  }
0xab: {  	_ =	task [dreg:s7], $0x5FFFF  }
0xac: {  	[dreg:$0x1] =	wrdreg $0xFFFFFFFF  }
0xad: {  	[dreg:$0x0] =	wrdreg $0x60  }
0xae: {  	[dreg:$0x2] =	wrdreg s2  }
0xaf: {  	[dreg:$0x3] =	wrdreg s24  }
0xb0: {  	[dreg:$0x4] =	wrdreg $0x0  }
0xb1: {  	[dreg:$0x5] =	wrdreg $0x9  }
0xb2: {  	_ =	task.clear_ibuf [dreg:s7], $0x6FFFF;
	_ =	strace $0x90000049  }
0xb3: {  	s29 =	simm.s32 $0x9;
	_ =	strace $0x8000004B  }
0xb4: {  	_ =	swait.ge [sflag:s29], $0x1  }
0xb5: {  	[sflag:s29] =	ssyncadd.s32 $0xFFFFFFFF  }
0xb6: {  	_ =	strace $0x9000004B  }
0xb7: {  	_ =	sfence  }
0xb8: {  	s30 =	sld [smem:$0x0];
	_ =	sdelay $0x2  }
0xb9: {  	s31 =	sshll.u32 s1, $0xD;
	s1 =	sshrl.u32 s1, $0x2  }
0xba: {  	s3 =	sand.u32 $0x4000, s31;
	s1 =	sadd.s32 s1, s30  }
0xbb: {  	s0 =	sor.u32 s3, s0;
	s1 =	sshll.u32 s1, $0x11  }
0xbc: {  	s0 =	sor.u32 s1, s0  }
0xbd: {  	s0 =	sadd.s32 $0x8F2B, s0  }
0xbe: {  	[sflag:s0] =	ssyncadd.remote.s32 $0x1  }
0xbf: {  	_ =	sfence.sel $0xFFFF  }
0xc0: {  	[dreg:$0x0] =	wrdreg $0xFFFFFFFF;
	(pc) =	sbr.abs _section_cstart, $3  }
0xc1: {  	[dreg:$0x1] =	wrdreg $0xFFFFFFFF  }
0xc2: {  	_ =	task.clear_ibuf [dreg:s7], $0x2FFFF;
	_ =	strace $0x9FFFFFFF  }
0xc3: {  	(tm) =	ssettm $0x7FFFFFFF  }
tec
execute0_lowered:
.L_overlay_start_1:
0x0: {  	(tag) =	ssettag $0x1  }
0x1: {  	s1 =	rddreg [dreg:$0x0]  }
0x2: {  	s0 =	rddreg [dreg:$0x1];
	s22 =	stileid.u32  }
0x3: {  	s2 =	rddreg [dreg:$0x2];
	s6 =	smul.u32 $0x4F000, s22  }
0x4: {  	s4 =	simm.s32 $0x0;
	s3 =	srdreg.scid;
	s9 =	smul.u32 $0x13C00, s22  }
0x5: {  	s28 =	simm.s32 $0x80;
	[smem:$0x7FF] =	sst s4;
	s13 =	smul.u32 $0xA0, s22  }
0x6: {  	s3 =	sand.u32 $0x1, s3;
	s8 =	sadd.s32 $0xEFB200, s0;
	s17 =	smul.u32 $0x5000, s22  }
0x7: {  	s10 =	sadd.s32 $0x18E00, s0;
	s14 =	smul.u32 $0x50000, s22;
	_ =	strace $0x8000004A  }
0x8: {  	s5 =	ssub.s32 $0x2, s3;
	s11 =	smul.u32 $0x13C000, s3;
	p0 =	seq.s32 s3, $0x1  }
0x9: {  	s7 =	sshrl.u32 s5, $0x1;
	s12 =	sadd.s32 $0x10000, s9;
	s13 =	sadd.s32 $0x9E, s13  }
0xa: {  	s6 =	sshrl.u32 s6, $0x2;
	s5 =	ssub.s32 s5, s7;
	s18 =	sadd.s32 s11, s12  }
0xb: {  	s19 =	sadd.s32 s11, s9;
	s24 =	sshll.u32 s13, $0x7;
	s13 =	sshll.u32 s13, $0xB  }
0xc: {  	s16 =	sadd.s32 s6, s2;
	s6 =	simm.s32 $0x3;
	s3 =	sshrl.u32 s18, $0x3  }
0xd: {  	s7 =	sshrl.u32 s19, $0x3;
	s18 =	sor.u32 $0x80, s17;
	s19 =	sadd.s32 $0x8000, s9  }
0xe: {  	s25 =	sadd.s32 s8, s13;
	s5 =	smax.u32 s5, $0x1;
	s13 =	sadd.s32 s9, s2  }
0xf: {  	s30 =	sadd.s32 $0x4000, s16;
	s31 =	sadd.s32 $0x8000, s16;
	[dreg:$0xa] =	wrdreg s25  }
0x10: {  	s3 =	sadd.s32 s10, s3;
	s20 =	sadd.s32 s10, s7;
	[dreg:$0xc] =	wrdreg s5  }
0x11: {  	s7 =	sadd.s32 s8, s14;
	s15 =	sshll.u32 s18, $0x4;
	[dreg:$0x4] =	wrdreg s3  }
0x12: {  	s23 =	sadd.s32 s11, s19;
	s5 =	simm.s32 $0x17E00;
	[dreg:$0x5] =	wrdreg s20  }
0x13: {  	s3 =	sadd.s32 $0x4000, s9;
	s15 =	sadd.s32 s8, s15;
	s20 =	sadd.s32 $0xC000, s9  }
0x14: {  	s9 =	simm.s32 $0x4;
	s21 =	sadd.s32 s11, s3;
	[dreg:$0x6] =	wrdreg s15  }
0x15: {  	s11 =	sadd.s32 s11, s20;
	s15 =	sadd.s32 $0xEE00, s0;
	s14 =	sshrl.u32 s21, $0x3  }
0x16: {  	s3 =	sadd.s32 s3, s2;
	s21 =	sor.u32 $0x80, s24;
	s14 =	sadd.s32 s10, s14  }
0x17: {  	s11 =	sshrl.u32 s11, $0x3;
	s26 =	sshll.u32 s21, $0x4;
	[dreg:$0x7] =	wrdreg s14  }
0x18: {  	s14 =	sshrl.u32 s23, $0x3;
	s8 =	sadd.s32 s8, s26;
	s23 =	sshrl.u32 s3, $0x3  }
0x19: {  	s3 =	simm.s32 $0x13D80;
	s14 =	sadd.s32 s10, s14;
	s10 =	sadd.s32 s10, s11  }
0x1a: {  	[dreg:$0xb] =	wrdreg s8;
	s11 =	sshrl.u32 s18, $0x3;
	s18 =	sadd.s32 s19, s2  }
0x1b: {  	s19 =	sadd.s32 s20, s2;
	s20 =	sshrl.u32 s21, $0x3;
	[dreg:$0x11] =	wrdreg s23  }
0x1c: {  	s21 =	smul.u32 $0xA00, s22;
	s22 =	simm.s32 $0x2;
	[dreg:$0x8] =	wrdreg s14  }
0x1d: {  	[dreg:$0x9] =	wrdreg s10;
	s14 =	sadd.s32 $0x4E00, s0;
	s10 =	sshrl.u32 s17, $0x3  }
0x1e: {  	s17 =	sadd.s32 s12, s2;
	s12 =	sadd.s32 s15, s11;
	s8 =	sadd.s32 s15, s20  }
0x1f: {  	s24 =	sshrl.u32 s18, $0x3;
	s25 =	sshrl.u32 s19, $0x3;
	[dreg:$0xd] =	wrdreg s12  }
0x20: {  	s19 =	simm.s32 $0x13D00;
	s20 =	simm.s32 $0x1;
	[dreg:$0xf] =	wrdreg s8  }
0x21: {  	s11 =	simm.s32 $0x13C80;
	s18 =	simm.s32 $0x0;
	[dreg:$0x12] =	wrdreg s24  }
.Ltmp0:
0x22: {  	s0 =	sadd.s32 s10, s15;
	[dreg:$0x13] =	wrdreg s25;
	(pc) =	sbr.rel .LBB2_1-.Ltmp0, $4  }
0x23: {  	s26 =	sadd.s32 s14, s21;
	s29 =	sadd.s32 s15, s21;
	s12 =	simm.s32 $0x13E00  }
0x24: {  	s10 =	simm.s32 $0x13C00;
	s0 =	sadd.s32 $0x20, s0;
	[dreg:$0x14] =	wrdreg s26  }
0x25: {  	s8 =	sadd.s32 $0x40, s29;
	[dreg:$0xe] =	wrdreg s0;
	s0 =	sshrl.u32 s13, $0x3  }
0x26: {  	v0 =	vimm.f32 $0.0e+00;
	s13 =	simm.s32 $0x5;
	[dreg:$0x10] =	wrdreg s0;
	s0 =	sadd.s32 $0xC000, s16  }
.LBB2_14:
0x27: {  	_ =	swait.ge [sflag:s6], $0x4000  }
0x28: {  	[sflag:s6] =	ssyncset.done $0x0  }
0x29: {  	[sflag:s6] =	ssyncadd.s32 $0xFFFFC000  }
0x2a: {  	_ =	swait.ge [sflag:s9], $0x4000  }
0x2b: {  	[sflag:s9] =	ssyncset.done $0x0  }
0x2c: {  	[sflag:s9] =	ssyncadd.s32 $0xFFFFC000  }
0x2d: {  	s23 =	stileid.u32;
	[bflag:$0x0] =	sbarrier.arrive $0xFFFF  }
0x2e: {  	s23 =	sshll.u32 s23, $0x6;
	s24 =	rddreg [dreg:$0x5]  }
0x2f: {  	s23 =	sor.u32 $0x1C05, s23;
	s25 =	rddreg [dreg:$0x10]  }
0x30: {  	[hbm:s24], [sflag:s23] =	dma.local [spmem:s25], $0x800  }
0x31: {  	_ =	swait.ge [sflag:s13], $0x800  }
0x32: {  	[sflag:s13] =	ssyncset.done $0x0;
	s25 =	rddreg [dreg:$0x7]  }
0x33: {  	s26 =	rddreg [dreg:$0x11];
	[sflag:s13] =	ssyncadd.s32 $0xFFFFF800  }
0x34: {  	[hbm:s25], [sflag:s23] =	dma.local [spmem:s26], $0x800  }
0x35: {  	_ =	swait.ge [sflag:s13], $0x800  }
0x36: {  	[sflag:s13] =	ssyncset.done $0x0;
	s25 =	rddreg [dreg:$0x8]  }
0x37: {  	s26 =	rddreg [dreg:$0x12];
	[sflag:s13] =	ssyncadd.s32 $0xFFFFF800  }
0x38: {  	[hbm:s25], [sflag:s23] =	dma.local [spmem:s26], $0x800  }
0x39: {  	_ =	swait.ge [sflag:s13], $0x800  }
0x3a: {  	[sflag:s13] =	ssyncset.done $0x0;
	s25 =	rddreg [dreg:$0x9]  }
0x3b: {  	s26 =	rddreg [dreg:$0x13];
	[sflag:s13] =	ssyncadd.s32 $0xFFFFF800  }
0x3c: {  	[hbm:s25], [sflag:s23] =	dma.local [spmem:s26], $0x800  }
0x3d: {  	_ =	swait.ge [sflag:s13], $0x800  }
0x3e: {  	[sflag:s13] =	ssyncset.done $0x0  }
0x3f: {  	s25 =	sshrl.u32 s17, $0x3;
	s26 =	rddreg [dreg:$0x4];
	[sflag:s13] =	ssyncadd.s32 $0xFFFFF800  }
0x40: {  	[hbm:s26], [sflag:s23] =	dma.local [spmem:s25], $0x780  }
0x41: {  	_ =	swait.ge [sflag:s13], $0x780  }
0x42: {  	s18 =	sadd.s32 $0x1, s18;
	s26 =	rddreg [dreg:$0xc]  }
0x43: {  	p1 =	sne.s32 s18, s26  }
.Ltmp1:
0x44: {  	_ = 	snop;
	(pc) =	sbr.rel @!p1 .LBB2_15-.Ltmp1, $3  }
0x45: {  	_ =	sdelay $0x1  }
0x46: {  	[sflag:s13] =	ssyncset.done $0x0  }
0x47: {  	[sflag:s13] =	ssyncadd.s32 $0xFFFFF880  }
.LBB2_1:
0x48: {  	s23 =	simm.s32 $0x0;
	s24 =	simm.s32 $0x200  }
.LBB2_2:
0x49: {  	p1 =	sne.s32 s24, $0xFE00;
	[tilespmem:s23+$0x13E70] =	vst v0  }
0x4a: {  	[tilespmem:s23+$0x13E00] =	vst v0  }
0x4b: {  	[tilespmem:s23+$0x13E10] =	vst v0  }
.Ltmp2:
0x4c: {  	[tilespmem:s23+$0x13E20] =	vst v0;
	(pc) =	sbr.rel @p1 .LBB2_2-.Ltmp2, $4  }
0x4d: {  	[tilespmem:s23+$0x13E30] =	vst v0  }
0x4e: {  	[tilespmem:s23+$0x13E40] =	vst v0  }
0x4f: {  	[tilespmem:s23+$0x13E50] =	vst v0  }
0x50: {  	[tilespmem:s23+$0x13E60] =	vst v0;
	s23 =	sshra.s32 s24, $0x2;
	s24 =	sadd.s32 $0x200, s24  }
0x51: {  	[tilespmem:s23+$0x13E70] =	vst v0  }
0x52: {  	[tilespmem:s23+$0x13E00] =	vst v0  }
0x53: {  	[tilespmem:s23+$0x13E10] =	vst v0  }
0x54: {  	[tilespmem:s23+$0x13E20] =	vst v0  }
0x55: {  	[tilespmem:s23+$0x13E30] =	vst v0  }
0x56: {  	[tilespmem:s23+$0x13E40] =	vst v0  }
0x57: {  	[tilespmem:s23+$0x13E50] =	vst v0  }
0x58: {  	[tilespmem:s23+$0x13E60] =	vst v0  }
0x59: {  	[spmem:s16] =	stream.linear.scatter [tilespmem:s12], [sflag:$0x5], $0x4000, $0x38;
	[tilespmem:$0x1BE00] =	vst v63  }
0x5a: {  	_ =	swait.ge [sflag:s13], $0x4000  }
0x5b: {  	[sflag:s13] =	ssyncset.done $0x0  }
0x5c: {  	[sflag:s13] =	ssyncadd.s32 $0xFFFFC000  }
0x5d: {  	[spmem:s30] =	stream.linear.scatter [tilespmem:s12], [sflag:$0x5], $0x4000, $0x38;
	[tilespmem:$0x1BE00] =	vst v63  }
0x5e: {  	_ =	swait.ge [sflag:s13], $0x4000  }
0x5f: {  	[sflag:s13] =	ssyncset.done $0x0  }
0x60: {  	[sflag:s13] =	ssyncadd.s32 $0xFFFFC000  }
0x61: {  	[spmem:s31] =	stream.linear.scatter [tilespmem:s12], [sflag:$0x5], $0x4000, $0x38;
	[tilespmem:$0x1BE00] =	vst v63  }
0x62: {  	_ =	swait.ge [sflag:s13], $0x4000  }
0x63: {  	[sflag:s13] =	ssyncset.done $0x0  }
0x64: {  	[sflag:s13] =	ssyncadd.s32 $0xFFFFC000  }
0x65: {  	[spmem:s0] =	stream.linear.scatter [tilespmem:s12], [sflag:$0x5], $0x4000, $0x38;
	[tilespmem:$0x1BE00] =	vst v63  }
0x66: {  	_ =	swait.ge [sflag:s13], $0x4000  }
0x67: {  	[sflag:s13] =	ssyncset.done $0x0  }
0x68: {  	[sflag:s13] =	ssyncadd.s32 $0xFFFFC000  }
0x69: {  	[spmem:s17] =	stream.linear.scatter [tilespmem:s12], [sflag:$0x5], $0x3C00, $0x38;
	[tilespmem:$0x1BE00] =	vst v63  }
.Ltmp3:
0x6a: {  	_ =	swait.ge [sflag:s13], $0x3C00;
	(pc) =	sbr.rel @!p0 .LBB2_4-.Ltmp3, $4  }
0x6b: {  	[sflag:s13] =	ssyncset.done $0x0  }
0x6c: {  	[sflag:s13] =	ssyncadd.s32 $0xFFFFC400  }
0x6d: {  	[bflag:$0x0] =	sbarrier.arrive $0xFFFF  }
0x6e: {  	s23 =	simm.s32 $0x0  }
0x6f: {  	[tilespmem:s19], [sflag:$0x1] =	stream.linear.gather [hbm4b:s29+s23], $0x80, $0x38;
	[tilespmem:$0x1BE00] =	vst v63  }
0x70: {  	_ =	swait.ge [sflag:s20], $0x80  }
0x71: {  	[sflag:s20] =	ssyncset.done $0x0  }
0x72: {  	s24 =	rddreg [dreg:$0xd];
	[sflag:s20] =	ssyncadd.s32 $0xFFFFFF80  }
0x73: {  	[tilespmem:s3], [sflag:$0x1] =	stream.linear.gather [hbm4b:s24+s23], $0x80, $0x38;
	[tilespmem:$0x1BE00] =	vst v63  }
0x74: {  	_ = 	snop  }
0x75: {  	[tilespmem:s12], [sflag:$0x2] =	stream.linear.gather [hbm4b:s7+s23], $0x4000, $0x38;
	[tilespmem:$0x1BE00] =	vst v63  }
0x76: {  	_ =	swait.ge [sflag:s22], $0x4000  }
0x77: {  	[sflag:s22] =	ssyncset.done $0x0  }
0x78: {  	[sflag:s22] =	ssyncadd.s32 $0xFFFFC000  }
0x79: {  	[spmem:s2] =	stream.indirect.scatter.add.f32 [tilespmem:s12], [sflag:$0x3], $0x80, s19, s28, $0xb8;
	[tilespmem:$0x1BE00] =	vst v63  }
0x7a: {  	_ =	swait.ge [sflag:s20], $0x80  }
0x7b: {  	[sflag:s20] =	ssyncset.done $0x0  }
0x7c: {  	s25 =	rddreg [dreg:$0x6];
	[sflag:s20] =	ssyncadd.s32 $0xFFFFFF80  }
0x7d: {  	[tilespmem:s5], [sflag:$0x2] =	stream.linear.gather [hbm4b:s25+s23], $0x4000, $0x38;
	[tilespmem:$0x1BE00] =	vst v63  }
0x7e: {  	s26 =	rddreg [dreg:$0xe]  }
0x7f: {  	[tilespmem:s19], [sflag:$0x1] =	stream.linear.gather [hbm4b:s26+s23], $0x80, $0x38;
	[tilespmem:$0x1BE00] =	vst v63  }
0x80: {  	_ =	swait.ge [sflag:s22], $0x4000  }
0x81: {  	[sflag:s22] =	ssyncset.done $0x0  }
0x82: {  	[sflag:s22] =	ssyncadd.s32 $0xFFFFC000  }
0x83: {  	[spmem:s2] =	stream.indirect.scatter.add.f32 [tilespmem:s5], [sflag:$0x4], $0x80, s3, s28, $0xb8;
	[tilespmem:$0x1BE00] =	vst v63  }
0x84: {  	_ =	swait.ge [sflag:s20], $0x80  }
0x85: {  	[sflag:s20] =	ssyncset.done $0x0  }
0x86: {  	s24 =	sadd.s32 $0xFFFFFFF0, s8;
	[sflag:s20] =	ssyncadd.s32 $0xFFFFFF80  }
0x87: {  	[tilespmem:s3], [sflag:$0x1] =	stream.linear.gather [hbm4b:s24+s4], $0x80, $0x38;
	[tilespmem:$0x1BE00] =	vst v63  }
0x88: {  	_ =	swait.ge [sflag:s6], $0x4000  }
0x89: {  	s25 =	sadd.s32 $0x0, s7;
	[sflag:s6] =	ssyncset.done $0x0  }
0x8a: {  	s26 =	sadd.s32 $0x1000, s25;
	[sflag:s6] =	ssyncadd.s32 $0xFFFFC000  }
0x8b: {  	[tilespmem:s12], [sflag:$0x2] =	stream.linear.gather [hbm4b:s26+s4], $0x4000, $0x38;
	[tilespmem:$0x1BE00] =	vst v63  }
0x8c: {  	_ =	swait.ge [sflag:s22], $0x4000  }
0x8d: {  	[sflag:s22] =	ssyncset.done $0x0  }
0x8e: {  	[sflag:s22] =	ssyncadd.s32 $0xFFFFC000  }
0x8f: {  	[spmem:s2] =	stream.indirect.scatter.add.f32 [tilespmem:s12], [sflag:$0x3], $0x80, s19, s28, $0xb8;
	[tilespmem:$0x1BE00] =	vst v63  }
0x90: {  	_ =	swait.ge [sflag:s20], $0x80  }
0x91: {  	[sflag:s20] =	ssyncset.done $0x0  }
0x92: {  	[sflag:s20] =	ssyncadd.s32 $0xFFFFFF80  }
0x93: {  	_ =	swait.ge [sflag:s9], $0x4000  }
0x94: {  	[sflag:s9] =	ssyncset.done $0x0  }
0x95: {  	s23 =	sadd.s32 $0x1800, s25;
	[sflag:s9] =	ssyncadd.s32 $0xFFFFC000  }
0x96: {  	[tilespmem:s5], [sflag:$0x2] =	stream.linear.gather [hbm4b:s23+s4], $0x4000, $0x38;
	[tilespmem:$0x1BE00] =	vst v63  }
0x97: {  	_ = 	snop  }
0x98: {  	[tilespmem:s19], [sflag:$0x1] =	stream.linear.gather [hbm4b:s8+s4], $0x80, $0x38;
	[tilespmem:$0x1BE00] =	vst v63  }
0x99: {  	_ =	swait.ge [sflag:s22], $0x4000  }
0x9a: {  	[sflag:s22] =	ssyncset.done $0x0  }
0x9b: {  	s24 =	sadd.s32 $0x20, s8;
	s23 =	simm.s32 $0x1000;
	[sflag:s22] =	ssyncadd.s32 $0xFFFFC000  }
.LBB2_12:
0x9c: {  	[spmem:s2] =	stream.indirect.scatter.add.f32 [tilespmem:s5], [sflag:$0x4], $0x80, s3, s28, $0xb8;
	[tilespmem:$0x1BE00] =	vst v63  }
0x9d: {  	s25 =	smov.u32 s23  }
0x9e: {  	p1 =	sne.s32 s23, $0x4D000;
	s23 =	sadd.s32 $0x1000, s23;
	_ =	swait.ge [sflag:s20], $0x80  }
0x9f: {  	[sflag:s20] =	ssyncset.done $0x0  }
0xa0: {  	s26 =	sadd.s32 $0xFFFFFFF0, s24;
	[sflag:s20] =	ssyncadd.s32 $0xFFFFFF80  }
0xa1: {  	[tilespmem:s3], [sflag:$0x1] =	stream.linear.gather [hbm4b:s26+s4], $0x80, $0x38;
	[tilespmem:$0x1BE00] =	vst v63  }
0xa2: {  	_ =	swait.ge [sflag:s6], $0x4000  }
0xa3: {  	s25 =	sadd.s32 s25, s7;
	[sflag:s6] =	ssyncset.done $0x0  }
0xa4: {  	s26 =	sadd.s32 $0x1000, s25;
	[sflag:s6] =	ssyncadd.s32 $0xFFFFC000  }
0xa5: {  	[tilespmem:s12], [sflag:$0x2] =	stream.linear.gather [hbm4b:s26+s4], $0x4000, $0x38;
	[tilespmem:$0x1BE00] =	vst v63  }
0xa6: {  	_ =	swait.ge [sflag:s22], $0x4000  }
0xa7: {  	[sflag:s22] =	ssyncset.done $0x0  }
0xa8: {  	[sflag:s22] =	ssyncadd.s32 $0xFFFFC000  }
0xa9: {  	[spmem:s2] =	stream.indirect.scatter.add.f32 [tilespmem:s12], [sflag:$0x3], $0x80, s19, s28, $0xb8;
	[tilespmem:$0x1BE00] =	vst v63  }
0xaa: {  	_ =	swait.ge [sflag:s20], $0x80  }
0xab: {  	[sflag:s20] =	ssyncset.done $0x0  }
0xac: {  	[sflag:s20] =	ssyncadd.s32 $0xFFFFFF80  }
0xad: {  	_ =	swait.ge [sflag:s9], $0x4000  }
0xae: {  	[sflag:s9] =	ssyncset.done $0x0  }
0xaf: {  	s25 =	sadd.s32 $0x1800, s25;
	[sflag:s9] =	ssyncadd.s32 $0xFFFFC000  }
0xb0: {  	[tilespmem:s5], [sflag:$0x2] =	stream.linear.gather [hbm4b:s25+s4], $0x4000, $0x38;
	[tilespmem:$0x1BE00] =	vst v63  }
.Ltmp4:
0xb1: {  	(pc) =	sbr.rel @p1 .LBB2_12-.Ltmp4, $4  }
0xb2: {  	[tilespmem:s19], [sflag:$0x1] =	stream.linear.gather [hbm4b:s24+s4], $0x80, $0x38;
	[tilespmem:$0x1BE00] =	vst v63  }
0xb3: {  	_ =	swait.ge [sflag:s22], $0x4000  }
0xb4: {  	[sflag:s22] =	ssyncset.done $0x0  }
0xb5: {  	s24 =	sadd.s32 $0x20, s24;
	[sflag:s22] =	ssyncadd.s32 $0xFFFFC000  }
0xb6: {  	[spmem:s2] =	stream.indirect.scatter.add.f32 [tilespmem:s5], [sflag:$0x4], $0x80, s3, s28, $0xb8;
	[tilespmem:$0x1BE00] =	vst v63  }
0xb7: {  	_ =	swait.ge [sflag:s20], $0x80  }
0xb8: {  	[sflag:s20] =	ssyncset.done $0x0  }
0xb9: {  	s23 =	rddreg [dreg:$0xf];
	[sflag:s20] =	ssyncadd.s32 $0xFFFFFF80  }
0xba: {  	[tilespmem:s3], [sflag:$0x1] =	stream.linear.gather [hbm4b:s23+s4], $0x80, $0x38;
	[tilespmem:$0x1BE00] =	vst v63  }
0xbb: {  	_ =	swait.ge [sflag:s6], $0x4000  }
0xbc: {  	[sflag:s6] =	ssyncset.done $0x0  }
0xbd: {  	s25 =	rddreg [dreg:$0xa];
	[sflag:s6] =	ssyncadd.s32 $0xFFFFC000  }
0xbe: {  	[tilespmem:s12], [sflag:$0x2] =	stream.linear.gather [hbm4b:s25+s4], $0x4000, $0x38;
	[tilespmem:$0x1BE00] =	vst v63  }
0xbf: {  	_ =	swait.ge [sflag:s22], $0x4000  }
0xc0: {  	[sflag:s22] =	ssyncset.done $0x0  }
0xc1: {  	[sflag:s22] =	ssyncadd.s32 $0xFFFFC000  }
0xc2: {  	[spmem:s2] =	stream.indirect.scatter.add.f32 [tilespmem:s12], [sflag:$0x3], $0x80, s19, s28, $0xb8;
	[tilespmem:$0x1BE00] =	vst v63  }
0xc3: {  	_ =	swait.ge [sflag:s20], $0x80  }
0xc4: {  	[sflag:s20] =	ssyncset.done $0x0  }
0xc5: {  	[sflag:s20] =	ssyncadd.s32 $0xFFFFFF80  }
0xc6: {  	_ =	swait.ge [sflag:s9], $0x4000  }
0xc7: {  	[sflag:s9] =	ssyncset.done $0x0  }
0xc8: {  	s26 =	rddreg [dreg:$0xb];
	[sflag:s9] =	ssyncadd.s32 $0xFFFFC000  }
0xc9: {  	[tilespmem:s5], [sflag:$0x2] =	stream.linear.gather [hbm4b:s26+s4], $0x4000, $0x38;
	[tilespmem:$0x1BE00] =	vst v63  }
.Ltmp5:
0xca: {  	_ = 	snop;
	(pc) =	sbr.rel .LBB2_14-.Ltmp5, $4  }
0xcb: {  	_ =	swait.ge [sflag:s22], $0x4000  }
0xcc: {  	[sflag:s22] =	ssyncset.done $0x0  }
0xcd: {  	[sflag:s22] =	ssyncadd.s32 $0xFFFFC000  }
0xce: {  	[spmem:s2] =	stream.indirect.scatter.add.f32 [tilespmem:s5], [sflag:$0x4], $0x80, s3, s28, $0xb8;
	[tilespmem:$0x1BE00] =	vst v63  }
.LBB2_4:
.Ltmp6:
0xcf: {  	(pc) =	sbr.rel .LBB2_5-.Ltmp6, $4  }
0xd0: {  	s24 =	rddreg [dreg:$0x14]  }
0xd1: {  	[tilespmem:s10], [sflag:$0x1] =	stream.linear.gather [hbm4b:s24+s23], $0x80, $0x38;
	[tilespmem:$0x1BE00] =	vst v63  }
0xd2: {  	_ = 	snop  }
0xd3: {  	[tilespmem:s19], [sflag:$0x1] =	stream.linear.gather [hbm4b:s29+s23], $0x80, $0x38;
	[tilespmem:$0x1BE00] =	vst v63  }
.LBB2_6:
0xd4: {  	[tilespmem:s5], [sflag:$0x2] =	stream.indirect.gather [hbm4b:s1+s28], $0x80, s11, s28, $0xb8;
	[tilespmem:$0x1BE00] =	vst v63  }
0xd5: {  	s25 =	simm.s32 $0x1  }
.LBB2_9:
0xd6: {  	s23 =	sadd.s32 $0x20, s24  }
0xd7: {  	s24 =	sadd.s32 s14, s23  }
0xd8: {  	[tilespmem:s10], [sflag:$0x1] =	stream.linear.gather [hbm4b:s24+s4], $0x80, $0x38;
	[tilespmem:$0x1BE00] =	vst v63  }
0xd9: {  	s23 =	sadd.s32 s15, s23  }
0xda: {  	[tilespmem:s19], [sflag:$0x1] =	stream.linear.gather [hbm4b:s23+s4], $0x80, $0x38;
	[tilespmem:$0x1BE00] =	vst v63  }
.LBB2_10:
0xdb: {  	p1 =	slt.u32 s25, $0x50  }
.Ltmp7:
0xdc: {  	_ = 	snop;
	(pc) =	sbr.rel @!p1 .LBB2_14-.Ltmp7, $4  }
0xdd: {  	_ =	swait.ge [sflag:s22], $0x4000  }
0xde: {  	[sflag:s22] =	ssyncset.done $0x0  }
0xdf: {  	s23 =	smov.u32 s25;
	[sflag:s22] =	ssyncadd.s32 $0xFFFFC000  }
0xe0: {  	[spmem:s2] =	stream.indirect.scatter.add.f32 [tilespmem:s5], [sflag:$0x4], $0x80, s3, s28, $0xb8;
	[tilespmem:$0x1BE00] =	vst v63  }
.LBB2_5:
0xe1: {  	_ =	swait.ge [sflag:s20], $0x80  }
0xe2: {  	[sflag:s20] =	ssyncset.done $0x0  }
0xe3: {  	s24 =	sshll.u32 s23, $0x5;
	[sflag:s20] =	ssyncadd.s32 $0xFFFFFF80  }
0xe4: {  	s24 =	sadd.s32 s21, s24;
	_ =	swait.ge [sflag:s20], $0x80  }
0xe5: {  	s25 =	sor.u32 $0x10, s24;
	[sflag:s20] =	ssyncset.done $0x0  }
0xe6: {  	s26 =	sadd.s32 s14, s25;
	[sflag:s20] =	ssyncadd.s32 $0xFFFFFF80  }
0xe7: {  	[tilespmem:s11], [sflag:$0x1] =	stream.linear.gather [hbm4b:s26+s4], $0x80, $0x38;
	[tilespmem:$0x1BE00] =	vst v63  }
0xe8: {  	p1 =	seq.s32 s23, $0x0;
	s25 =	sadd.s32 s15, s25  }
0xe9: {  	[tilespmem:s3], [sflag:$0x1] =	stream.linear.gather [hbm4b:s25+s4], $0x80, $0x38;
	[tilespmem:$0x1BE00] =	vst v63  }
0xea: {  	s25 =	simm.s32 @!p1 $0x3  }
0xeb: {  	_ =	swait.ge @!p1 [sflag:s25], $0x4000  }
0xec: {  	[sflag:s25] =	ssyncset.done @!p1 $0x0  }
0xed: {  	[sflag:s25] =	ssyncadd.s32 @!p1 $0xFFFFC000  }
0xee: {  	[tilespmem:s12], [sflag:$0x2] =	stream.indirect.gather [hbm4b:s1+s28], $0x80, s10, s28, $0xb8;
	[tilespmem:$0x1BE00] =	vst v63  }
0xef: {  	_ =	swait.ge [sflag:s22], $0x4000  }
0xf0: {  	[sflag:s22] =	ssyncset.done $0x0  }
0xf1: {  	[sflag:s22] =	ssyncadd.s32 $0xFFFFC000  }
0xf2: {  	[spmem:s2] =	stream.indirect.scatter.add.f32 [tilespmem:s12], [sflag:$0x3], $0x80, s19, s28, $0xb8;
	[tilespmem:$0x1BE00] =	vst v63  }
0xf3: {  	p1 =	sne.s32 s23, $0x0;
	_ =	swait.ge [sflag:s20], $0x80  }
.Ltmp8:
0xf4: {  	[sflag:s20] =	ssyncset.done $0x0;
	(pc) =	sbr.rel @!p1 .LBB2_6-.Ltmp8, $4  }
0xf5: {  	[sflag:s20] =	ssyncadd.s32 $0xFFFFFF80  }
0xf6: {  	_ =	swait.ge [sflag:s20], $0x80  }
0xf7: {  	[sflag:s20] =	ssyncset.done $0x0  }
0xf8: {  	[sflag:s20] =	ssyncadd.s32 $0xFFFFFF80  }
0xf9: {  	p1 =	seq.s32 s23, $0x4F  }
.Ltmp9:
0xfa: {  	_ = 	snop;
	(pc) =	sbr.rel @p1 .LBB2_10-.Ltmp9, $4  }
0xfb: {  	_ =	swait.ge [sflag:s9], $0x4000  }
0xfc: {  	[sflag:s9] =	ssyncset.done $0x0  }
0xfd: {  	s25 =	simm.s32 $0x50;
	[sflag:s9] =	ssyncadd.s32 $0xFFFFC000  }
0xfe: {  	[tilespmem:s5], [sflag:$0x2] =	stream.indirect.gather [hbm4b:s1+s28], $0x80, s11, s28, $0xb8;
	[tilespmem:$0x1BE00] =	vst v63  }
.Ltmp10:
0xff: {  	(pc) =	sbr.rel .LBB2_9-.Ltmp10, $2  }
0x100: {  	_ =	sdelay $0x2  }
0x101: {  	s25 =	sadd.s32 $0x1, s23  }
.LBB2_15:
0x102: {  	_ =	sfence.sel $0x180000  }
0x103: {  	[bflag:$0x0] =	sbarrier.arrive $0xFFFF  }
0x104: {  	_ =	strace $0x9000004A  }
0x105: {  	s0 =	stileid.u32;
	[bflag:$0x2] =	sbarrier.arrive $0xFFFF  }
0x106: {  	p0 =	sne.s32 s0, $0x0;
	s0 =	rddreg [dreg:$0x3]  }
0x107: {  	s0 =	sadd.s32 @!p0 $0x100000, s0  }
0x108: {  	[sflag:s0] =	ssyncadd.tile.s32 @!p0 $0x1;
	_ =	shalt  }
.Lfunc_end2:
_tile_overlayer_lowered:
.L_overlay_start_2:
0x109: {  	(tag) =	ssettag $0x2  }
0x10a: {  	s0 =	rddreg [dreg:$0x0];
	s2 =	stileid.u32  }
0x10b: {  	s1 =	rddreg [dreg:$0x1];
	p0 =	sne.s32 s2, $0x0  }
0x10c: {  	s3 =	rddreg [dreg:$0x2];
	[bflag:$0x3] =	sbarrier.arrive $0xFFFF;
	s2 =	simm.s32 @!p0 $0x1C05  }
0x10d: {  	[timem:s3], [sflag:s2] =	dma.local @!p0 [hbm:s0], s1  }
0x10e: {  	s0 =	simm.s32 @!p0 $0x5  }
0x10f: {  	_ =	swait.ge @!p0 [sflag:s0], s1  }
0x110: {  	s1 =	ssub.s32 @!p0 $0x0, s1;
	[sflag:s0] =	ssyncset.done @!p0 $0x0  }
0x111: {  	[sflag:s0] =	ssyncadd.s32 @!p0 s1  }
0x112: {  	[bflag:$0x3] =	sbarrier.arrive $0xFFFF  }
0x113: {  	_ =	shalt  }

// kernel: kernel.9.cloned.1.call-start
scs
__scs_entry_jumppad:
0x0: {  	(pc) =	sbr.rel $0x88, $3  }
0x1: {  	(tag) =	ssettag $0x0;
	lr =	simm.s32 $0x1  }
0x2: {  	[smem:$0x3F8C] =	sst lr;
	_ =	strace $0xD0000000  }
0x3: {  	_ = 	snop  }
0x4: {  	_ = 	snop  }
0x5: {  	_ = 	snop  }
0x6: {  	_ = 	snop  }
0x7: {  	_ = 	snop  }
__scs_overlays_trampoline_lowered:
0x8: {  	[smem:$0x3F9B] =	sst s0  }
0x9: {  	[smem:$0x3F9C] =	sst s1  }
0xa: {  	[smem:$0x3F9D] =	sst s2  }
0xb: {  	[smem:$0x3F9E] =	sst s3  }
0xc: {  	[smem:$0x3F9F] =	sst s4  }
0xd: {  	[smem:$0x3FA0] =	sst s5  }
0xe: {  	[smem:$0x3FA1] =	sst s6  }
0xf: {  	[smem:$0x3FA2] =	sst s7  }
0x10: {  	[smem:$0x3FA3] =	sst s8  }
0x11: {  	[smem:$0x3FA4] =	sst s9;
	s0 =	simm.s32 @!p0 $0x0  }
0x12: {  	s1 =	sld [smem:$0x3F8A];
	s0 =	simm.s32 @p0 $0x1  }
0x13: {  	[smem:$0x3FA5] =	sst s0;
	s0 =	simm.s32 @!p1 $0x0  }
0x14: {  	s2 =	sld [smem:$0x3F89];
	s0 =	simm.s32 @p1 $0x1  }
0x15: {  	[smem:$0x3FA6] =	sst s0;
	s0 =	simm.s32 @!p2 $0x0  }
0x16: {  	s3 =	sld [smem:$0x3FDB];
	s0 =	simm.s32 @p2 $0x1  }
0x17: {  	s4 =	simm.s32 $0x1BF5;
	[smem:$0x3FA8] =	sst s0  }
0x18: {  	s0 =	sld [smem:$0x3F8B];
	_ =	swait.ge [sflag:s4], $0x0  }
0x19: {  	s7 =	sld [smem:$0x3F8C]  }
0x1a: {  	s8 =	sadd.s32 $0xFFFFE003, lr  }
0x1b: {  	s9 =	sadd.s32 $0xFFFFFEF7, lr;
	s5 =	simm.s32 $0xFFFFFFFF;
	p2 =	slt.u32 s8, $0xFFFFF086  }
0x1c: {  	p1 =	slt.u32 s9, $0xF7A;
	s5 =	simm.s32 @!p2 $0x0  }
0x1d: {  	s5 =	simm.s32 @p1 $0x1;
	p0 =	seq.s32 s7, s2  }
0x1e: {  	s7 =	smul.u32 @!p0 $0xF7A, s2;
	p2 =	seq.s32 @!p0 s5, $0x0  }
0x1f: {  	s9 =	smul.u32 $0xF7A, s1;
	s8 =	simm.s32 @!p0 $0x1BF5;
	p2 =	por !p2, p0  }
0x20: {  	[sflag:s8] =	ssyncset.s32 @!p0 $0xFFFFF086;
	s6 =	sadd.s32 @!p0 s3, s7;
	s7 =	simm.s32 @!p0 $0x108  }
0x21: {  	s3 =	sadd.s32 s3, s9;
	s6 =	sadd.s32 @!p0 $0x88, s6;
	s7 =	simm.s32 @p2 $0x1082  }
0x22: {  	[simem:s7], [sflag:s8] =	dma.local @!p0 [hbm:s6], $0xF7A  }
0x23: {  	s9 =	sor.u32 $0xD0000000, s2;
	s6 =	simm.s32 $0x108;
	_ =	swait.ge @!p0 [sflag:s8], $0x0  }
0x24: {  	s3 =	sadd.s32 $0x88, s3;
	s6 =	simm.s32 @!p1 $0x1082;
	[sflag:s4] =	ssyncset.s32 $0xFFFFF086  }
0x25: {  	[simem:s6], [sflag:s4] =	dma.local [hbm:s3], $0xF7A  }
0x26: {  	[smem:$0x3F8C] =	sst s1;
	(tag) =	ssettag s2;
	_ =	strace s9  }
0x27: {  	s1 =	sld [smem:$0x3F9C]  }
0x28: {  	s2 =	sld [smem:$0x3F9D]  }
0x29: {  	s4 =	sld [smem:$0x3F9F]  }
0x2a: {  	p0 =	seq.s32 s5, $0x0;
	s5 =	sld [smem:$0x3FA0]  }
0x2b: {  	s6 =	sld [smem:$0x3FA1]  }
0x2c: {  	s7 =	sld [smem:$0x3FA2]  }
0x2d: {  	s3 =	simm.s32 $0x108;
	s8 =	sld [smem:$0x3FA3]  }
0x2e: {  	s3 =	simm.s32 @!p0 $0x1082;
	s9 =	sld [smem:$0x3FA4]  }
0x2f: {  	lr =	sadd.s32 s0, s3;
	s0 =	sld [smem:$0x3F9B]  }
0x30: {  	s3 =	sld [smem:$0x3F9E]  }
0x31: {  	[smem:$0x3FA7] =	sst s10  }
0x32: {  	s10 =	sld [smem:$0x3FA5];
	_ =	sdelay $0x3  }
0x33: {  	p0 =	seq.s32 s10, $0x1;
	s10 =	sld [smem:$0x3FA7];
	_ =	sdelay $0x3  }
0x34: {  	[smem:$0x3FA7] =	sst s10  }
0x35: {  	s10 =	sld [smem:$0x3FA6];
	_ =	sdelay $0x3  }
0x36: {  	p1 =	seq.s32 s10, $0x1;
	s10 =	sld [smem:$0x3FA7];
	_ =	sdelay $0x3  }
0x37: {  	[smem:$0x3FA7] =	sst s10  }
0x38: {  	s10 =	sld [smem:$0x3FA8]  }
0x39: {  	_ = 	snop;
	(pc) =	sbr.ind lr, $3  }
0x3a: {  	_ = 	snop  }
0x3b: {  	_ = 	snop  }
0x3c: {  	p2 =	seq.s32 s10, $0x1;
	s10 =	sld [smem:$0x3FA7]  }
0x3d: {  	_ =	shalt  }
0x3e: {  	_ =	shalt  }
0x3f: {  	_ =	shalt  }
0x40: {  	_ =	shalt  }
0x41: {  	_ =	shalt  }
0x42: {  	_ =	shalt  }
0x43: {  	_ =	shalt  }
0x44: {  	_ =	shalt  }
0x45: {  	_ =	shalt  }
0x46: {  	_ =	shalt  }
0x47: {  	_ =	shalt  }
0x48: {  	_ =	shalt  }
0x49: {  	_ =	shalt  }
0x4a: {  	_ =	shalt  }
0x4b: {  	_ =	shalt  }
0x4c: {  	_ =	shalt  }
0x4d: {  	_ =	shalt  }
0x4e: {  	_ =	shalt  }
0x4f: {  	_ =	shalt  }
0x50: {  	_ =	shalt  }
0x51: {  	_ =	shalt  }
0x52: {  	_ =	shalt  }
0x53: {  	_ =	shalt  }
0x54: {  	_ =	shalt  }
0x55: {  	_ =	shalt  }
0x56: {  	_ =	shalt  }
0x57: {  	_ =	shalt  }
0x58: {  	_ =	shalt  }
0x59: {  	_ =	shalt  }
0x5a: {  	_ =	shalt  }
0x5b: {  	_ =	shalt  }
0x5c: {  	_ =	shalt  }
0x5d: {  	_ =	shalt  }
0x5e: {  	_ =	shalt  }
0x5f: {  	_ =	shalt  }
0x60: {  	_ =	shalt  }
0x61: {  	_ =	shalt  }
0x62: {  	_ =	shalt  }
0x63: {  	_ =	shalt  }
0x64: {  	_ =	shalt  }
0x65: {  	_ =	shalt  }
0x66: {  	_ =	shalt  }
0x67: {  	_ =	shalt  }
0x68: {  	_ =	shalt  }
0x69: {  	_ =	shalt  }
0x6a: {  	_ =	shalt  }
0x6b: {  	_ =	shalt  }
0x6c: {  	_ =	shalt  }
0x6d: {  	_ =	shalt  }
0x6e: {  	_ =	shalt  }
0x6f: {  	_ =	shalt  }
0x70: {  	_ =	shalt  }
0x71: {  	_ =	shalt  }
0x72: {  	_ =	shalt  }
0x73: {  	_ =	shalt  }
0x74: {  	_ =	shalt  }
0x75: {  	_ =	shalt  }
0x76: {  	_ =	shalt  }
0x77: {  	_ =	shalt  }
0x78: {  	_ =	shalt  }
0x79: {  	_ =	shalt  }
0x7a: {  	_ =	shalt  }
0x7b: {  	_ =	shalt  }
0x7c: {  	_ =	shalt  }
0x7d: {  	_ =	shalt  }
0x7e: {  	_ =	shalt  }
0x7f: {  	_ =	shalt  }
0x80: {  	_ =	shalt  }
0x81: {  	_ =	shalt  }
0x82: {  	_ =	shalt  }
0x83: {  	_ =	shalt  }
0x84: {  	_ =	shalt  }
0x85: {  	_ =	shalt  }
0x86: {  	_ =	shalt  }
0x87: {  	_ =	shalt  }
.Lfunc_end0:
.L_simem_size_0:
called_computation_lowered:
.L_overlay_start_0:
0x88: {  	s2 =	sld [smem:$0x3FD9]  }
0x89: {  	s3 =	sld [smem:$0x3FFE];
	_ =	sdelay $0x1  }
0x8a: {  	s1 =	srdreg.scid  }
0x8b: {  	s0 =	sand.u32 $0x1, s1  }
0x8c: {  	s17 =	sshll.u32 s0, $0xA;
	s2 =	sadd.s32 s3, s2  }
0x8d: {  	s2 =	sadd.s32 s2, s17  }
0x8e: {  	[smem:$0x3FB3] =	sst s2  }
0x8f: {  	_ = 	snop  }
0x90: {  	s2 =	sld [smem:$0x3FD0];
	(tm) =	ssettm $0x1  }
0x91: {  	s18 =	sld [smem:$0x3FFB];
	_ =	sdelay $0x3  }
0x92: {  	_ =	strace s18  }
0x93: {  	s3 =	sld [smem:$0x3FFC];
	_ =	sdelay $0x3  }
0x94: {  	_ =	strace s3  }
0x95: {  	s3 =	sld [smem:$0x3FFD];
	_ =	sdelay $0x3  }
0x96: {  	_ =	strace s3  }
0x97: {  	_ =	strace $0x8FFFFFFF  }
0x98: {  	s19 =	sld [smem:$0x3FDB];
	_ =	sdelay $0x1  }
0x99: {  	s4 =	simm.s32 $_scs_section_size  }
0x9a: {  	s5 =	simm.s32 $_size__tile_overlayer_lowered;
	s6 =	simm.s32 $_tile_overlayer_lowered  }
0x9b: {  	s22 =	simm.s32 $0x1BFF;
	s21 =	sshll.u32 s6, $0x1;
	s3 =	sadd.s32 s4, s19  }
0x9c: {  	s7 =	simm.s32 $0x0;
	s20 =	sshll.u32 s5, $0x1;
	s5 =	sadd.s32 s21, s3  }
0x9d: {  	[timem:s7], [sflag:s22] =	dma.local [hbm:s5], s20  }
0x9e: {  	_ =	swait.ge [sflag:s22], s20  }
0x9f: {  	s4 =	ssub.s32 $0x0, s20;
	[sflag:s22] =	ssyncset.done $0x0  }
0xa0: {  	[sflag:s22] =	ssyncadd.s32 s4;
	_ =	sdelay $0x1  }
0xa1: {  	s23 =	simm.s32 $0x1B8B  }
0xa2: {  	_ =	swait.ge [sflag:s23], $0x1  }
0xa3: {  	[sflag:s23] =	ssyncset.done $0x0  }
0xa4: {  	s25 =	simm.s32 $0x1B8E;
	s24 =	sld [smem:$0x3FFE];
	[sflag:s23] =	ssyncadd.s32 $0xFFFFFFFF  }
0xa5: {  	s26 =	simm.s32 $execute0_lowered;
	[smem:$0x3FD2] =	sst s25  }
0xa6: {  	s5 =	sshll.u32 s26, $0x1;
	_ =	strace $0x80000046;
	[dreg:$0x1] =	wrdreg $0xFFFFFFFF  }
0xa7: {  	s28 =	simm.s32 $_size_execute0_lowered;
	s3 =	sadd.s32 s3, s5;
	[dreg:$0x0] =	wrdreg $0x0  }
0xa8: {  	s5 =	sshll.u32 s28, $0x1;
	[dreg:$0x2] =	wrdreg s3  }
0xa9: {  	[dreg:$0x3] =	wrdreg s5  }
0xaa: {  	[dreg:$0x4] =	wrdreg $0xC0  }
0xab: {  	_ =	task [dreg:s7], $0x5FFFF  }
0xac: {  	[dreg:$0x1] =	wrdreg $0xFFFFFFFF  }
0xad: {  	[dreg:$0x0] =	wrdreg $0x60  }
0xae: {  	[dreg:$0x2] =	wrdreg s2  }
0xaf: {  	[dreg:$0x3] =	wrdreg s24  }
0xb0: {  	[dreg:$0x4] =	wrdreg $0x0  }
0xb1: {  	[dreg:$0x5] =	wrdreg $0x9  }
0xb2: {  	_ =	task.clear_ibuf [dreg:s7], $0x6FFFF;
	_ =	strace $0x90000046  }
0xb3: {  	s29 =	simm.s32 $0x9;
	_ =	strace $0x80000048  }
0xb4: {  	_ =	swait.ge [sflag:s29], $0x1  }
0xb5: {  	[sflag:s29] =	ssyncadd.s32 $0xFFFFFFFF  }
0xb6: {  	_ =	strace $0x90000048  }
0xb7: {  	_ =	sfence  }
0xb8: {  	s30 =	sld [smem:$0x0];
	_ =	sdelay $0x2  }
0xb9: {  	s31 =	sshll.u32 s1, $0xD;
	s1 =	sshrl.u32 s1, $0x2  }
0xba: {  	s3 =	sand.u32 $0x4000, s31;
	s1 =	sadd.s32 s1, s30  }
0xbb: {  	s0 =	sor.u32 s3, s0;
	s1 =	sshll.u32 s1, $0x11  }
0xbc: {  	s0 =	sor.u32 s1, s0  }
0xbd: {  	s0 =	sadd.s32 $0x8F2B, s0  }
0xbe: {  	[sflag:s0] =	ssyncadd.remote.s32 $0x1  }
0xbf: {  	_ =	sfence.sel $0xFFFF  }
0xc0: {  	[dreg:$0x0] =	wrdreg $0xFFFFFFFF;
	(pc) =	sbr.abs _section_cstart, $3  }
0xc1: {  	[dreg:$0x1] =	wrdreg $0xFFFFFFFF  }
0xc2: {  	_ =	task.clear_ibuf [dreg:s7], $0x2FFFF;
	_ =	strace $0x9FFFFFFF  }
0xc3: {  	(tm) =	ssettm $0x7FFFFFFF  }
tec
execute0_lowered:
.L_overlay_start_1:
0x0: {  	(tag) =	ssettag $0x1  }
0x1: {  	s1 =	rddreg [dreg:$0x0]  }
0x2: {  	s0 =	rddreg [dreg:$0x1];
	s22 =	stileid.u32  }
0x3: {  	s2 =	rddreg [dreg:$0x2];
	s6 =	smul.u32 $0x4F000, s22  }
0x4: {  	s4 =	simm.s32 $0x0;
	s3 =	srdreg.scid;
	s9 =	smul.u32 $0x13C00, s22  }
0x5: {  	s28 =	simm.s32 $0x80;
	[smem:$0x7FF] =	sst s4;
	s13 =	smul.u32 $0xA0, s22  }
0x6: {  	s3 =	sand.u32 $0x1, s3;
	s8 =	sadd.s32 $0x9FB200, s0;
	s17 =	smul.u32 $0x5000, s22  }
0x7: {  	s10 =	sadd.s32 $0x18E00, s0;
	s14 =	smul.u32 $0x50000, s22;
	_ =	strace $0x80000047  }
0x8: {  	s5 =	ssub.s32 $0x2, s3;
	s11 =	smul.u32 $0x13C000, s3;
	p0 =	seq.s32 s3, $0x1  }
0x9: {  	s7 =	sshrl.u32 s5, $0x1;
	s12 =	sadd.s32 $0x10000, s9;
	s13 =	sadd.s32 $0x9E, s13  }
0xa: {  	s6 =	sshrl.u32 s6, $0x2;
	s5 =	ssub.s32 s5, s7;
	s18 =	sadd.s32 s11, s12  }
0xb: {  	s19 =	sadd.s32 s11, s9;
	s24 =	sshll.u32 s13, $0x7;
	s13 =	sshll.u32 s13, $0xB  }
0xc: {  	s16 =	sadd.s32 s6, s2;
	s6 =	simm.s32 $0x3;
	s3 =	sshrl.u32 s18, $0x3  }
0xd: {  	s7 =	sshrl.u32 s19, $0x3;
	s18 =	sor.u32 $0x80, s17;
	s19 =	sadd.s32 $0x8000, s9  }
0xe: {  	s25 =	sadd.s32 s8, s13;
	s5 =	smax.u32 s5, $0x1;
	s13 =	sadd.s32 s9, s2  }
0xf: {  	s30 =	sadd.s32 $0x4000, s16;
	s31 =	sadd.s32 $0x8000, s16;
	[dreg:$0xa] =	wrdreg s25  }
0x10: {  	s3 =	sadd.s32 s10, s3;
	s20 =	sadd.s32 s10, s7;
	[dreg:$0xc] =	wrdreg s5  }
0x11: {  	s7 =	sadd.s32 s8, s14;
	s15 =	sshll.u32 s18, $0x4;
	[dreg:$0x4] =	wrdreg s3  }
0x12: {  	s23 =	sadd.s32 s11, s19;
	s5 =	simm.s32 $0x17E00;
	[dreg:$0x5] =	wrdreg s20  }
0x13: {  	s3 =	sadd.s32 $0x4000, s9;
	s15 =	sadd.s32 s8, s15;
	s20 =	sadd.s32 $0xC000, s9  }
0x14: {  	s9 =	simm.s32 $0x4;
	s21 =	sadd.s32 s11, s3;
	[dreg:$0x6] =	wrdreg s15  }
0x15: {  	s11 =	sadd.s32 s11, s20;
	s15 =	sadd.s32 $0xEE00, s0;
	s14 =	sshrl.u32 s21, $0x3  }
0x16: {  	s3 =	sadd.s32 s3, s2;
	s21 =	sor.u32 $0x80, s24;
	s14 =	sadd.s32 s10, s14  }
0x17: {  	s11 =	sshrl.u32 s11, $0x3;
	s26 =	sshll.u32 s21, $0x4;
	[dreg:$0x7] =	wrdreg s14  }
0x18: {  	s14 =	sshrl.u32 s23, $0x3;
	s8 =	sadd.s32 s8, s26;
	s23 =	sshrl.u32 s3, $0x3  }
0x19: {  	s3 =	simm.s32 $0x13D80;
	s14 =	sadd.s32 s10, s14;
	s10 =	sadd.s32 s10, s11  }
0x1a: {  	[dreg:$0xb] =	wrdreg s8;
	s11 =	sshrl.u32 s18, $0x3;
	s18 =	sadd.s32 s19, s2  }
0x1b: {  	s19 =	sadd.s32 s20, s2;
	s20 =	sshrl.u32 s21, $0x3;
	[dreg:$0x11] =	wrdreg s23  }
0x1c: {  	s21 =	smul.u32 $0xA00, s22;
	s22 =	simm.s32 $0x2;
	[dreg:$0x8] =	wrdreg s14  }
0x1d: {  	[dreg:$0x9] =	wrdreg s10;
	s14 =	sadd.s32 $0x4E00, s0;
	s10 =	sshrl.u32 s17, $0x3  }
0x1e: {  	s17 =	sadd.s32 s12, s2;
	s12 =	sadd.s32 s15, s11;
	s8 =	sadd.s32 s15, s20  }
0x1f: {  	s24 =	sshrl.u32 s18, $0x3;
	s25 =	sshrl.u32 s19, $0x3;
	[dreg:$0xd] =	wrdreg s12  }
0x20: {  	s19 =	simm.s32 $0x13D00;
	s20 =	simm.s32 $0x1;
	[dreg:$0xf] =	wrdreg s8  }
0x21: {  	s11 =	simm.s32 $0x13C80;
	s18 =	simm.s32 $0x0;
	[dreg:$0x12] =	wrdreg s24  }
.Ltmp0:
0x22: {  	s0 =	sadd.s32 s10, s15;
	[dreg:$0x13] =	wrdreg s25;
	(pc) =	sbr.rel .LBB2_1-.Ltmp0, $4  }
0x23: {  	s26 =	sadd.s32 s14, s21;
	s29 =	sadd.s32 s15, s21;
	s12 =	simm.s32 $0x13E00  }
0x24: {  	s10 =	simm.s32 $0x13C00;
	s0 =	sadd.s32 $0x20, s0;
	[dreg:$0x14] =	wrdreg s26  }
0x25: {  	s8 =	sadd.s32 $0x40, s29;
	[dreg:$0xe] =	wrdreg s0;
	s0 =	sshrl.u32 s13, $0x3  }
0x26: {  	v0 =	vimm.f32 $0.0e+00;
	s13 =	simm.s32 $0x5;
	[dreg:$0x10] =	wrdreg s0;
	s0 =	sadd.s32 $0xC000, s16  }
.LBB2_14:
0x27: {  	_ =	swait.ge [sflag:s6], $0x4000  }
0x28: {  	[sflag:s6] =	ssyncset.done $0x0  }
0x29: {  	[sflag:s6] =	ssyncadd.s32 $0xFFFFC000  }
0x2a: {  	_ =	swait.ge [sflag:s9], $0x4000  }
0x2b: {  	[sflag:s9] =	ssyncset.done $0x0  }
0x2c: {  	[sflag:s9] =	ssyncadd.s32 $0xFFFFC000  }
0x2d: {  	s23 =	stileid.u32;
	[bflag:$0x0] =	sbarrier.arrive $0xFFFF  }
0x2e: {  	s23 =	sshll.u32 s23, $0x6;
	s24 =	rddreg [dreg:$0x5]  }
0x2f: {  	s23 =	sor.u32 $0x1C05, s23;
	s25 =	rddreg [dreg:$0x10]  }
0x30: {  	[hbm:s24], [sflag:s23] =	dma.local [spmem:s25], $0x800  }
0x31: {  	_ =	swait.ge [sflag:s13], $0x800  }
0x32: {  	[sflag:s13] =	ssyncset.done $0x0;
	s25 =	rddreg [dreg:$0x7]  }
0x33: {  	s26 =	rddreg [dreg:$0x11];
	[sflag:s13] =	ssyncadd.s32 $0xFFFFF800  }
0x34: {  	[hbm:s25], [sflag:s23] =	dma.local [spmem:s26], $0x800  }
0x35: {  	_ =	swait.ge [sflag:s13], $0x800  }
0x36: {  	[sflag:s13] =	ssyncset.done $0x0;
	s25 =	rddreg [dreg:$0x8]  }
0x37: {  	s26 =	rddreg [dreg:$0x12];
	[sflag:s13] =	ssyncadd.s32 $0xFFFFF800  }
0x38: {  	[hbm:s25], [sflag:s23] =	dma.local [spmem:s26], $0x800  }
0x39: {  	_ =	swait.ge [sflag:s13], $0x800  }
0x3a: {  	[sflag:s13] =	ssyncset.done $0x0;
	s25 =	rddreg [dreg:$0x9]  }
0x3b: {  	s26 =	rddreg [dreg:$0x13];
	[sflag:s13] =	ssyncadd.s32 $0xFFFFF800  }
0x3c: {  	[hbm:s25], [sflag:s23] =	dma.local [spmem:s26], $0x800  }
0x3d: {  	_ =	swait.ge [sflag:s13], $0x800  }
0x3e: {  	[sflag:s13] =	ssyncset.done $0x0  }
0x3f: {  	s25 =	sshrl.u32 s17, $0x3;
	s26 =	rddreg [dreg:$0x4];
	[sflag:s13] =	ssyncadd.s32 $0xFFFFF800  }
0x40: {  	[hbm:s26], [sflag:s23] =	dma.local [spmem:s25], $0x780  }
0x41: {  	_ =	swait.ge [sflag:s13], $0x780  }
0x42: {  	s18 =	sadd.s32 $0x1, s18;
	s26 =	rddreg [dreg:$0xc]  }
0x43: {  	p1 =	sne.s32 s18, s26  }
.Ltmp1:
0x44: {  	_ = 	snop;
	(pc) =	sbr.rel @!p1 .LBB2_15-.Ltmp1, $3  }
0x45: {  	_ =	sdelay $0x1  }
0x46: {  	[sflag:s13] =	ssyncset.done $0x0  }
0x47: {  	[sflag:s13] =	ssyncadd.s32 $0xFFFFF880  }
.LBB2_1:
0x48: {  	s23 =	simm.s32 $0x0;
	s24 =	simm.s32 $0x200  }
.LBB2_2:
0x49: {  	p1 =	sne.s32 s24, $0xFE00;
	[tilespmem:s23+$0x13E70] =	vst v0  }
0x4a: {  	[tilespmem:s23+$0x13E00] =	vst v0  }
0x4b: {  	[tilespmem:s23+$0x13E10] =	vst v0  }
.Ltmp2:
0x4c: {  	[tilespmem:s23+$0x13E20] =	vst v0;
	(pc) =	sbr.rel @p1 .LBB2_2-.Ltmp2, $4  }
0x4d: {  	[tilespmem:s23+$0x13E30] =	vst v0  }
0x4e: {  	[tilespmem:s23+$0x13E40] =	vst v0  }
0x4f: {  	[tilespmem:s23+$0x13E50] =	vst v0  }
0x50: {  	[tilespmem:s23+$0x13E60] =	vst v0;
	s23 =	sshra.s32 s24, $0x2;
	s24 =	sadd.s32 $0x200, s24  }
0x51: {  	[tilespmem:s23+$0x13E70] =	vst v0  }
0x52: {  	[tilespmem:s23+$0x13E00] =	vst v0  }
0x53: {  	[tilespmem:s23+$0x13E10] =	vst v0  }
0x54: {  	[tilespmem:s23+$0x13E20] =	vst v0  }
0x55: {  	[tilespmem:s23+$0x13E30] =	vst v0  }
0x56: {  	[tilespmem:s23+$0x13E40] =	vst v0  }
0x57: {  	[tilespmem:s23+$0x13E50] =	vst v0  }
0x58: {  	[tilespmem:s23+$0x13E60] =	vst v0  }
0x59: {  	[spmem:s16] =	stream.linear.scatter [tilespmem:s12], [sflag:$0x5], $0x4000, $0x38;
	[tilespmem:$0x1BE00] =	vst v63  }
0x5a: {  	_ =	swait.ge [sflag:s13], $0x4000  }
0x5b: {  	[sflag:s13] =	ssyncset.done $0x0  }
0x5c: {  	[sflag:s13] =	ssyncadd.s32 $0xFFFFC000  }
0x5d: {  	[spmem:s30] =	stream.linear.scatter [tilespmem:s12], [sflag:$0x5], $0x4000, $0x38;
	[tilespmem:$0x1BE00] =	vst v63  }
0x5e: {  	_ =	swait.ge [sflag:s13], $0x4000  }
0x5f: {  	[sflag:s13] =	ssyncset.done $0x0  }
0x60: {  	[sflag:s13] =	ssyncadd.s32 $0xFFFFC000  }
0x61: {  	[spmem:s31] =	stream.linear.scatter [tilespmem:s12], [sflag:$0x5], $0x4000, $0x38;
	[tilespmem:$0x1BE00] =	vst v63  }
0x62: {  	_ =	swait.ge [sflag:s13], $0x4000  }
0x63: {  	[sflag:s13] =	ssyncset.done $0x0  }
0x64: {  	[sflag:s13] =	ssyncadd.s32 $0xFFFFC000  }
0x65: {  	[spmem:s0] =	stream.linear.scatter [tilespmem:s12], [sflag:$0x5], $0x4000, $0x38;
	[tilespmem:$0x1BE00] =	vst v63  }
0x66: {  	_ =	swait.ge [sflag:s13], $0x4000  }
0x67: {  	[sflag:s13] =	ssyncset.done $0x0  }
0x68: {  	[sflag:s13] =	ssyncadd.s32 $0xFFFFC000  }
0x69: {  	[spmem:s17] =	stream.linear.scatter [tilespmem:s12], [sflag:$0x5], $0x3C00, $0x38;
	[tilespmem:$0x1BE00] =	vst v63  }
.Ltmp3:
0x6a: {  	_ =	swait.ge [sflag:s13], $0x3C00;
	(pc) =	sbr.rel @!p0 .LBB2_4-.Ltmp3, $4  }
0x6b: {  	[sflag:s13] =	ssyncset.done $0x0  }
0x6c: {  	[sflag:s13] =	ssyncadd.s32 $0xFFFFC400  }
0x6d: {  	[bflag:$0x0] =	sbarrier.arrive $0xFFFF  }
0x6e: {  	s23 =	simm.s32 $0x0  }
0x6f: {  	[tilespmem:s19], [sflag:$0x1] =	stream.linear.gather [hbm4b:s29+s23], $0x80, $0x38;
	[tilespmem:$0x1BE00] =	vst v63  }
0x70: {  	_ =	swait.ge [sflag:s20], $0x80  }
0x71: {  	[sflag:s20] =	ssyncset.done $0x0  }
0x72: {  	s24 =	rddreg [dreg:$0xd];
	[sflag:s20] =	ssyncadd.s32 $0xFFFFFF80  }
0x73: {  	[tilespmem:s3], [sflag:$0x1] =	stream.linear.gather [hbm4b:s24+s23], $0x80, $0x38;
	[tilespmem:$0x1BE00] =	vst v63  }
0x74: {  	_ = 	snop  }
0x75: {  	[tilespmem:s12], [sflag:$0x2] =	stream.linear.gather [hbm4b:s7+s23], $0x4000, $0x38;
	[tilespmem:$0x1BE00] =	vst v63  }
0x76: {  	_ =	swait.ge [sflag:s22], $0x4000  }
0x77: {  	[sflag:s22] =	ssyncset.done $0x0  }
0x78: {  	[sflag:s22] =	ssyncadd.s32 $0xFFFFC000  }
0x79: {  	[spmem:s2] =	stream.indirect.scatter.add.f32 [tilespmem:s12], [sflag:$0x3], $0x80, s19, s28, $0xb8;
	[tilespmem:$0x1BE00] =	vst v63  }
0x7a: {  	_ =	swait.ge [sflag:s20], $0x80  }
0x7b: {  	[sflag:s20] =	ssyncset.done $0x0  }
0x7c: {  	s25 =	rddreg [dreg:$0x6];
	[sflag:s20] =	ssyncadd.s32 $0xFFFFFF80  }
0x7d: {  	[tilespmem:s5], [sflag:$0x2] =	stream.linear.gather [hbm4b:s25+s23], $0x4000, $0x38;
	[tilespmem:$0x1BE00] =	vst v63  }
0x7e: {  	s26 =	rddreg [dreg:$0xe]  }
0x7f: {  	[tilespmem:s19], [sflag:$0x1] =	stream.linear.gather [hbm4b:s26+s23], $0x80, $0x38;
	[tilespmem:$0x1BE00] =	vst v63  }
0x80: {  	_ =	swait.ge [sflag:s22], $0x4000  }
0x81: {  	[sflag:s22] =	ssyncset.done $0x0  }
0x82: {  	[sflag:s22] =	ssyncadd.s32 $0xFFFFC000  }
0x83: {  	[spmem:s2] =	stream.indirect.scatter.add.f32 [tilespmem:s5], [sflag:$0x4], $0x80, s3, s28, $0xb8;
	[tilespmem:$0x1BE00] =	vst v63  }
0x84: {  	_ =	swait.ge [sflag:s20], $0x80  }
0x85: {  	[sflag:s20] =	ssyncset.done $0x0  }
0x86: {  	s24 =	sadd.s32 $0xFFFFFFF0, s8;
	[sflag:s20] =	ssyncadd.s32 $0xFFFFFF80  }
0x87: {  	[tilespmem:s3], [sflag:$0x1] =	stream.linear.gather [hbm4b:s24+s4], $0x80, $0x38;
	[tilespmem:$0x1BE00] =	vst v63  }
0x88: {  	_ =	swait.ge [sflag:s6], $0x4000  }
0x89: {  	s25 =	sadd.s32 $0x0, s7;
	[sflag:s6] =	ssyncset.done $0x0  }
0x8a: {  	s26 =	sadd.s32 $0x1000, s25;
	[sflag:s6] =	ssyncadd.s32 $0xFFFFC000  }
0x8b: {  	[tilespmem:s12], [sflag:$0x2] =	stream.linear.gather [hbm4b:s26+s4], $0x4000, $0x38;
	[tilespmem:$0x1BE00] =	vst v63  }
0x8c: {  	_ =	swait.ge [sflag:s22], $0x4000  }
0x8d: {  	[sflag:s22] =	ssyncset.done $0x0  }
0x8e: {  	[sflag:s22] =	ssyncadd.s32 $0xFFFFC000  }
0x8f: {  	[spmem:s2] =	stream.indirect.scatter.add.f32 [tilespmem:s12], [sflag:$0x3], $0x80, s19, s28, $0xb8;
	[tilespmem:$0x1BE00] =	vst v63  }
0x90: {  	_ =	swait.ge [sflag:s20], $0x80  }
0x91: {  	[sflag:s20] =	ssyncset.done $0x0  }
0x92: {  	[sflag:s20] =	ssyncadd.s32 $0xFFFFFF80  }
0x93: {  	_ =	swait.ge [sflag:s9], $0x4000  }
0x94: {  	[sflag:s9] =	ssyncset.done $0x0  }
0x95: {  	s23 =	sadd.s32 $0x1800, s25;
	[sflag:s9] =	ssyncadd.s32 $0xFFFFC000  }
0x96: {  	[tilespmem:s5], [sflag:$0x2] =	stream.linear.gather [hbm4b:s23+s4], $0x4000, $0x38;
	[tilespmem:$0x1BE00] =	vst v63  }
0x97: {  	_ = 	snop  }
0x98: {  	[tilespmem:s19], [sflag:$0x1] =	stream.linear.gather [hbm4b:s8+s4], $0x80, $0x38;
	[tilespmem:$0x1BE00] =	vst v63  }
0x99: {  	_ =	swait.ge [sflag:s22], $0x4000  }
0x9a: {  	[sflag:s22] =	ssyncset.done $0x0  }
0x9b: {  	s24 =	sadd.s32 $0x20, s8;
	s23 =	simm.s32 $0x1000;
	[sflag:s22] =	ssyncadd.s32 $0xFFFFC000  }
.LBB2_12:
0x9c: {  	[spmem:s2] =	stream.indirect.scatter.add.f32 [tilespmem:s5], [sflag:$0x4], $0x80, s3, s28, $0xb8;
	[tilespmem:$0x1BE00] =	vst v63  }
0x9d: {  	s25 =	smov.u32 s23  }
0x9e: {  	p1 =	sne.s32 s23, $0x4D000;
	s23 =	sadd.s32 $0x1000, s23;
	_ =	swait.ge [sflag:s20], $0x80  }
0x9f: {  	[sflag:s20] =	ssyncset.done $0x0  }
0xa0: {  	s26 =	sadd.s32 $0xFFFFFFF0, s24;
	[sflag:s20] =	ssyncadd.s32 $0xFFFFFF80  }
0xa1: {  	[tilespmem:s3], [sflag:$0x1] =	stream.linear.gather [hbm4b:s26+s4], $0x80, $0x38;
	[tilespmem:$0x1BE00] =	vst v63  }
0xa2: {  	_ =	swait.ge [sflag:s6], $0x4000  }
0xa3: {  	s25 =	sadd.s32 s25, s7;
	[sflag:s6] =	ssyncset.done $0x0  }
0xa4: {  	s26 =	sadd.s32 $0x1000, s25;
	[sflag:s6] =	ssyncadd.s32 $0xFFFFC000  }
0xa5: {  	[tilespmem:s12], [sflag:$0x2] =	stream.linear.gather [hbm4b:s26+s4], $0x4000, $0x38;
	[tilespmem:$0x1BE00] =	vst v63  }
0xa6: {  	_ =	swait.ge [sflag:s22], $0x4000  }
0xa7: {  	[sflag:s22] =	ssyncset.done $0x0  }
0xa8: {  	[sflag:s22] =	ssyncadd.s32 $0xFFFFC000  }
0xa9: {  	[spmem:s2] =	stream.indirect.scatter.add.f32 [tilespmem:s12], [sflag:$0x3], $0x80, s19, s28, $0xb8;
	[tilespmem:$0x1BE00] =	vst v63  }
0xaa: {  	_ =	swait.ge [sflag:s20], $0x80  }
0xab: {  	[sflag:s20] =	ssyncset.done $0x0  }
0xac: {  	[sflag:s20] =	ssyncadd.s32 $0xFFFFFF80  }
0xad: {  	_ =	swait.ge [sflag:s9], $0x4000  }
0xae: {  	[sflag:s9] =	ssyncset.done $0x0  }
0xaf: {  	s25 =	sadd.s32 $0x1800, s25;
	[sflag:s9] =	ssyncadd.s32 $0xFFFFC000  }
0xb0: {  	[tilespmem:s5], [sflag:$0x2] =	stream.linear.gather [hbm4b:s25+s4], $0x4000, $0x38;
	[tilespmem:$0x1BE00] =	vst v63  }
.Ltmp4:
0xb1: {  	(pc) =	sbr.rel @p1 .LBB2_12-.Ltmp4, $4  }
0xb2: {  	[tilespmem:s19], [sflag:$0x1] =	stream.linear.gather [hbm4b:s24+s4], $0x80, $0x38;
	[tilespmem:$0x1BE00] =	vst v63  }
0xb3: {  	_ =	swait.ge [sflag:s22], $0x4000  }
0xb4: {  	[sflag:s22] =	ssyncset.done $0x0  }
0xb5: {  	s24 =	sadd.s32 $0x20, s24;
	[sflag:s22] =	ssyncadd.s32 $0xFFFFC000  }
0xb6: {  	[spmem:s2] =	stream.indirect.scatter.add.f32 [tilespmem:s5], [sflag:$0x4], $0x80, s3, s28, $0xb8;
	[tilespmem:$0x1BE00] =	vst v63  }
0xb7: {  	_ =	swait.ge [sflag:s20], $0x80  }
0xb8: {  	[sflag:s20] =	ssyncset.done $0x0  }
0xb9: {  	s23 =	rddreg [dreg:$0xf];
	[sflag:s20] =	ssyncadd.s32 $0xFFFFFF80  }
0xba: {  	[tilespmem:s3], [sflag:$0x1] =	stream.linear.gather [hbm4b:s23+s4], $0x80, $0x38;
	[tilespmem:$0x1BE00] =	vst v63  }
0xbb: {  	_ =	swait.ge [sflag:s6], $0x4000  }
0xbc: {  	[sflag:s6] =	ssyncset.done $0x0  }
0xbd: {  	s25 =	rddreg [dreg:$0xa];
	[sflag:s6] =	ssyncadd.s32 $0xFFFFC000  }
0xbe: {  	[tilespmem:s12], [sflag:$0x2] =	stream.linear.gather [hbm4b:s25+s4], $0x4000, $0x38;
	[tilespmem:$0x1BE00] =	vst v63  }
0xbf: {  	_ =	swait.ge [sflag:s22], $0x4000  }
0xc0: {  	[sflag:s22] =	ssyncset.done $0x0  }
0xc1: {  	[sflag:s22] =	ssyncadd.s32 $0xFFFFC000  }
0xc2: {  	[spmem:s2] =	stream.indirect.scatter.add.f32 [tilespmem:s12], [sflag:$0x3], $0x80, s19, s28, $0xb8;
	[tilespmem:$0x1BE00] =	vst v63  }
0xc3: {  	_ =	swait.ge [sflag:s20], $0x80  }
0xc4: {  	[sflag:s20] =	ssyncset.done $0x0  }
0xc5: {  	[sflag:s20] =	ssyncadd.s32 $0xFFFFFF80  }
0xc6: {  	_ =	swait.ge [sflag:s9], $0x4000  }
0xc7: {  	[sflag:s9] =	ssyncset.done $0x0  }
0xc8: {  	s26 =	rddreg [dreg:$0xb];
	[sflag:s9] =	ssyncadd.s32 $0xFFFFC000  }
0xc9: {  	[tilespmem:s5], [sflag:$0x2] =	stream.linear.gather [hbm4b:s26+s4], $0x4000, $0x38;
	[tilespmem:$0x1BE00] =	vst v63  }
.Ltmp5:
0xca: {  	_ = 	snop;
	(pc) =	sbr.rel .LBB2_14-.Ltmp5, $4  }
0xcb: {  	_ =	swait.ge [sflag:s22], $0x4000  }
0xcc: {  	[sflag:s22] =	ssyncset.done $0x0  }
0xcd: {  	[sflag:s22] =	ssyncadd.s32 $0xFFFFC000  }
0xce: {  	[spmem:s2] =	stream.indirect.scatter.add.f32 [tilespmem:s5], [sflag:$0x4], $0x80, s3, s28, $0xb8;
	[tilespmem:$0x1BE00] =	vst v63  }
.LBB2_4:
.Ltmp6:
0xcf: {  	(pc) =	sbr.rel .LBB2_5-.Ltmp6, $4  }
0xd0: {  	s24 =	rddreg [dreg:$0x14]  }
0xd1: {  	[tilespmem:s10], [sflag:$0x1] =	stream.linear.gather [hbm4b:s24+s23], $0x80, $0x38;
	[tilespmem:$0x1BE00] =	vst v63  }
0xd2: {  	_ = 	snop  }
0xd3: {  	[tilespmem:s19], [sflag:$0x1] =	stream.linear.gather [hbm4b:s29+s23], $0x80, $0x38;
	[tilespmem:$0x1BE00] =	vst v63  }
.LBB2_6:
0xd4: {  	[tilespmem:s5], [sflag:$0x2] =	stream.indirect.gather [hbm4b:s1+s28], $0x80, s11, s28, $0xb8;
	[tilespmem:$0x1BE00] =	vst v63  }
0xd5: {  	s25 =	simm.s32 $0x1  }
.LBB2_9:
0xd6: {  	s23 =	sadd.s32 $0x20, s24  }
0xd7: {  	s24 =	sadd.s32 s14, s23  }
0xd8: {  	[tilespmem:s10], [sflag:$0x1] =	stream.linear.gather [hbm4b:s24+s4], $0x80, $0x38;
	[tilespmem:$0x1BE00] =	vst v63  }
0xd9: {  	s23 =	sadd.s32 s15, s23  }
0xda: {  	[tilespmem:s19], [sflag:$0x1] =	stream.linear.gather [hbm4b:s23+s4], $0x80, $0x38;
	[tilespmem:$0x1BE00] =	vst v63  }
.LBB2_10:
0xdb: {  	p1 =	slt.u32 s25, $0x50  }
.Ltmp7:
0xdc: {  	_ = 	snop;
	(pc) =	sbr.rel @!p1 .LBB2_14-.Ltmp7, $4  }
0xdd: {  	_ =	swait.ge [sflag:s22], $0x4000  }
0xde: {  	[sflag:s22] =	ssyncset.done $0x0  }
0xdf: {  	s23 =	smov.u32 s25;
	[sflag:s22] =	ssyncadd.s32 $0xFFFFC000  }
0xe0: {  	[spmem:s2] =	stream.indirect.scatter.add.f32 [tilespmem:s5], [sflag:$0x4], $0x80, s3, s28, $0xb8;
	[tilespmem:$0x1BE00] =	vst v63  }
.LBB2_5:
0xe1: {  	_ =	swait.ge [sflag:s20], $0x80  }
0xe2: {  	[sflag:s20] =	ssyncset.done $0x0  }
0xe3: {  	s24 =	sshll.u32 s23, $0x5;
	[sflag:s20] =	ssyncadd.s32 $0xFFFFFF80  }
0xe4: {  	s24 =	sadd.s32 s21, s24;
	_ =	swait.ge [sflag:s20], $0x80  }
0xe5: {  	s25 =	sor.u32 $0x10, s24;
	[sflag:s20] =	ssyncset.done $0x0  }
0xe6: {  	s26 =	sadd.s32 s14, s25;
	[sflag:s20] =	ssyncadd.s32 $0xFFFFFF80  }
0xe7: {  	[tilespmem:s11], [sflag:$0x1] =	stream.linear.gather [hbm4b:s26+s4], $0x80, $0x38;
	[tilespmem:$0x1BE00] =	vst v63  }
0xe8: {  	p1 =	seq.s32 s23, $0x0;
	s25 =	sadd.s32 s15, s25  }
0xe9: {  	[tilespmem:s3], [sflag:$0x1] =	stream.linear.gather [hbm4b:s25+s4], $0x80, $0x38;
	[tilespmem:$0x1BE00] =	vst v63  }
0xea: {  	s25 =	simm.s32 @!p1 $0x3  }
0xeb: {  	_ =	swait.ge @!p1 [sflag:s25], $0x4000  }
0xec: {  	[sflag:s25] =	ssyncset.done @!p1 $0x0  }
0xed: {  	[sflag:s25] =	ssyncadd.s32 @!p1 $0xFFFFC000  }
0xee: {  	[tilespmem:s12], [sflag:$0x2] =	stream.indirect.gather [hbm4b:s1+s28], $0x80, s10, s28, $0xb8;
	[tilespmem:$0x1BE00] =	vst v63  }
0xef: {  	_ =	swait.ge [sflag:s22], $0x4000  }
0xf0: {  	[sflag:s22] =	ssyncset.done $0x0  }
0xf1: {  	[sflag:s22] =	ssyncadd.s32 $0xFFFFC000  }
0xf2: {  	[spmem:s2] =	stream.indirect.scatter.add.f32 [tilespmem:s12], [sflag:$0x3], $0x80, s19, s28, $0xb8;
	[tilespmem:$0x1BE00] =	vst v63  }
0xf3: {  	p1 =	sne.s32 s23, $0x0;
	_ =	swait.ge [sflag:s20], $0x80  }
.Ltmp8:
0xf4: {  	[sflag:s20] =	ssyncset.done $0x0;
	(pc) =	sbr.rel @!p1 .LBB2_6-.Ltmp8, $4  }
0xf5: {  	[sflag:s20] =	ssyncadd.s32 $0xFFFFFF80  }
0xf6: {  	_ =	swait.ge [sflag:s20], $0x80  }
0xf7: {  	[sflag:s20] =	ssyncset.done $0x0  }
0xf8: {  	[sflag:s20] =	ssyncadd.s32 $0xFFFFFF80  }
0xf9: {  	p1 =	seq.s32 s23, $0x4F  }
.Ltmp9:
0xfa: {  	_ = 	snop;
	(pc) =	sbr.rel @p1 .LBB2_10-.Ltmp9, $4  }
0xfb: {  	_ =	swait.ge [sflag:s9], $0x4000  }
0xfc: {  	[sflag:s9] =	ssyncset.done $0x0  }
0xfd: {  	s25 =	simm.s32 $0x50;
	[sflag:s9] =	ssyncadd.s32 $0xFFFFC000  }
0xfe: {  	[tilespmem:s5], [sflag:$0x2] =	stream.indirect.gather [hbm4b:s1+s28], $0x80, s11, s28, $0xb8;
	[tilespmem:$0x1BE00] =	vst v63  }
.Ltmp10:
0xff: {  	(pc) =	sbr.rel .LBB2_9-.Ltmp10, $2  }
0x100: {  	_ =	sdelay $0x2  }
0x101: {  	s25 =	sadd.s32 $0x1, s23  }
.LBB2_15:
0x102: {  	_ =	sfence.sel $0x180000  }
0x103: {  	[bflag:$0x0] =	sbarrier.arrive $0xFFFF  }
0x104: {  	_ =	strace $0x90000047  }
0x105: {  	s0 =	stileid.u32;
	[bflag:$0x2] =	sbarrier.arrive $0xFFFF  }
0x106: {  	p0 =	sne.s32 s0, $0x0;
	s0 =	rddreg [dreg:$0x3]  }
0x107: {  	s0 =	sadd.s32 @!p0 $0x100000, s0  }
0x108: {  	[sflag:s0] =	ssyncadd.tile.s32 @!p0 $0x1;
	_ =	shalt  }
.Lfunc_end2:
_tile_overlayer_lowered:
.L_overlay_start_2:
0x109: {  	(tag) =	ssettag $0x2  }
0x10a: {  	s0 =	rddreg [dreg:$0x0];
	s2 =	stileid.u32  }
0x10b: {  	s1 =	rddreg [dreg:$0x1];
	p0 =	sne.s32 s2, $0x0  }
0x10c: {  	s3 =	rddreg [dreg:$0x2];
	[bflag:$0x3] =	sbarrier.arrive $0xFFFF;
	s2 =	simm.s32 @!p0 $0x1C05  }
0x10d: {  	[timem:s3], [sflag:s2] =	dma.local @!p0 [hbm:s0], s1  }
0x10e: {  	s0 =	simm.s32 @!p0 $0x5  }
0x10f: {  	_ =	swait.ge @!p0 [sflag:s0], s1  }
0x110: {  	s1 =	ssub.s32 @!p0 $0x0, s1;
	[sflag:s0] =	ssyncset.done @!p0 $0x0  }
0x111: {  	[sflag:s0] =	ssyncadd.s32 @!p0 s1  }
0x112: {  	[bflag:$0x3] =	sbarrier.arrive $0xFFFF  }
0x113: {  	_ =	shalt  }

</sc_bundles>
